<compile_context>
chip_gen: v7x
topology: tpu7x:2x2x1
jax: 0.10.2.dev20260603
libtpu: 0.0.44.dev20260713+nightly
codegen_flags: <defaults>
</compile_context>

<pallas_src>
import dataclasses
import functools

import jax
import jax.numpy as jnp
from jax import lax
from jax.experimental import pallas as pl
from jax.experimental.pallas import tpu as pltpu
from jax.experimental.pallas import tpu_sc as plsc

N0, N1, N2 = 10000, 4096, 1024
E0, E1 = 320000, 131072
D = 128
NC, NS = 2, 16
NW = NC * NS
C = 128
NB = 4
PAD = 128

NCH0 = 80
NCH1 = 32


def _make_sc_agg(n_tgt, n_chunks):
    ntp = n_tgt + PAD
    per_w = n_chunks * C
    rows_per = ntp // NS
    assert rows_per * NS == ntp and rows_per % 8 == 0
    assert n_chunks % NB == 0 and n_chunks >= 2 * NB
    mesh = plsc.VectorSubcoreMesh(core_axis_name="c", subcore_axis_name="s")
    cp = pltpu.CompilerParams()
    if "needs_layout_passes" in pltpu.CompilerParams.__dataclass_fields__:
        cp = dataclasses.replace(cp, needs_layout_passes=False)

    @functools.partial(
        pl.kernel,
        compiler_params=cp,
        out_type=(jax.ShapeDtypeStruct((NC, ntp, D), jnp.float32),
                  jax.ShapeDtypeStruct((NC * ntp,), jnp.float32)),
        mesh=mesh,
        scratch_types=[
            pltpu.VMEM((per_w,), jnp.int32),
            pltpu.VMEM((n_chunks, C), jnp.int32),
            pltpu.VMEM((C, D), jnp.float32),
            pltpu.VMEM((C, D), jnp.float32),
            pltpu.VMEM((C, D), jnp.float32),
            pltpu.VMEM((C, D), jnp.float32),
            pltpu.VMEM((C,), jnp.float32),
            pltpu.VMEM((rows_per,), jnp.float32),
            pltpu.VMEM_SHARED((ntp, D), jnp.float32),
            pltpu.VMEM_SHARED((ntp,), jnp.float32),
        ] + [pltpu.SemaphoreType.DMA] * (3 * NB),
    )
    def agg(x_hbm, src_hbm, dst_hbm, zs_hbm, zc_hbm, on_hbm,
            sum_hbm, cnt_hbm,
            src_v, dst_v, r0_v, r1_v, r2_v, r3_v, on_v, zst_v, acc_sh, cnt_sh,
            *sems):
        rows = (r0_v, r1_v, r2_v, r3_v)
        gsem = sems[0:NB]
        ssem = sems[NB:2 * NB]
        csem = sems[2 * NB:3 * NB]
        c = lax.axis_index("c")
        s = lax.axis_index("s")
        wid = c * NS + s

        def issue_gather(j, b):
            pltpu.async_copy(x_hbm.at[src_v.at[pl.ds(j * C, C)]],
                             rows[b], gsem[b])

        def wait_gather(j, b):
            pltpu.make_async_copy(x_hbm.at[src_v.at[pl.ds(j * C, C)]],
                                  rows[b], gsem[b]).wait()

        r0 = s * rows_per
        pltpu.async_copy(src_hbm.at[pl.ds(wid * per_w, per_w)], src_v,
                         gsem[0])
        pltpu.async_copy(dst_hbm.at[pl.ds(wid * n_chunks, n_chunks)], dst_v,
                         gsem[1])
        pltpu.async_copy(on_hbm, on_v, csem[0])
        pltpu.async_copy(zs_hbm.at[pl.ds(r0, rows_per)],
                         acc_sh.at[pl.ds(r0, rows_per)], ssem[0])
        pltpu.make_async_copy(src_hbm.at[pl.ds(wid * per_w, per_w)], src_v,
                              gsem[0]).wait()
        issue_gather(0, 0)
        issue_gather(1, 1)
        pltpu.make_async_copy(dst_hbm.at[pl.ds(wid * n_chunks, n_chunks)],
                              dst_v, gsem[1]).wait()
        pltpu.make_async_copy(on_hbm, on_v, csem[0]).wait()
        pltpu.make_async_copy(zs_hbm.at[pl.ds(r0, rows_per)],
                              acc_sh.at[pl.ds(r0, rows_per)], ssem[0]).wait()
        pltpu.sync_copy(zc_hbm.at[pl.ds(r0, rows_per)], zst_v)
        pltpu.sync_copy(zst_v, cnt_sh.at[pl.ds(r0, rows_per)])
        plsc.subcore_barrier()

        def issue_scatter(j, b):
            pltpu.async_copy(rows[b], acc_sh.at[dst_v.at[j]], ssem[b],
                             add=True)
            pltpu.async_copy(on_v, cnt_sh.at[dst_v.at[j]], csem[b],
                             add=True)

        def wait_scatter(j, b):
            pltpu.make_async_copy(rows[b], acc_sh.at[dst_v.at[j]],
                                  ssem[b]).wait()
            pltpu.make_async_copy(on_v, cnt_sh.at[dst_v.at[j]],
                                  csem[b]).wait()


        for b in range(NB):
            j = b
            if j >= 2:
                wait_scatter(j - 2, (b + 2) % NB)
            issue_gather(j + 2, (b + 2) % NB)
            wait_gather(j, b)
            issue_scatter(j, b)

        @pl.loop(1, n_chunks // NB - 1)
        def _(k):
            j0 = k * NB
            for b in range(NB):
                j = j0 + b
                wait_scatter(j - 2, (b + 2) % NB)
                issue_gather(j + 2, (b + 2) % NB)
                wait_gather(j, b)
                issue_scatter(j, b)

        for b in range(NB):
            j = n_chunks - NB + b
            if b < 2:
                wait_scatter(j - 2, (b + 2) % NB)
                issue_gather(j + 2, (b + 2) % NB)
            wait_gather(j, b)
            issue_scatter(j, b)
        for b in range(NB):
            wait_scatter(n_chunks - NB + b, b)

        plsc.subcore_barrier()
        pltpu.async_copy(acc_sh.at[pl.ds(r0, rows_per)],
                         sum_hbm.at[c, pl.ds(r0, rows_per)], ssem[0])
        pltpu.sync_copy(cnt_sh.at[pl.ds(r0, rows_per)], zst_v)
        pltpu.sync_copy(zst_v, cnt_hbm.at[pl.ds(c * ntp + r0, rows_per)])
        pltpu.make_async_copy(acc_sh.at[pl.ds(r0, rows_per)],
                              sum_hbm.at[c, pl.ds(r0, rows_per)],
                              ssem[0]).wait()

    return agg


def _dense_body(relu, logsm):
    def body(s_ref, c_ref, xt_ref, wl_ref, wr_ref, b_ref, o_ref):
        ssum = s_ref[0] + s_ref[1]
        cnt_bcast = lax.dot_general(
            c_ref[...], jnp.ones((NC, D), jnp.float32),
            (((0,), (0,)), ((), ())),
            preferred_element_type=jnp.float32,
            precision=lax.Precision.HIGHEST)
        mean = ssum / jnp.maximum(cnt_bcast, 1.0)

        def mm_t(a, w):
            a_hi = a.astype(jnp.bfloat16)
            a_lo = (a - a_hi.astype(jnp.float32)).astype(jnp.bfloat16)
            w_hi = w.astype(jnp.bfloat16)
            w_lo = (w - w_hi.astype(jnp.float32)).astype(jnp.bfloat16)
            dn = (((1,), (1,)), ((), ()))
            out = lax.dot_general(a_hi, w_hi, dn,
                                  preferred_element_type=jnp.float32)
            out += lax.dot_general(a_lo, w_hi, dn,
                                   preferred_element_type=jnp.float32)
            out += lax.dot_general(a_hi, w_lo, dn,
                                   preferred_element_type=jnp.float32)
            return out

        z = mm_t(mean, wl_ref[...]) + mm_t(xt_ref[...], wr_ref[...])
        z += b_ref[...]
        if relu:
            z = jnp.maximum(z, 0.0)
        if logsm:
            m = jnp.max(z, axis=-1, keepdims=True)
            z = z - m - jnp.log(jnp.sum(jnp.exp(z - m), axis=-1, keepdims=True))
        o_ref[...] = z
    return body


def _dense(relu, logsm, n_tgt, sums, cnts, xt, wl, wr, b):
    ntp = n_tgt + PAD
    return pl.pallas_call(
        _dense_body(relu, logsm),
        in_specs=[pl.BlockSpec((NC, n_tgt, D), lambda i: (0, 0, 0)),
                  pl.BlockSpec((NC, n_tgt), lambda i: (0, 0)),
                  pl.BlockSpec((n_tgt, D), lambda i: (0, 0)),
                  pl.BlockSpec((D, D), lambda i: (0, 0)),
                  pl.BlockSpec((D, D), lambda i: (0, 0)),
                  pl.BlockSpec((1, D), lambda i: (0, 0))],
        out_specs=pl.BlockSpec((n_tgt, D), lambda i: (0, 0)),
        out_shape=jax.ShapeDtypeStruct((n_tgt, D), jnp.float32),
        grid=(1,),
    )(sums, cnts.reshape(NC, ntp), xt, wl, wr, b.reshape(1, D))


_agg0 = _make_sc_agg(N1, NCH0)
_agg1 = _make_sc_agg(N2, NCH1)

def _pad_edges(src, dst, n_edges_pad, sentinel):
    pad = n_edges_pad - src.shape[0]
    if pad:
        i = jnp.arange(pad, dtype=jnp.int32)
        src = jnp.concatenate([src, i % jnp.int32(sentinel)])
        dst = jnp.concatenate([dst, sentinel + i % jnp.int32(PAD)])
    return src, dst.reshape(-1, C)


def kernel(x, edge_index0, edge_index1, W_l0, W_r0, b0, W_l1, W_r1, b1):
    src0 = edge_index0[0].astype(jnp.int32)
    dst0 = edge_index0[1].astype(jnp.int32)
    src1 = edge_index1[0].astype(jnp.int32)
    dst1 = edge_index1[1].astype(jnp.int32)

    src0, dst0 = _pad_edges(src0, dst0, NW * NCH0 * C, N1)
    src1, dst1 = _pad_edges(src1, dst1, NW * NCH1 * C, N2)
    ones_c = jnp.ones((C,), jnp.float32)

    zs0 = jnp.zeros((N1 + PAD, D), jnp.float32)
    zc0 = jnp.zeros((N1 + PAD,), jnp.float32)
    sums0, cnts0 = _agg0(x, src0, dst0, zs0, zc0, ones_c)
    h = _dense(True, False, N1, sums0, cnts0, x, W_l0, W_r0, b0)

    zs1 = jnp.zeros((N2 + PAD, D), jnp.float32)
    zc1 = jnp.zeros((N2 + PAD,), jnp.float32)
    sums1, cnts1 = _agg1(h, src1, dst1, zs1, zc1, ones_c)
    out = _dense(False, True, N2, sums1, cnts1, h, W_l1, W_r1, b1)
    return out

# --- scband reference (transcript-rebuilt; emitter-appended) ---
"""Pipeline reference for scband-sage-88347477278829 (READ-ONLY COPY).

The authoritative reference and input builder live on the scoring server;
editing this copy changes nothing except your own understanding.
"""

import jax, jax.numpy as jnp
import numpy as np

N0, N1, N2 = 10000, 4096, 1024
E0, E1 = 320000, 131072
D_IN, D_HID, D_OUT = 128, 128, 128


def setup_inputs(seed: int = 0) -> dict:
    key = jax.random.key(seed)
    ks = jax.random.split(key, 12)
    x = jax.random.normal(ks[0], (N0, D_IN), dtype=jnp.float32)
    src0 = jax.random.randint(ks[1], (E0,), 0, N0)
    dst0 = jax.random.randint(ks[2], (E0,), 0, N1)
    edge_index0 = jnp.stack([src0, dst0], axis=0)
    src1 = jax.random.randint(ks[3], (E1,), 0, N1)
    dst1 = jax.random.randint(ks[4], (E1,), 0, N2)
    edge_index1 = jnp.stack([src1, dst1], axis=0)
    s_in = 1.0 / np.sqrt(D_IN)
    s_hid = 1.0 / np.sqrt(D_HID)
    W_l0 = jax.random.uniform(ks[5], (D_HID, D_IN), jnp.float32, -s_in, s_in)
    W_r0 = jax.random.uniform(ks[6], (D_HID, D_IN), jnp.float32, -s_in, s_in)
    b0 = jax.random.uniform(ks[7], (D_HID,), jnp.float32, -s_in, s_in)
    W_l1 = jax.random.uniform(ks[8], (D_OUT, D_HID), jnp.float32, -s_hid, s_hid)
    W_r1 = jax.random.uniform(ks[9], (D_OUT, D_HID), jnp.float32, -s_hid, s_hid)
    b1 = jax.random.uniform(ks[10], (D_OUT,), jnp.float32, -s_hid, s_hid)
    return {"x": x, "edge_index0": edge_index0, "edge_index1": edge_index1,
            "W_l0": W_l0, "W_r0": W_r0, "b0": b0,
            "W_l1": W_l1, "W_r1": W_r1, "b1": b1}


def _sage_conv(x_src, x_tgt, edge_index, W_l, W_r, b):
    # PyG SAGEConv with mean aggregation on bipartite (x_src, x_tgt):
    #   out = lin_l(mean_{j in N(i)} x_src[j]) + lin_r(x_tgt[i]) + bias
    src = edge_index[0]
    dst = edge_index[1]
    msgs = jnp.take(x_src, src, axis=0)  # gather [E, d]
    n_tgt = x_tgt.shape[0]
    summed = jax.ops.segment_sum(msgs, dst, num_segments=n_tgt)
    cnt = jax.ops.segment_sum(jnp.ones((msgs.shape[0],), dtype=x_src.dtype), dst, num_segments=n_tgt)
    mean = summed / jnp.clip(cnt, 1.0)[:, None]
    return mean @ W_l.T + x_tgt @ W_r.T + b


def reference(x, edge_index0, edge_index1, W_l0, W_r0, b0, W_l1, W_r1, b1):
    # adjs = [(edge_index0, None, (N0, N1)), (edge_index1, None, (N1, N2))]
    x_tgt = x[:N1]
    h = _sage_conv(x, x_tgt, edge_index0, W_l0, W_r0, b0)
    h = jax.nn.relu(h)
    # dropout(p=0.5) skipped: module evaluated with training=False
    h_tgt = h[:N2]
    out = _sage_conv(h, h_tgt, edge_index1, W_l1, W_r1, b1)
    return jax.nn.log_softmax(out, axis=-1)

if __name__ == "__main__":
    import jax
    _d = setup_inputs()
    print(jax.jit(kernel)(*tuple(_d.values())))

</pallas_src>

<mosaic_0001>
#map = affine_map<(d0, d1) -> (0, 0)>
#map1 = affine_map<(d0, d1) -> (0)>
#map2 = affine_map<(d0, d1) -> (0, 0, 0)>
module attributes {stable_mosaic.version = 14 : i64} {
  func.func @agg(%arg0: i32, %arg1: i32, %arg2: memref<4096x128xf32, #tpu.memory_space<hbm>>, %arg3: memref<131072xi32, #tpu.memory_space<hbm>>, %arg4: memref<1024x128xi32, #tpu.memory_space<hbm>>, %arg5: memref<1152x128xf32, #tpu.memory_space<hbm>>, %arg6: memref<1152xf32, #tpu.memory_space<hbm>>, %arg7: memref<128xf32, #tpu.memory_space<hbm>>, %arg8: memref<2x1152x128xf32, #tpu.memory_space<hbm>>, %arg9: memref<2304xf32, #tpu.memory_space<hbm>>, %arg10: memref<4096xi32, #tpu.memory_space<vmem>>, %arg11: memref<32x128xi32, #tpu.memory_space<vmem>>, %arg12: memref<128x128xf32, #tpu.memory_space<vmem>>, %arg13: memref<128x128xf32, #tpu.memory_space<vmem>>, %arg14: memref<128x128xf32, #tpu.memory_space<vmem>>, %arg15: memref<128x128xf32, #tpu.memory_space<vmem>>, %arg16: memref<128xf32, #tpu.memory_space<vmem>>, %arg17: memref<72xf32, #tpu.memory_space<vmem>>, %arg18: memref<1152x128xf32, #tpu.memory_space<vmem_shared>>, %arg19: memref<1152xf32, #tpu.memory_space<vmem_shared>>, %arg20: memref<!tpu.dma_semaphore, #tpu.memory_space<semaphore_mem>>, %arg21: memref<!tpu.dma_semaphore, #tpu.memory_space<semaphore_mem>>, %arg22: memref<!tpu.dma_semaphore, #tpu.memory_space<semaphore_mem>>, %arg23: memref<!tpu.dma_semaphore, #tpu.memory_space<semaphore_mem>>, %arg24: memref<!tpu.dma_semaphore, #tpu.memory_space<semaphore_mem>>, %arg25: memref<!tpu.dma_semaphore, #tpu.memory_space<semaphore_mem>>, %arg26: memref<!tpu.dma_semaphore, #tpu.memory_space<semaphore_mem>>, %arg27: memref<!tpu.dma_semaphore, #tpu.memory_space<semaphore_mem>>, %arg28: memref<!tpu.dma_semaphore, #tpu.memory_space<semaphore_mem>>, %arg29: memref<!tpu.dma_semaphore, #tpu.memory_space<semaphore_mem>>, %arg30: memref<!tpu.dma_semaphore, #tpu.memory_space<semaphore_mem>>, %arg31: memref<!tpu.dma_semaphore, #tpu.memory_space<semaphore_mem>>) attributes {dimension_semantics = [#tpu.dimension_semantics<core_parallel>, #tpu.dimension_semantics<subcore_parallel>], iteration_bounds = array<i64: 2, 16>, scalar_prefetch = 0 : i64, scratch_operands = 22 : i64, tpu.core_type = #tpu.core_type<sc_vector_subcore>, window_params = [{transform_indices = #map}, {transform_indices = #map1}, {transform_indices = #map}, {transform_indices = #map}, {transform_indices = #map1}, {transform_indices = #map1}, {transform_indices = #map2}, {transform_indices = #map1}]} {
    %mul3A = arith.constant 16 : i32
    %mul3A_0 = arith.muli %arg0, %mul3A : i32
    %add3A = arith.addi %mul3A_0, %arg1 : i32
    %mul3A_1 = arith.constant 72 : i32
    %mul3A_2 = arith.muli %arg1, %mul3A_1 : i32
    %mul3A_3 = arith.constant 4096 : i32
    %mul3A_4 = arith.muli %add3A, %mul3A_3 : i32
    %dma_start3A = tpu.memref_slice %arg3[%mul3A_4] : memref<131072xi32, #tpu.memory_space<hbm>> -> memref<4096xi32, #tpu.memory_space<hbm>>
    %dma_start3A_5 = tpu.memref_slice %arg3[%mul3A_4] : memref<131072xi32, #tpu.memory_space<hbm>> -> memref<4096xi32, #tpu.memory_space<hbm>>
    tpu.enqueue_dma source(%dma_start3A_5 : memref<4096xi32, #tpu.memory_space<hbm>>) target(%arg10 : memref<4096xi32, #tpu.memory_space<vmem>>) target_semaphore(%arg20 : memref<!tpu.dma_semaphore, #tpu.memory_space<semaphore_mem>>)
    %mul3A_6 = arith.constant 32 : i32
    %mul3A_7 = arith.muli %add3A, %mul3A_6 : i32
    %dma_start3A_8 = arith.constant 0 : i32
    %dma_start3A_9 = tpu.memref_slice %arg4[%mul3A_7, %dma_start3A_8] : memref<1024x128xi32, #tpu.memory_space<hbm>> -> memref<32x128xi32, #tpu.memory_space<hbm>>
    %dma_start3A_10 = arith.constant 0 : i32
    %dma_start3A_11 = tpu.memref_slice %arg4[%mul3A_7, %dma_start3A_10] : memref<1024x128xi32, #tpu.memory_space<hbm>> -> memref<32x128xi32, #tpu.memory_space<hbm>>
    tpu.enqueue_dma source(%dma_start3A_11 : memref<32x128xi32, #tpu.memory_space<hbm>>) target(%arg11 : memref<32x128xi32, #tpu.memory_space<vmem>>) target_semaphore(%arg21 : memref<!tpu.dma_semaphore, #tpu.memory_space<semaphore_mem>>)
    tpu.enqueue_dma source(%arg7 : memref<128xf32, #tpu.memory_space<hbm>>) target(%arg16 : memref<128xf32, #tpu.memory_space<vmem>>) target_semaphore(%arg28 : memref<!tpu.dma_semaphore, #tpu.memory_space<semaphore_mem>>)
    %dma_start3A_12 = arith.constant 0 : i32
    %dma_start3A_13 = tpu.memref_slice %arg18[%mul3A_2, %dma_start3A_12] : memref<1152x128xf32, #tpu.memory_space<vmem_shared>> -> memref<72x128xf32, #tpu.memory_space<vmem_shared>>
    %dma_start3A_14 = arith.constant 0 : i32
    %dma_start3A_15 = tpu.memref_slice %arg5[%mul3A_2, %dma_start3A_14] : memref<1152x128xf32, #tpu.memory_space<hbm>> -> memref<72x128xf32, #tpu.memory_space<hbm>>
    tpu.enqueue_dma source(%dma_start3A_15 : memref<72x128xf32, #tpu.memory_space<hbm>>) target(%dma_start3A_13 : memref<72x128xf32, #tpu.memory_space<vmem_shared>>) target_semaphore(%arg24 : memref<!tpu.dma_semaphore, #tpu.memory_space<semaphore_mem>>)
    %mul3A_16 = arith.constant 4096 : i32
    %mul3A_17 = arith.muli %add3A, %mul3A_16 : i32
    %dma_wait3A = tpu.memref_slice %arg3[%mul3A_17] : memref<131072xi32, #tpu.memory_space<hbm>> -> memref<4096xi32, #tpu.memory_space<hbm>>
    %dma_wait3A_18 = tpu.memref_slice %arg3[%mul3A_17] : memref<131072xi32, #tpu.memory_space<hbm>> -> memref<4096xi32, #tpu.memory_space<hbm>>
    tpu.wait_dma2 semaphore(%arg20 : memref<!tpu.dma_semaphore, #tpu.memory_space<semaphore_mem>>) src(%dma_wait3A_18 : memref<4096xi32, #tpu.memory_space<hbm>>) dst(%arg10 : memref<4096xi32, #tpu.memory_space<vmem>>)
    %dma_start3A_19 = arith.constant 0 : i32
    %dma_start3A_20 = tpu.memref_slice %arg10[%dma_start3A_19] : memref<4096xi32, #tpu.memory_space<vmem>> -> memref<128xi32, #tpu.memory_space<vmem>>
    %dma_start3A_21 = arith.constant 0 : i32
    %dma_start3A_22 = arith.constant 0 : i32
    %dma_start3A_23 = tpu.memref_slice %arg2[%dma_start3A_21, %dma_start3A_22] : memref<4096x128xf32, #tpu.memory_space<hbm>> -> memref<4096x128xf32, #tpu.memory_space<hbm>>
    tpu.enqueue_indirect_dma source(%dma_start3A_23 : memref<4096x128xf32, #tpu.memory_space<hbm>>) target(%arg12 : memref<128x128xf32, #tpu.memory_space<vmem>>) offsets(%dma_start3A_20 : memref<128xi32, #tpu.memory_space<vmem>>) semaphore(%arg20 : memref<!tpu.dma_semaphore, #tpu.memory_space<semaphore_mem>>)
    %dma_start3A_24 = arith.constant 128 : i32
    %dma_start3A_25 = tpu.memref_slice %arg10[%dma_start3A_24] : memref<4096xi32, #tpu.memory_space<vmem>> -> memref<128xi32, #tpu.memory_space<vmem>>
    %dma_start3A_26 = arith.constant 0 : i32
    %dma_start3A_27 = arith.constant 0 : i32
    %dma_start3A_28 = tpu.memref_slice %arg2[%dma_start3A_26, %dma_start3A_27] : memref<4096x128xf32, #tpu.memory_space<hbm>> -> memref<4096x128xf32, #tpu.memory_space<hbm>>
    tpu.enqueue_indirect_dma source(%dma_start3A_28 : memref<4096x128xf32, #tpu.memory_space<hbm>>) target(%arg13 : memref<128x128xf32, #tpu.memory_space<vmem>>) offsets(%dma_start3A_25 : memref<128xi32, #tpu.memory_space<vmem>>) semaphore(%arg21 : memref<!tpu.dma_semaphore, #tpu.memory_space<semaphore_mem>>)
    %mul3A_29 = arith.constant 32 : i32
    %mul3A_30 = arith.muli %add3A, %mul3A_29 : i32
    %dma_wait3A_31 = arith.constant 0 : i32
    %dma_wait3A_32 = tpu.memref_slice %arg4[%mul3A_30, %dma_wait3A_31] : memref<1024x128xi32, #tpu.memory_space<hbm>> -> memref<32x128xi32, #tpu.memory_space<hbm>>
    %dma_wait3A_33 = arith.constant 0 : i32
    %dma_wait3A_34 = tpu.memref_slice %arg4[%mul3A_30, %dma_wait3A_33] : memref<1024x128xi32, #tpu.memory_space<hbm>> -> memref<32x128xi32, #tpu.memory_space<hbm>>
    tpu.wait_dma2 semaphore(%arg21 : memref<!tpu.dma_semaphore, #tpu.memory_space<semaphore_mem>>) src(%dma_wait3A_34 : memref<32x128xi32, #tpu.memory_space<hbm>>) dst(%arg11 : memref<32x128xi32, #tpu.memory_space<vmem>>)
    tpu.wait_dma2 semaphore(%arg28 : memref<!tpu.dma_semaphore, #tpu.memory_space<semaphore_mem>>) src(%arg7 : memref<128xf32, #tpu.memory_space<hbm>>) dst(%arg16 : memref<128xf32, #tpu.memory_space<vmem>>)
    %dma_wait3A_35 = arith.constant 0 : i32
    %dma_wait3A_36 = tpu.memref_slice %arg18[%mul3A_2, %dma_wait3A_35] : memref<1152x128xf32, #tpu.memory_space<vmem_shared>> -> memref<72x128xf32, #tpu.memory_space<vmem_shared>>
    %dma_wait3A_37 = arith.constant 0 : i32
    %dma_wait3A_38 = tpu.memref_slice %arg5[%mul3A_2, %dma_wait3A_37] : memref<1152x128xf32, #tpu.memory_space<hbm>> -> memref<72x128xf32, #tpu.memory_space<hbm>>
    tpu.wait_dma2 semaphore(%arg24 : memref<!tpu.dma_semaphore, #tpu.memory_space<semaphore_mem>>) src(%dma_wait3A_38 : memref<72x128xf32, #tpu.memory_space<hbm>>) dst(%dma_wait3A_36 : memref<72x128xf32, #tpu.memory_space<vmem_shared>>)
    "tpu.region"() ({
      %run_scoped3A = tpu.sem_alloc : memref<!tpu.dma_semaphore, #tpu.memory_space<semaphore_mem>>
      %dma_start3A_335 = tpu.memref_slice %arg6[%mul3A_2] : memref<1152xf32, #tpu.memory_space<hbm>> -> memref<72xf32, #tpu.memory_space<hbm>>
      %dma_start3A_336 = tpu.memref_slice %arg6[%mul3A_2] : memref<1152xf32, #tpu.memory_space<hbm>> -> memref<72xf32, #tpu.memory_space<hbm>>
      tpu.enqueue_dma source(%dma_start3A_336 : memref<72xf32, #tpu.memory_space<hbm>>) target(%arg17 : memref<72xf32, #tpu.memory_space<vmem>>) target_semaphore(%run_scoped3A : memref<!tpu.dma_semaphore, #tpu.memory_space<semaphore_mem>>)
      %dma_wait3A_337 = tpu.memref_slice %arg6[%mul3A_2] : memref<1152xf32, #tpu.memory_space<hbm>> -> memref<72xf32, #tpu.memory_space<hbm>>
      %dma_wait3A_338 = tpu.memref_slice %arg6[%mul3A_2] : memref<1152xf32, #tpu.memory_space<hbm>> -> memref<72xf32, #tpu.memory_space<hbm>>
      tpu.wait_dma2 semaphore(%run_scoped3A : memref<!tpu.dma_semaphore, #tpu.memory_space<semaphore_mem>>) src(%dma_wait3A_338 : memref<72xf32, #tpu.memory_space<hbm>>) dst(%arg17 : memref<72xf32, #tpu.memory_space<vmem>>)
      tpu.yield
    }) : () -> ()
    "tpu.region"() ({
      %run_scoped3A = tpu.sem_alloc : memref<!tpu.dma_semaphore, #tpu.memory_space<semaphore_mem>>
      %dma_start3A_335 = tpu.memref_slice %arg19[%mul3A_2] : memref<1152xf32, #tpu.memory_space<vmem_shared>> -> memref<72xf32, #tpu.memory_space<vmem_shared>>
      %dma_start3A_336 = tpu.memref_slice %arg19[%mul3A_2] : memref<1152xf32, #tpu.memory_space<vmem_shared>> -> memref<72xf32, #tpu.memory_space<vmem_shared>>
      tpu.enqueue_dma source(%arg17 : memref<72xf32, #tpu.memory_space<vmem>>) target(%dma_start3A_336 : memref<72xf32, #tpu.memory_space<vmem_shared>>) target_semaphore(%run_scoped3A : memref<!tpu.dma_semaphore, #tpu.memory_space<semaphore_mem>>)
      %dma_wait3A_337 = tpu.memref_slice %arg19[%mul3A_2] : memref<1152xf32, #tpu.memory_space<vmem_shared>> -> memref<72xf32, #tpu.memory_space<vmem_shared>>
      %dma_wait3A_338 = tpu.memref_slice %arg19[%mul3A_2] : memref<1152xf32, #tpu.memory_space<vmem_shared>> -> memref<72xf32, #tpu.memory_space<vmem_shared>>
      tpu.wait_dma2 semaphore(%run_scoped3A : memref<!tpu.dma_semaphore, #tpu.memory_space<semaphore_mem>>) src(%arg17 : memref<72xf32, #tpu.memory_space<vmem>>) dst(%dma_wait3A_338 : memref<72xf32, #tpu.memory_space<vmem_shared>>)
      tpu.yield
    }) : () -> ()
    %barrier3A = arith.constant 0 : index
    tpu.barrier barrier_id(%barrier3A)
    %dma_start3A_39 = arith.constant 256 : i32
    %dma_start3A_40 = tpu.memref_slice %arg10[%dma_start3A_39] : memref<4096xi32, #tpu.memory_space<vmem>> -> memref<128xi32, #tpu.memory_space<vmem>>
    %dma_start3A_41 = arith.constant 0 : i32
    %dma_start3A_42 = arith.constant 0 : i32
    %dma_start3A_43 = tpu.memref_slice %arg2[%dma_start3A_41, %dma_start3A_42] : memref<4096x128xf32, #tpu.memory_space<hbm>> -> memref<4096x128xf32, #tpu.memory_space<hbm>>
    tpu.enqueue_indirect_dma source(%dma_start3A_43 : memref<4096x128xf32, #tpu.memory_space<hbm>>) target(%arg14 : memref<128x128xf32, #tpu.memory_space<vmem>>) offsets(%dma_start3A_40 : memref<128xi32, #tpu.memory_space<vmem>>) semaphore(%arg22 : memref<!tpu.dma_semaphore, #tpu.memory_space<semaphore_mem>>)
    %dma_wait3A_44 = arith.constant 0 : i32
    %dma_wait3A_45 = tpu.memref_slice %arg10[%dma_wait3A_44] : memref<4096xi32, #tpu.memory_space<vmem>> -> memref<128xi32, #tpu.memory_space<vmem>>
    %dma_wait3A_46 = arith.constant 0 : i32
    %dma_wait3A_47 = arith.constant 0 : i32
    %dma_wait3A_48 = tpu.memref_slice %arg2[%dma_wait3A_46, %dma_wait3A_47] : memref<4096x128xf32, #tpu.memory_space<hbm>> -> memref<4096x128xf32, #tpu.memory_space<hbm>>
    tpu.wait_indirect_dma semaphore(%arg20 : memref<!tpu.dma_semaphore, #tpu.memory_space<semaphore_mem>>) src(%dma_wait3A_48 : memref<4096x128xf32, #tpu.memory_space<hbm>>) dst(%arg12 : memref<128x128xf32, #tpu.memory_space<vmem>>)
    %dma_start3A_49 = arith.constant 0 : i32
    %dma_start3A_50 = arith.constant 0 : i32
    %dma_start3A_51 = tpu.memref_slice %arg11[%dma_start3A_49, %dma_start3A_50] : memref<32x128xi32, #tpu.memory_space<vmem>> -> memref<1x128xi32, #tpu.memory_space<vmem>>
    %dma_start3A_52 = tpu.memref_squeeze %dma_start3A_51 : memref<1x128xi32, #tpu.memory_space<vmem>> -> memref<128xi32, #tpu.memory_space<vmem>>
    %dma_start3A_53 = arith.constant 0 : i32
    %dma_start3A_54 = arith.constant 0 : i32
    %dma_start3A_55 = tpu.memref_slice %arg18[%dma_start3A_53, %dma_start3A_54] : memref<1152x128xf32, #tpu.memory_space<vmem_shared>> -> memref<1152x128xf32, #tpu.memory_space<vmem_shared>>
    tpu.enqueue_indirect_dma source(%arg12 : memref<128x128xf32, #tpu.memory_space<vmem>>) target(%dma_start3A_55 : memref<1152x128xf32, #tpu.memory_space<vmem_shared>>) offsets(%dma_start3A_52 : memref<128xi32, #tpu.memory_space<vmem>>) semaphore(%arg24 : memref<!tpu.dma_semaphore, #tpu.memory_space<semaphore_mem>>) {add = true}
    %dma_start3A_56 = arith.constant 0 : i32
    %dma_start3A_57 = arith.constant 0 : i32
    %dma_start3A_58 = tpu.memref_slice %arg11[%dma_start3A_56, %dma_start3A_57] : memref<32x128xi32, #tpu.memory_space<vmem>> -> memref<1x128xi32, #tpu.memory_space<vmem>>
    %dma_start3A_59 = tpu.memref_squeeze %dma_start3A_58 : memref<1x128xi32, #tpu.memory_space<vmem>> -> memref<128xi32, #tpu.memory_space<vmem>>
    %dma_start3A_60 = arith.constant 0 : i32
    %dma_start3A_61 = tpu.memref_slice %arg19[%dma_start3A_60] : memref<1152xf32, #tpu.memory_space<vmem_shared>> -> memref<1152xf32, #tpu.memory_space<vmem_shared>>
    tpu.enqueue_indirect_dma source(%arg16 : memref<128xf32, #tpu.memory_space<vmem>>) target(%dma_start3A_61 : memref<1152xf32, #tpu.memory_space<vmem_shared>>) offsets(%dma_start3A_59 : memref<128xi32, #tpu.memory_space<vmem>>) semaphore(%arg28 : memref<!tpu.dma_semaphore, #tpu.memory_space<semaphore_mem>>) {add = true}
    %dma_start3A_62 = arith.constant 384 : i32
    %dma_start3A_63 = tpu.memref_slice %arg10[%dma_start3A_62] : memref<4096xi32, #tpu.memory_space<vmem>> -> memref<128xi32, #tpu.memory_space<vmem>>
    %dma_start3A_64 = arith.constant 0 : i32
    %dma_start3A_65 = arith.constant 0 : i32
    %dma_start3A_66 = tpu.memref_slice %arg2[%dma_start3A_64, %dma_start3A_65] : memref<4096x128xf32, #tpu.memory_space<hbm>> -> memref<4096x128xf32, #tpu.memory_space<hbm>>
    tpu.enqueue_indirect_dma source(%dma_start3A_66 : memref<4096x128xf32, #tpu.memory_space<hbm>>) target(%arg15 : memref<128x128xf32, #tpu.memory_space<vmem>>) offsets(%dma_start3A_63 : memref<128xi32, #tpu.memory_space<vmem>>) semaphore(%arg23 : memref<!tpu.dma_semaphore, #tpu.memory_space<semaphore_mem>>)
    %dma_wait3A_67 = arith.constant 128 : i32
    %dma_wait3A_68 = tpu.memref_slice %arg10[%dma_wait3A_67] : memref<4096xi32, #tpu.memory_space<vmem>> -> memref<128xi32, #tpu.memory_space<vmem>>
    %dma_wait3A_69 = arith.constant 0 : i32
    %dma_wait3A_70 = arith.constant 0 : i32
    %dma_wait3A_71 = tpu.memref_slice %arg2[%dma_wait3A_69, %dma_wait3A_70] : memref<4096x128xf32, #tpu.memory_space<hbm>> -> memref<4096x128xf32, #tpu.memory_space<hbm>>
    tpu.wait_indirect_dma semaphore(%arg21 : memref<!tpu.dma_semaphore, #tpu.memory_space<semaphore_mem>>) src(%dma_wait3A_71 : memref<4096x128xf32, #tpu.memory_space<hbm>>) dst(%arg13 : memref<128x128xf32, #tpu.memory_space<vmem>>)
    %dma_start3A_72 = arith.constant 1 : i32
    %dma_start3A_73 = arith.constant 0 : i32
    %dma_start3A_74 = tpu.memref_slice %arg11[%dma_start3A_72, %dma_start3A_73] : memref<32x128xi32, #tpu.memory_space<vmem>> -> memref<1x128xi32, #tpu.memory_space<vmem>>
    %dma_start3A_75 = tpu.memref_squeeze %dma_start3A_74 : memref<1x128xi32, #tpu.memory_space<vmem>> -> memref<128xi32, #tpu.memory_space<vmem>>
    %dma_start3A_76 = arith.constant 0 : i32
    %dma_start3A_77 = arith.constant 0 : i32
    %dma_start3A_78 = tpu.memref_slice %arg18[%dma_start3A_76, %dma_start3A_77] : memref<1152x128xf32, #tpu.memory_space<vmem_shared>> -> memref<1152x128xf32, #tpu.memory_space<vmem_shared>>
    tpu.enqueue_indirect_dma source(%arg13 : memref<128x128xf32, #tpu.memory_space<vmem>>) target(%dma_start3A_78 : memref<1152x128xf32, #tpu.memory_space<vmem_shared>>) offsets(%dma_start3A_75 : memref<128xi32, #tpu.memory_space<vmem>>) semaphore(%arg25 : memref<!tpu.dma_semaphore, #tpu.memory_space<semaphore_mem>>) {add = true}
    %dma_start3A_79 = arith.constant 1 : i32
    %dma_start3A_80 = arith.constant 0 : i32
    %dma_start3A_81 = tpu.memref_slice %arg11[%dma_start3A_79, %dma_start3A_80] : memref<32x128xi32, #tpu.memory_space<vmem>> -> memref<1x128xi32, #tpu.memory_space<vmem>>
    %dma_start3A_82 = tpu.memref_squeeze %dma_start3A_81 : memref<1x128xi32, #tpu.memory_space<vmem>> -> memref<128xi32, #tpu.memory_space<vmem>>
    %dma_start3A_83 = arith.constant 0 : i32
    %dma_start3A_84 = tpu.memref_slice %arg19[%dma_start3A_83] : memref<1152xf32, #tpu.memory_space<vmem_shared>> -> memref<1152xf32, #tpu.memory_space<vmem_shared>>
    tpu.enqueue_indirect_dma source(%arg16 : memref<128xf32, #tpu.memory_space<vmem>>) target(%dma_start3A_84 : memref<1152xf32, #tpu.memory_space<vmem_shared>>) offsets(%dma_start3A_82 : memref<128xi32, #tpu.memory_space<vmem>>) semaphore(%arg29 : memref<!tpu.dma_semaphore, #tpu.memory_space<semaphore_mem>>) {add = true}
    %dma_wait3A_85 = arith.constant 0 : i32
    %dma_wait3A_86 = arith.constant 0 : i32
    %dma_wait3A_87 = tpu.memref_slice %arg11[%dma_wait3A_85, %dma_wait3A_86] : memref<32x128xi32, #tpu.memory_space<vmem>> -> memref<1x128xi32, #tpu.memory_space<vmem>>
    %dma_wait3A_88 = tpu.memref_squeeze %dma_wait3A_87 : memref<1x128xi32, #tpu.memory_space<vmem>> -> memref<128xi32, #tpu.memory_space<vmem>>
    %dma_wait3A_89 = arith.constant 0 : i32
    %dma_wait3A_90 = arith.constant 0 : i32
    %dma_wait3A_91 = tpu.memref_slice %arg18[%dma_wait3A_89, %dma_wait3A_90] : memref<1152x128xf32, #tpu.memory_space<vmem_shared>> -> memref<1152x128xf32, #tpu.memory_space<vmem_shared>>
    tpu.wait_indirect_dma semaphore(%arg24 : memref<!tpu.dma_semaphore, #tpu.memory_space<semaphore_mem>>) src(%arg12 : memref<128x128xf32, #tpu.memory_space<vmem>>) dst(%dma_wait3A_91 : memref<1152x128xf32, #tpu.memory_space<vmem_shared>>)
    %dma_wait3A_92 = arith.constant 0 : i32
    %dma_wait3A_93 = arith.constant 0 : i32
    %dma_wait3A_94 = tpu.memref_slice %arg11[%dma_wait3A_92, %dma_wait3A_93] : memref<32x128xi32, #tpu.memory_space<vmem>> -> memref<1x128xi32, #tpu.memory_space<vmem>>
    %dma_wait3A_95 = tpu.memref_squeeze %dma_wait3A_94 : memref<1x128xi32, #tpu.memory_space<vmem>> -> memref<128xi32, #tpu.memory_space<vmem>>
    %dma_wait3A_96 = arith.constant 0 : i32
    %dma_wait3A_97 = tpu.memref_slice %arg19[%dma_wait3A_96] : memref<1152xf32, #tpu.memory_space<vmem_shared>> -> memref<1152xf32, #tpu.memory_space<vmem_shared>>
    tpu.wait_indirect_dma semaphore(%arg28 : memref<!tpu.dma_semaphore, #tpu.memory_space<semaphore_mem>>) src(%arg16 : memref<128xf32, #tpu.memory_space<vmem>>) dst(%dma_wait3A_97 : memref<1152xf32, #tpu.memory_space<vmem_shared>>)
    %dma_start3A_98 = arith.constant 512 : i32
    %dma_start3A_99 = tpu.memref_slice %arg10[%dma_start3A_98] : memref<4096xi32, #tpu.memory_space<vmem>> -> memref<128xi32, #tpu.memory_space<vmem>>
    %dma_start3A_100 = arith.constant 0 : i32
    %dma_start3A_101 = arith.constant 0 : i32
    %dma_start3A_102 = tpu.memref_slice %arg2[%dma_start3A_100, %dma_start3A_101] : memref<4096x128xf32, #tpu.memory_space<hbm>> -> memref<4096x128xf32, #tpu.memory_space<hbm>>
    tpu.enqueue_indirect_dma source(%dma_start3A_102 : memref<4096x128xf32, #tpu.memory_space<hbm>>) target(%arg12 : memref<128x128xf32, #tpu.memory_space<vmem>>) offsets(%dma_start3A_99 : memref<128xi32, #tpu.memory_space<vmem>>) semaphore(%arg20 : memref<!tpu.dma_semaphore, #tpu.memory_space<semaphore_mem>>)
    %dma_wait3A_103 = arith.constant 256 : i32
    %dma_wait3A_104 = tpu.memref_slice %arg10[%dma_wait3A_103] : memref<4096xi32, #tpu.memory_space<vmem>> -> memref<128xi32, #tpu.memory_space<vmem>>
    %dma_wait3A_105 = arith.constant 0 : i32
    %dma_wait3A_106 = arith.constant 0 : i32
    %dma_wait3A_107 = tpu.memref_slice %arg2[%dma_wait3A_105, %dma_wait3A_106] : memref<4096x128xf32, #tpu.memory_space<hbm>> -> memref<4096x128xf32, #tpu.memory_space<hbm>>
    tpu.wait_indirect_dma semaphore(%arg22 : memref<!tpu.dma_semaphore, #tpu.memory_space<semaphore_mem>>) src(%dma_wait3A_107 : memref<4096x128xf32, #tpu.memory_space<hbm>>) dst(%arg14 : memref<128x128xf32, #tpu.memory_space<vmem>>)
    %dma_start3A_108 = arith.constant 2 : i32
    %dma_start3A_109 = arith.constant 0 : i32
    %dma_start3A_110 = tpu.memref_slice %arg11[%dma_start3A_108, %dma_start3A_109] : memref<32x128xi32, #tpu.memory_space<vmem>> -> memref<1x128xi32, #tpu.memory_space<vmem>>
    %dma_start3A_111 = tpu.memref_squeeze %dma_start3A_110 : memref<1x128xi32, #tpu.memory_space<vmem>> -> memref<128xi32, #tpu.memory_space<vmem>>
    %dma_start3A_112 = arith.constant 0 : i32
    %dma_start3A_113 = arith.constant 0 : i32
    %dma_start3A_114 = tpu.memref_slice %arg18[%dma_start3A_112, %dma_start3A_113] : memref<1152x128xf32, #tpu.memory_space<vmem_shared>> -> memref<1152x128xf32, #tpu.memory_space<vmem_shared>>
    tpu.enqueue_indirect_dma source(%arg14 : memref<128x128xf32, #tpu.memory_space<vmem>>) target(%dma_start3A_114 : memref<1152x128xf32, #tpu.memory_space<vmem_shared>>) offsets(%dma_start3A_111 : memref<128xi32, #tpu.memory_space<vmem>>) semaphore(%arg26 : memref<!tpu.dma_semaphore, #tpu.memory_space<semaphore_mem>>) {add = true}
    %dma_start3A_115 = arith.constant 2 : i32
    %dma_start3A_116 = arith.constant 0 : i32
    %dma_start3A_117 = tpu.memref_slice %arg11[%dma_start3A_115, %dma_start3A_116] : memref<32x128xi32, #tpu.memory_space<vmem>> -> memref<1x128xi32, #tpu.memory_space<vmem>>
    %dma_start3A_118 = tpu.memref_squeeze %dma_start3A_117 : memref<1x128xi32, #tpu.memory_space<vmem>> -> memref<128xi32, #tpu.memory_space<vmem>>
    %dma_start3A_119 = arith.constant 0 : i32
    %dma_start3A_120 = tpu.memref_slice %arg19[%dma_start3A_119] : memref<1152xf32, #tpu.memory_space<vmem_shared>> -> memref<1152xf32, #tpu.memory_space<vmem_shared>>
    tpu.enqueue_indirect_dma source(%arg16 : memref<128xf32, #tpu.memory_space<vmem>>) target(%dma_start3A_120 : memref<1152xf32, #tpu.memory_space<vmem_shared>>) offsets(%dma_start3A_118 : memref<128xi32, #tpu.memory_space<vmem>>) semaphore(%arg30 : memref<!tpu.dma_semaphore, #tpu.memory_space<semaphore_mem>>) {add = true}
    %dma_wait3A_121 = arith.constant 1 : i32
    %dma_wait3A_122 = arith.constant 0 : i32
    %dma_wait3A_123 = tpu.memref_slice %arg11[%dma_wait3A_121, %dma_wait3A_122] : memref<32x128xi32, #tpu.memory_space<vmem>> -> memref<1x128xi32, #tpu.memory_space<vmem>>
    %dma_wait3A_124 = tpu.memref_squeeze %dma_wait3A_123 : memref<1x128xi32, #tpu.memory_space<vmem>> -> memref<128xi32, #tpu.memory_space<vmem>>
    %dma_wait3A_125 = arith.constant 0 : i32
    %dma_wait3A_126 = arith.constant 0 : i32
    %dma_wait3A_127 = tpu.memref_slice %arg18[%dma_wait3A_125, %dma_wait3A_126] : memref<1152x128xf32, #tpu.memory_space<vmem_shared>> -> memref<1152x128xf32, #tpu.memory_space<vmem_shared>>
    tpu.wait_indirect_dma semaphore(%arg25 : memref<!tpu.dma_semaphore, #tpu.memory_space<semaphore_mem>>) src(%arg13 : memref<128x128xf32, #tpu.memory_space<vmem>>) dst(%dma_wait3A_127 : memref<1152x128xf32, #tpu.memory_space<vmem_shared>>)
    %dma_wait3A_128 = arith.constant 1 : i32
    %dma_wait3A_129 = arith.constant 0 : i32
    %dma_wait3A_130 = tpu.memref_slice %arg11[%dma_wait3A_128, %dma_wait3A_129] : memref<32x128xi32, #tpu.memory_space<vmem>> -> memref<1x128xi32, #tpu.memory_space<vmem>>
    %dma_wait3A_131 = tpu.memref_squeeze %dma_wait3A_130 : memref<1x128xi32, #tpu.memory_space<vmem>> -> memref<128xi32, #tpu.memory_space<vmem>>
    %dma_wait3A_132 = arith.constant 0 : i32
    %dma_wait3A_133 = tpu.memref_slice %arg19[%dma_wait3A_132] : memref<1152xf32, #tpu.memory_space<vmem_shared>> -> memref<1152xf32, #tpu.memory_space<vmem_shared>>
    tpu.wait_indirect_dma semaphore(%arg29 : memref<!tpu.dma_semaphore, #tpu.memory_space<semaphore_mem>>) src(%arg16 : memref<128xf32, #tpu.memory_space<vmem>>) dst(%dma_wait3A_133 : memref<1152xf32, #tpu.memory_space<vmem_shared>>)
    %dma_start3A_134 = arith.constant 640 : i32
    %dma_start3A_135 = tpu.memref_slice %arg10[%dma_start3A_134] : memref<4096xi32, #tpu.memory_space<vmem>> -> memref<128xi32, #tpu.memory_space<vmem>>
    %dma_start3A_136 = arith.constant 0 : i32
    %dma_start3A_137 = arith.constant 0 : i32
    %dma_start3A_138 = tpu.memref_slice %arg2[%dma_start3A_136, %dma_start3A_137] : memref<4096x128xf32, #tpu.memory_space<hbm>> -> memref<4096x128xf32, #tpu.memory_space<hbm>>
    tpu.enqueue_indirect_dma source(%dma_start3A_138 : memref<4096x128xf32, #tpu.memory_space<hbm>>) target(%arg13 : memref<128x128xf32, #tpu.memory_space<vmem>>) offsets(%dma_start3A_135 : memref<128xi32, #tpu.memory_space<vmem>>) semaphore(%arg21 : memref<!tpu.dma_semaphore, #tpu.memory_space<semaphore_mem>>)
    %dma_wait3A_139 = arith.constant 384 : i32
    %dma_wait3A_140 = tpu.memref_slice %arg10[%dma_wait3A_139] : memref<4096xi32, #tpu.memory_space<vmem>> -> memref<128xi32, #tpu.memory_space<vmem>>
    %dma_wait3A_141 = arith.constant 0 : i32
    %dma_wait3A_142 = arith.constant 0 : i32
    %dma_wait3A_143 = tpu.memref_slice %arg2[%dma_wait3A_141, %dma_wait3A_142] : memref<4096x128xf32, #tpu.memory_space<hbm>> -> memref<4096x128xf32, #tpu.memory_space<hbm>>
    tpu.wait_indirect_dma semaphore(%arg23 : memref<!tpu.dma_semaphore, #tpu.memory_space<semaphore_mem>>) src(%dma_wait3A_143 : memref<4096x128xf32, #tpu.memory_space<hbm>>) dst(%arg15 : memref<128x128xf32, #tpu.memory_space<vmem>>)
    %dma_start3A_144 = arith.constant 3 : i32
    %dma_start3A_145 = arith.constant 0 : i32
    %dma_start3A_146 = tpu.memref_slice %arg11[%dma_start3A_144, %dma_start3A_145] : memref<32x128xi32, #tpu.memory_space<vmem>> -> memref<1x128xi32, #tpu.memory_space<vmem>>
    %dma_start3A_147 = tpu.memref_squeeze %dma_start3A_146 : memref<1x128xi32, #tpu.memory_space<vmem>> -> memref<128xi32, #tpu.memory_space<vmem>>
    %dma_start3A_148 = arith.constant 0 : i32
    %dma_start3A_149 = arith.constant 0 : i32
    %dma_start3A_150 = tpu.memref_slice %arg18[%dma_start3A_148, %dma_start3A_149] : memref<1152x128xf32, #tpu.memory_space<vmem_shared>> -> memref<1152x128xf32, #tpu.memory_space<vmem_shared>>
    tpu.enqueue_indirect_dma source(%arg15 : memref<128x128xf32, #tpu.memory_space<vmem>>) target(%dma_start3A_150 : memref<1152x128xf32, #tpu.memory_space<vmem_shared>>) offsets(%dma_start3A_147 : memref<128xi32, #tpu.memory_space<vmem>>) semaphore(%arg27 : memref<!tpu.dma_semaphore, #tpu.memory_space<semaphore_mem>>) {add = true}
    %dma_start3A_151 = arith.constant 3 : i32
    %dma_start3A_152 = arith.constant 0 : i32
    %dma_start3A_153 = tpu.memref_slice %arg11[%dma_start3A_151, %dma_start3A_152] : memref<32x128xi32, #tpu.memory_space<vmem>> -> memref<1x128xi32, #tpu.memory_space<vmem>>
    %dma_start3A_154 = tpu.memref_squeeze %dma_start3A_153 : memref<1x128xi32, #tpu.memory_space<vmem>> -> memref<128xi32, #tpu.memory_space<vmem>>
    %dma_start3A_155 = arith.constant 0 : i32
    %dma_start3A_156 = tpu.memref_slice %arg19[%dma_start3A_155] : memref<1152xf32, #tpu.memory_space<vmem_shared>> -> memref<1152xf32, #tpu.memory_space<vmem_shared>>
    tpu.enqueue_indirect_dma source(%arg16 : memref<128xf32, #tpu.memory_space<vmem>>) target(%dma_start3A_156 : memref<1152xf32, #tpu.memory_space<vmem_shared>>) offsets(%dma_start3A_154 : memref<128xi32, #tpu.memory_space<vmem>>) semaphore(%arg31 : memref<!tpu.dma_semaphore, #tpu.memory_space<semaphore_mem>>) {add = true}
    %scan3A = arith.constant 0 : i32
    %scan3A_157 = arith.constant 6 : i32
    %scan3A_158 = arith.addi %scan3A, %scan3A_157 : i32
    %scan3A_159 = arith.constant 1 : i32
    scf.for %scan3A_335 = %scan3A to %scan3A_158 step %scan3A_159  : i32 {
      %mul3A_336 = arith.constant 1 : i32
      %mul3A_337 = arith.muli %scan3A_335, %mul3A_336 : i32
      %add3A_338 = arith.constant 1 : i32
      %add3A_339 = arith.addi %add3A_338, %mul3A_337 : i32
      %mul3A_340 = arith.constant 4 : i32
      %mul3A_341 = arith.muli %add3A_339, %mul3A_340 : i32
      %add3A_342 = arith.constant 0 : i32
      %add3A_343 = arith.addi %mul3A_341, %add3A_342 : i32
      %sub3A = arith.constant 2 : i32
      %sub3A_344 = arith.subi %add3A_343, %sub3A : i32
      %dma_wait3A_345 = arith.constant 0 : i32
      %dma_wait3A_346 = tpu.memref_slice %arg11[%sub3A_344, %dma_wait3A_345] : memref<32x128xi32, #tpu.memory_space<vmem>> -> memref<1x128xi32, #tpu.memory_space<vmem>>
      %dma_wait3A_347 = tpu.memref_squeeze %dma_wait3A_346 : memref<1x128xi32, #tpu.memory_space<vmem>> -> memref<128xi32, #tpu.memory_space<vmem>>
      %dma_wait3A_348 = arith.constant 0 : i32
      %dma_wait3A_349 = arith.constant 0 : i32
      %dma_wait3A_350 = tpu.memref_slice %arg18[%dma_wait3A_348, %dma_wait3A_349] : memref<1152x128xf32, #tpu.memory_space<vmem_shared>> -> memref<1152x128xf32, #tpu.memory_space<vmem_shared>>
      tpu.wait_indirect_dma semaphore(%arg26 : memref<!tpu.dma_semaphore, #tpu.memory_space<semaphore_mem>>) src(%arg14 : memref<128x128xf32, #tpu.memory_space<vmem>>) dst(%dma_wait3A_350 : memref<1152x128xf32, #tpu.memory_space<vmem_shared>>)
      %dma_wait3A_351 = arith.constant 0 : i32
      %dma_wait3A_352 = tpu.memref_slice %arg11[%sub3A_344, %dma_wait3A_351] : memref<32x128xi32, #tpu.memory_space<vmem>> -> memref<1x128xi32, #tpu.memory_space<vmem>>
      %dma_wait3A_353 = tpu.memref_squeeze %dma_wait3A_352 : memref<1x128xi32, #tpu.memory_space<vmem>> -> memref<128xi32, #tpu.memory_space<vmem>>
      %dma_wait3A_354 = arith.constant 0 : i32
      %dma_wait3A_355 = tpu.memref_slice %arg19[%dma_wait3A_354] : memref<1152xf32, #tpu.memory_space<vmem_shared>> -> memref<1152xf32, #tpu.memory_space<vmem_shared>>
      tpu.wait_indirect_dma semaphore(%arg30 : memref<!tpu.dma_semaphore, #tpu.memory_space<semaphore_mem>>) src(%arg16 : memref<128xf32, #tpu.memory_space<vmem>>) dst(%dma_wait3A_355 : memref<1152xf32, #tpu.memory_space<vmem_shared>>)
      %add3A_356 = arith.constant 2 : i32
      %add3A_357 = arith.addi %add3A_343, %add3A_356 : i32
      %mul3A_358 = arith.constant 128 : i32
      %mul3A_359 = arith.muli %add3A_357, %mul3A_358 : i32
      %dma_start3A_360 = tpu.memref_slice %arg10[%mul3A_359] : memref<4096xi32, #tpu.memory_space<vmem>> -> memref<128xi32, #tpu.memory_space<vmem>>
      %dma_start3A_361 = arith.constant 0 : i32
      %dma_start3A_362 = arith.constant 0 : i32
      %dma_start3A_363 = tpu.memref_slice %arg2[%dma_start3A_361, %dma_start3A_362] : memref<4096x128xf32, #tpu.memory_space<hbm>> -> memref<4096x128xf32, #tpu.memory_space<hbm>>
      tpu.enqueue_indirect_dma source(%dma_start3A_363 : memref<4096x128xf32, #tpu.memory_space<hbm>>) target(%arg14 : memref<128x128xf32, #tpu.memory_space<vmem>>) offsets(%dma_start3A_360 : memref<128xi32, #tpu.memory_space<vmem>>) semaphore(%arg22 : memref<!tpu.dma_semaphore, #tpu.memory_space<semaphore_mem>>)
      %mul3A_364 = arith.constant 128 : i32
      %mul3A_365 = arith.muli %add3A_343, %mul3A_364 : i32
      %dma_wait3A_366 = tpu.memref_slice %arg10[%mul3A_365] : memref<4096xi32, #tpu.memory_space<vmem>> -> memref<128xi32, #tpu.memory_space<vmem>>
      %dma_wait3A_367 = arith.constant 0 : i32
      %dma_wait3A_368 = arith.constant 0 : i32
      %dma_wait3A_369 = tpu.memref_slice %arg2[%dma_wait3A_367, %dma_wait3A_368] : memref<4096x128xf32, #tpu.memory_space<hbm>> -> memref<4096x128xf32, #tpu.memory_space<hbm>>
      tpu.wait_indirect_dma semaphore(%arg20 : memref<!tpu.dma_semaphore, #tpu.memory_space<semaphore_mem>>) src(%dma_wait3A_369 : memref<4096x128xf32, #tpu.memory_space<hbm>>) dst(%arg12 : memref<128x128xf32, #tpu.memory_space<vmem>>)
      %dma_start3A_370 = arith.constant 0 : i32
      %dma_start3A_371 = tpu.memref_slice %arg11[%add3A_343, %dma_start3A_370] : memref<32x128xi32, #tpu.memory_space<vmem>> -> memref<1x128xi32, #tpu.memory_space<vmem>>
      %dma_start3A_372 = tpu.memref_squeeze %dma_start3A_371 : memref<1x128xi32, #tpu.memory_space<vmem>> -> memref<128xi32, #tpu.memory_space<vmem>>
      %dma_start3A_373 = arith.constant 0 : i32
      %dma_start3A_374 = arith.constant 0 : i32
      %dma_start3A_375 = tpu.memref_slice %arg18[%dma_start3A_373, %dma_start3A_374] : memref<1152x128xf32, #tpu.memory_space<vmem_shared>> -> memref<1152x128xf32, #tpu.memory_space<vmem_shared>>
      tpu.enqueue_indirect_dma source(%arg12 : memref<128x128xf32, #tpu.memory_space<vmem>>) target(%dma_start3A_375 : memref<1152x128xf32, #tpu.memory_space<vmem_shared>>) offsets(%dma_start3A_372 : memref<128xi32, #tpu.memory_space<vmem>>) semaphore(%arg24 : memref<!tpu.dma_semaphore, #tpu.memory_space<semaphore_mem>>) {add = true}
      %dma_start3A_376 = arith.constant 0 : i32
      %dma_start3A_377 = tpu.memref_slice %arg11[%add3A_343, %dma_start3A_376] : memref<32x128xi32, #tpu.memory_space<vmem>> -> memref<1x128xi32, #tpu.memory_space<vmem>>
      %dma_start3A_378 = tpu.memref_squeeze %dma_start3A_377 : memref<1x128xi32, #tpu.memory_space<vmem>> -> memref<128xi32, #tpu.memory_space<vmem>>
      %dma_start3A_379 = arith.constant 0 : i32
      %dma_start3A_380 = tpu.memref_slice %arg19[%dma_start3A_379] : memref<1152xf32, #tpu.memory_space<vmem_shared>> -> memref<1152xf32, #tpu.memory_space<vmem_shared>>
      tpu.enqueue_indirect_dma source(%arg16 : memref<128xf32, #tpu.memory_space<vmem>>) target(%dma_start3A_380 : memref<1152xf32, #tpu.memory_space<vmem_shared>>) offsets(%dma_start3A_378 : memref<128xi32, #tpu.memory_space<vmem>>) semaphore(%arg28 : memref<!tpu.dma_semaphore, #tpu.memory_space<semaphore_mem>>) {add = true}
      %add3A_381 = arith.constant 1 : i32
      %add3A_382 = arith.addi %mul3A_341, %add3A_381 : i32
      %sub3A_383 = arith.constant 2 : i32
      %sub3A_384 = arith.subi %add3A_382, %sub3A_383 : i32
      %dma_wait3A_385 = arith.constant 0 : i32
      %dma_wait3A_386 = tpu.memref_slice %arg11[%sub3A_384, %dma_wait3A_385] : memref<32x128xi32, #tpu.memory_space<vmem>> -> memref<1x128xi32, #tpu.memory_space<vmem>>
      %dma_wait3A_387 = tpu.memref_squeeze %dma_wait3A_386 : memref<1x128xi32, #tpu.memory_space<vmem>> -> memref<128xi32, #tpu.memory_space<vmem>>
      %dma_wait3A_388 = arith.constant 0 : i32
      %dma_wait3A_389 = arith.constant 0 : i32
      %dma_wait3A_390 = tpu.memref_slice %arg18[%dma_wait3A_388, %dma_wait3A_389] : memref<1152x128xf32, #tpu.memory_space<vmem_shared>> -> memref<1152x128xf32, #tpu.memory_space<vmem_shared>>
      tpu.wait_indirect_dma semaphore(%arg27 : memref<!tpu.dma_semaphore, #tpu.memory_space<semaphore_mem>>) src(%arg15 : memref<128x128xf32, #tpu.memory_space<vmem>>) dst(%dma_wait3A_390 : memref<1152x128xf32, #tpu.memory_space<vmem_shared>>)
      %dma_wait3A_391 = arith.constant 0 : i32
      %dma_wait3A_392 = tpu.memref_slice %arg11[%sub3A_384, %dma_wait3A_391] : memref<32x128xi32, #tpu.memory_space<vmem>> -> memref<1x128xi32, #tpu.memory_space<vmem>>
      %dma_wait3A_393 = tpu.memref_squeeze %dma_wait3A_392 : memref<1x128xi32, #tpu.memory_space<vmem>> -> memref<128xi32, #tpu.memory_space<vmem>>
      %dma_wait3A_394 = arith.constant 0 : i32
      %dma_wait3A_395 = tpu.memref_slice %arg19[%dma_wait3A_394] : memref<1152xf32, #tpu.memory_space<vmem_shared>> -> memref<1152xf32, #tpu.memory_space<vmem_shared>>
      tpu.wait_indirect_dma semaphore(%arg31 : memref<!tpu.dma_semaphore, #tpu.memory_space<semaphore_mem>>) src(%arg16 : memref<128xf32, #tpu.memory_space<vmem>>) dst(%dma_wait3A_395 : memref<1152xf32, #tpu.memory_space<vmem_shared>>)
      %add3A_396 = arith.constant 2 : i32
      %add3A_397 = arith.addi %add3A_382, %add3A_396 : i32
      %mul3A_398 = arith.constant 128 : i32
      %mul3A_399 = arith.muli %add3A_397, %mul3A_398 : i32
      %dma_start3A_400 = tpu.memref_slice %arg10[%mul3A_399] : memref<4096xi32, #tpu.memory_space<vmem>> -> memref<128xi32, #tpu.memory_space<vmem>>
      %dma_start3A_401 = arith.constant 0 : i32
      %dma_start3A_402 = arith.constant 0 : i32
      %dma_start3A_403 = tpu.memref_slice %arg2[%dma_start3A_401, %dma_start3A_402] : memref<4096x128xf32, #tpu.memory_space<hbm>> -> memref<4096x128xf32, #tpu.memory_space<hbm>>
      tpu.enqueue_indirect_dma source(%dma_start3A_403 : memref<4096x128xf32, #tpu.memory_space<hbm>>) target(%arg15 : memref<128x128xf32, #tpu.memory_space<vmem>>) offsets(%dma_start3A_400 : memref<128xi32, #tpu.memory_space<vmem>>) semaphore(%arg23 : memref<!tpu.dma_semaphore, #tpu.memory_space<semaphore_mem>>)
      %mul3A_404 = arith.constant 128 : i32
      %mul3A_405 = arith.muli %add3A_382, %mul3A_404 : i32
      %dma_wait3A_406 = tpu.memref_slice %arg10[%mul3A_405] : memref<4096xi32, #tpu.memory_space<vmem>> -> memref<128xi32, #tpu.memory_space<vmem>>
      %dma_wait3A_407 = arith.constant 0 : i32
      %dma_wait3A_408 = arith.constant 0 : i32
      %dma_wait3A_409 = tpu.memref_slice %arg2[%dma_wait3A_407, %dma_wait3A_408] : memref<4096x128xf32, #tpu.memory_space<hbm>> -> memref<4096x128xf32, #tpu.memory_space<hbm>>
      tpu.wait_indirect_dma semaphore(%arg21 : memref<!tpu.dma_semaphore, #tpu.memory_space<semaphore_mem>>) src(%dma_wait3A_409 : memref<4096x128xf32, #tpu.memory_space<hbm>>) dst(%arg13 : memref<128x128xf32, #tpu.memory_space<vmem>>)
      %dma_start3A_410 = arith.constant 0 : i32
      %dma_start3A_411 = tpu.memref_slice %arg11[%add3A_382, %dma_start3A_410] : memref<32x128xi32, #tpu.memory_space<vmem>> -> memref<1x128xi32, #tpu.memory_space<vmem>>
      %dma_start3A_412 = tpu.memref_squeeze %dma_start3A_411 : memref<1x128xi32, #tpu.memory_space<vmem>> -> memref<128xi32, #tpu.memory_space<vmem>>
      %dma_start3A_413 = arith.constant 0 : i32
      %dma_start3A_414 = arith.constant 0 : i32
      %dma_start3A_415 = tpu.memref_slice %arg18[%dma_start3A_413, %dma_start3A_414] : memref<1152x128xf32, #tpu.memory_space<vmem_shared>> -> memref<1152x128xf32, #tpu.memory_space<vmem_shared>>
      tpu.enqueue_indirect_dma source(%arg13 : memref<128x128xf32, #tpu.memory_space<vmem>>) target(%dma_start3A_415 : memref<1152x128xf32, #tpu.memory_space<vmem_shared>>) offsets(%dma_start3A_412 : memref<128xi32, #tpu.memory_space<vmem>>) semaphore(%arg25 : memref<!tpu.dma_semaphore, #tpu.memory_space<semaphore_mem>>) {add = true}
      %dma_start3A_416 = arith.constant 0 : i32
      %dma_start3A_417 = tpu.memref_slice %arg11[%add3A_382, %dma_start3A_416] : memref<32x128xi32, #tpu.memory_space<vmem>> -> memref<1x128xi32, #tpu.memory_space<vmem>>
      %dma_start3A_418 = tpu.memref_squeeze %dma_start3A_417 : memref<1x128xi32, #tpu.memory_space<vmem>> -> memref<128xi32, #tpu.memory_space<vmem>>
      %dma_start3A_419 = arith.constant 0 : i32
      %dma_start3A_420 = tpu.memref_slice %arg19[%dma_start3A_419] : memref<1152xf32, #tpu.memory_space<vmem_shared>> -> memref<1152xf32, #tpu.memory_space<vmem_shared>>
      tpu.enqueue_indirect_dma source(%arg16 : memref<128xf32, #tpu.memory_space<vmem>>) target(%dma_start3A_420 : memref<1152xf32, #tpu.memory_space<vmem_shared>>) offsets(%dma_start3A_418 : memref<128xi32, #tpu.memory_space<vmem>>) semaphore(%arg29 : memref<!tpu.dma_semaphore, #tpu.memory_space<semaphore_mem>>) {add = true}
      %add3A_421 = arith.constant 2 : i32
      %add3A_422 = arith.addi %mul3A_341, %add3A_421 : i32
      %sub3A_423 = arith.constant 2 : i32
      %sub3A_424 = arith.subi %add3A_422, %sub3A_423 : i32
      %dma_wait3A_425 = arith.constant 0 : i32
      %dma_wait3A_426 = tpu.memref_slice %arg11[%sub3A_424, %dma_wait3A_425] : memref<32x128xi32, #tpu.memory_space<vmem>> -> memref<1x128xi32, #tpu.memory_space<vmem>>
      %dma_wait3A_427 = tpu.memref_squeeze %dma_wait3A_426 : memref<1x128xi32, #tpu.memory_space<vmem>> -> memref<128xi32, #tpu.memory_space<vmem>>
      %dma_wait3A_428 = arith.constant 0 : i32
      %dma_wait3A_429 = arith.constant 0 : i32
      %dma_wait3A_430 = tpu.memref_slice %arg18[%dma_wait3A_428, %dma_wait3A_429] : memref<1152x128xf32, #tpu.memory_space<vmem_shared>> -> memref<1152x128xf32, #tpu.memory_space<vmem_shared>>
      tpu.wait_indirect_dma semaphore(%arg24 : memref<!tpu.dma_semaphore, #tpu.memory_space<semaphore_mem>>) src(%arg12 : memref<128x128xf32, #tpu.memory_space<vmem>>) dst(%dma_wait3A_430 : memref<1152x128xf32, #tpu.memory_space<vmem_shared>>)
      %dma_wait3A_431 = arith.constant 0 : i32
      %dma_wait3A_432 = tpu.memref_slice %arg11[%sub3A_424, %dma_wait3A_431] : memref<32x128xi32, #tpu.memory_space<vmem>> -> memref<1x128xi32, #tpu.memory_space<vmem>>
      %dma_wait3A_433 = tpu.memref_squeeze %dma_wait3A_432 : memref<1x128xi32, #tpu.memory_space<vmem>> -> memref<128xi32, #tpu.memory_space<vmem>>
      %dma_wait3A_434 = arith.constant 0 : i32
      %dma_wait3A_435 = tpu.memref_slice %arg19[%dma_wait3A_434] : memref<1152xf32, #tpu.memory_space<vmem_shared>> -> memref<1152xf32, #tpu.memory_space<vmem_shared>>
      tpu.wait_indirect_dma semaphore(%arg28 : memref<!tpu.dma_semaphore, #tpu.memory_space<semaphore_mem>>) src(%arg16 : memref<128xf32, #tpu.memory_space<vmem>>) dst(%dma_wait3A_435 : memref<1152xf32, #tpu.memory_space<vmem_shared>>)
      %add3A_436 = arith.constant 2 : i32
      %add3A_437 = arith.addi %add3A_422, %add3A_436 : i32
      %mul3A_438 = arith.constant 128 : i32
      %mul3A_439 = arith.muli %add3A_437, %mul3A_438 : i32
      %dma_start3A_440 = tpu.memref_slice %arg10[%mul3A_439] : memref<4096xi32, #tpu.memory_space<vmem>> -> memref<128xi32, #tpu.memory_space<vmem>>
      %dma_start3A_441 = arith.constant 0 : i32
      %dma_start3A_442 = arith.constant 0 : i32
      %dma_start3A_443 = tpu.memref_slice %arg2[%dma_start3A_441, %dma_start3A_442] : memref<4096x128xf32, #tpu.memory_space<hbm>> -> memref<4096x128xf32, #tpu.memory_space<hbm>>
      tpu.enqueue_indirect_dma source(%dma_start3A_443 : memref<4096x128xf32, #tpu.memory_space<hbm>>) target(%arg12 : memref<128x128xf32, #tpu.memory_space<vmem>>) offsets(%dma_start3A_440 : memref<128xi32, #tpu.memory_space<vmem>>) semaphore(%arg20 : memref<!tpu.dma_semaphore, #tpu.memory_space<semaphore_mem>>)
      %mul3A_444 = arith.constant 128 : i32
      %mul3A_445 = arith.muli %add3A_422, %mul3A_444 : i32
      %dma_wait3A_446 = tpu.memref_slice %arg10[%mul3A_445] : memref<4096xi32, #tpu.memory_space<vmem>> -> memref<128xi32, #tpu.memory_space<vmem>>
      %dma_wait3A_447 = arith.constant 0 : i32
      %dma_wait3A_448 = arith.constant 0 : i32
      %dma_wait3A_449 = tpu.memref_slice %arg2[%dma_wait3A_447, %dma_wait3A_448] : memref<4096x128xf32, #tpu.memory_space<hbm>> -> memref<4096x128xf32, #tpu.memory_space<hbm>>
      tpu.wait_indirect_dma semaphore(%arg22 : memref<!tpu.dma_semaphore, #tpu.memory_space<semaphore_mem>>) src(%dma_wait3A_449 : memref<4096x128xf32, #tpu.memory_space<hbm>>) dst(%arg14 : memref<128x128xf32, #tpu.memory_space<vmem>>)
      %dma_start3A_450 = arith.constant 0 : i32
      %dma_start3A_451 = tpu.memref_slice %arg11[%add3A_422, %dma_start3A_450] : memref<32x128xi32, #tpu.memory_space<vmem>> -> memref<1x128xi32, #tpu.memory_space<vmem>>
      %dma_start3A_452 = tpu.memref_squeeze %dma_start3A_451 : memref<1x128xi32, #tpu.memory_space<vmem>> -> memref<128xi32, #tpu.memory_space<vmem>>
      %dma_start3A_453 = arith.constant 0 : i32
      %dma_start3A_454 = arith.constant 0 : i32
      %dma_start3A_455 = tpu.memref_slice %arg18[%dma_start3A_453, %dma_start3A_454] : memref<1152x128xf32, #tpu.memory_space<vmem_shared>> -> memref<1152x128xf32, #tpu.memory_space<vmem_shared>>
      tpu.enqueue_indirect_dma source(%arg14 : memref<128x128xf32, #tpu.memory_space<vmem>>) target(%dma_start3A_455 : memref<1152x128xf32, #tpu.memory_space<vmem_shared>>) offsets(%dma_start3A_452 : memref<128xi32, #tpu.memory_space<vmem>>) semaphore(%arg26 : memref<!tpu.dma_semaphore, #tpu.memory_space<semaphore_mem>>) {add = true}
      %dma_start3A_456 = arith.constant 0 : i32
      %dma_start3A_457 = tpu.memref_slice %arg11[%add3A_422, %dma_start3A_456] : memref<32x128xi32, #tpu.memory_space<vmem>> -> memref<1x128xi32, #tpu.memory_space<vmem>>
      %dma_start3A_458 = tpu.memref_squeeze %dma_start3A_457 : memref<1x128xi32, #tpu.memory_space<vmem>> -> memref<128xi32, #tpu.memory_space<vmem>>
      %dma_start3A_459 = arith.constant 0 : i32
      %dma_start3A_460 = tpu.memref_slice %arg19[%dma_start3A_459] : memref<1152xf32, #tpu.memory_space<vmem_shared>> -> memref<1152xf32, #tpu.memory_space<vmem_shared>>
      tpu.enqueue_indirect_dma source(%arg16 : memref<128xf32, #tpu.memory_space<vmem>>) target(%dma_start3A_460 : memref<1152xf32, #tpu.memory_space<vmem_shared>>) offsets(%dma_start3A_458 : memref<128xi32, #tpu.memory_space<vmem>>) semaphore(%arg30 : memref<!tpu.dma_semaphore, #tpu.memory_space<semaphore_mem>>) {add = true}
      %add3A_461 = arith.constant 3 : i32
      %add3A_462 = arith.addi %mul3A_341, %add3A_461 : i32
      %sub3A_463 = arith.constant 2 : i32
      %sub3A_464 = arith.subi %add3A_462, %sub3A_463 : i32
      %dma_wait3A_465 = arith.constant 0 : i32
      %dma_wait3A_466 = tpu.memref_slice %arg11[%sub3A_464, %dma_wait3A_465] : memref<32x128xi32, #tpu.memory_space<vmem>> -> memref<1x128xi32, #tpu.memory_space<vmem>>
      %dma_wait3A_467 = tpu.memref_squeeze %dma_wait3A_466 : memref<1x128xi32, #tpu.memory_space<vmem>> -> memref<128xi32, #tpu.memory_space<vmem>>
      %dma_wait3A_468 = arith.constant 0 : i32
      %dma_wait3A_469 = arith.constant 0 : i32
      %dma_wait3A_470 = tpu.memref_slice %arg18[%dma_wait3A_468, %dma_wait3A_469] : memref<1152x128xf32, #tpu.memory_space<vmem_shared>> -> memref<1152x128xf32, #tpu.memory_space<vmem_shared>>
      tpu.wait_indirect_dma semaphore(%arg25 : memref<!tpu.dma_semaphore, #tpu.memory_space<semaphore_mem>>) src(%arg13 : memref<128x128xf32, #tpu.memory_space<vmem>>) dst(%dma_wait3A_470 : memref<1152x128xf32, #tpu.memory_space<vmem_shared>>)
      %dma_wait3A_471 = arith.constant 0 : i32
      %dma_wait3A_472 = tpu.memref_slice %arg11[%sub3A_464, %dma_wait3A_471] : memref<32x128xi32, #tpu.memory_space<vmem>> -> memref<1x128xi32, #tpu.memory_space<vmem>>
      %dma_wait3A_473 = tpu.memref_squeeze %dma_wait3A_472 : memref<1x128xi32, #tpu.memory_space<vmem>> -> memref<128xi32, #tpu.memory_space<vmem>>
      %dma_wait3A_474 = arith.constant 0 : i32
      %dma_wait3A_475 = tpu.memref_slice %arg19[%dma_wait3A_474] : memref<1152xf32, #tpu.memory_space<vmem_shared>> -> memref<1152xf32, #tpu.memory_space<vmem_shared>>
      tpu.wait_indirect_dma semaphore(%arg29 : memref<!tpu.dma_semaphore, #tpu.memory_space<semaphore_mem>>) src(%arg16 : memref<128xf32, #tpu.memory_space<vmem>>) dst(%dma_wait3A_475 : memref<1152xf32, #tpu.memory_space<vmem_shared>>)
      %add3A_476 = arith.constant 2 : i32
      %add3A_477 = arith.addi %add3A_462, %add3A_476 : i32
      %mul3A_478 = arith.constant 128 : i32
      %mul3A_479 = arith.muli %add3A_477, %mul3A_478 : i32
      %dma_start3A_480 = tpu.memref_slice %arg10[%mul3A_479] : memref<4096xi32, #tpu.memory_space<vmem>> -> memref<128xi32, #tpu.memory_space<vmem>>
      %dma_start3A_481 = arith.constant 0 : i32
      %dma_start3A_482 = arith.constant 0 : i32
      %dma_start3A_483 = tpu.memref_slice %arg2[%dma_start3A_481, %dma_start3A_482] : memref<4096x128xf32, #tpu.memory_space<hbm>> -> memref<4096x128xf32, #tpu.memory_space<hbm>>
      tpu.enqueue_indirect_dma source(%dma_start3A_483 : memref<4096x128xf32, #tpu.memory_space<hbm>>) target(%arg13 : memref<128x128xf32, #tpu.memory_space<vmem>>) offsets(%dma_start3A_480 : memref<128xi32, #tpu.memory_space<vmem>>) semaphore(%arg21 : memref<!tpu.dma_semaphore, #tpu.memory_space<semaphore_mem>>)
      %mul3A_484 = arith.constant 128 : i32
      %mul3A_485 = arith.muli %add3A_462, %mul3A_484 : i32
      %dma_wait3A_486 = tpu.memref_slice %arg10[%mul3A_485] : memref<4096xi32, #tpu.memory_space<vmem>> -> memref<128xi32, #tpu.memory_space<vmem>>
      %dma_wait3A_487 = arith.constant 0 : i32
      %dma_wait3A_488 = arith.constant 0 : i32
      %dma_wait3A_489 = tpu.memref_slice %arg2[%dma_wait3A_487, %dma_wait3A_488] : memref<4096x128xf32, #tpu.memory_space<hbm>> -> memref<4096x128xf32, #tpu.memory_space<hbm>>
      tpu.wait_indirect_dma semaphore(%arg23 : memref<!tpu.dma_semaphore, #tpu.memory_space<semaphore_mem>>) src(%dma_wait3A_489 : memref<4096x128xf32, #tpu.memory_space<hbm>>) dst(%arg15 : memref<128x128xf32, #tpu.memory_space<vmem>>)
      %dma_start3A_490 = arith.constant 0 : i32
      %dma_start3A_491 = tpu.memref_slice %arg11[%add3A_462, %dma_start3A_490] : memref<32x128xi32, #tpu.memory_space<vmem>> -> memref<1x128xi32, #tpu.memory_space<vmem>>
      %dma_start3A_492 = tpu.memref_squeeze %dma_start3A_491 : memref<1x128xi32, #tpu.memory_space<vmem>> -> memref<128xi32, #tpu.memory_space<vmem>>
      %dma_start3A_493 = arith.constant 0 : i32
      %dma_start3A_494 = arith.constant 0 : i32
      %dma_start3A_495 = tpu.memref_slice %arg18[%dma_start3A_493, %dma_start3A_494] : memref<1152x128xf32, #tpu.memory_space<vmem_shared>> -> memref<1152x128xf32, #tpu.memory_space<vmem_shared>>
      tpu.enqueue_indirect_dma source(%arg15 : memref<128x128xf32, #tpu.memory_space<vmem>>) target(%dma_start3A_495 : memref<1152x128xf32, #tpu.memory_space<vmem_shared>>) offsets(%dma_start3A_492 : memref<128xi32, #tpu.memory_space<vmem>>) semaphore(%arg27 : memref<!tpu.dma_semaphore, #tpu.memory_space<semaphore_mem>>) {add = true}
      %dma_start3A_496 = arith.constant 0 : i32
      %dma_start3A_497 = tpu.memref_slice %arg11[%add3A_462, %dma_start3A_496] : memref<32x128xi32, #tpu.memory_space<vmem>> -> memref<1x128xi32, #tpu.memory_space<vmem>>
      %dma_start3A_498 = tpu.memref_squeeze %dma_start3A_497 : memref<1x128xi32, #tpu.memory_space<vmem>> -> memref<128xi32, #tpu.memory_space<vmem>>
      %dma_start3A_499 = arith.constant 0 : i32
      %dma_start3A_500 = tpu.memref_slice %arg19[%dma_start3A_499] : memref<1152xf32, #tpu.memory_space<vmem_shared>> -> memref<1152xf32, #tpu.memory_space<vmem_shared>>
      tpu.enqueue_indirect_dma source(%arg16 : memref<128xf32, #tpu.memory_space<vmem>>) target(%dma_start3A_500 : memref<1152xf32, #tpu.memory_space<vmem_shared>>) offsets(%dma_start3A_498 : memref<128xi32, #tpu.memory_space<vmem>>) semaphore(%arg31 : memref<!tpu.dma_semaphore, #tpu.memory_space<semaphore_mem>>) {add = true}
    }
    %scan3A_160 = arith.constant 6 : i32
    %dma_wait3A_161 = arith.constant 26 : i32
    %dma_wait3A_162 = arith.constant 0 : i32
    %dma_wait3A_163 = tpu.memref_slice %arg11[%dma_wait3A_161, %dma_wait3A_162] : memref<32x128xi32, #tpu.memory_space<vmem>> -> memref<1x128xi32, #tpu.memory_space<vmem>>
    %dma_wait3A_164 = tpu.memref_squeeze %dma_wait3A_163 : memref<1x128xi32, #tpu.memory_space<vmem>> -> memref<128xi32, #tpu.memory_space<vmem>>
    %dma_wait3A_165 = arith.constant 0 : i32
    %dma_wait3A_166 = arith.constant 0 : i32
    %dma_wait3A_167 = tpu.memref_slice %arg18[%dma_wait3A_165, %dma_wait3A_166] : memref<1152x128xf32, #tpu.memory_space<vmem_shared>> -> memref<1152x128xf32, #tpu.memory_space<vmem_shared>>
    tpu.wait_indirect_dma semaphore(%arg26 : memref<!tpu.dma_semaphore, #tpu.memory_space<semaphore_mem>>) src(%arg14 : memref<128x128xf32, #tpu.memory_space<vmem>>) dst(%dma_wait3A_167 : memref<1152x128xf32, #tpu.memory_space<vmem_shared>>)
    %dma_wait3A_168 = arith.constant 26 : i32
    %dma_wait3A_169 = arith.constant 0 : i32
    %dma_wait3A_170 = tpu.memref_slice %arg11[%dma_wait3A_168, %dma_wait3A_169] : memref<32x128xi32, #tpu.memory_space<vmem>> -> memref<1x128xi32, #tpu.memory_space<vmem>>
    %dma_wait3A_171 = tpu.memref_squeeze %dma_wait3A_170 : memref<1x128xi32, #tpu.memory_space<vmem>> -> memref<128xi32, #tpu.memory_space<vmem>>
    %dma_wait3A_172 = arith.constant 0 : i32
    %dma_wait3A_173 = tpu.memref_slice %arg19[%dma_wait3A_172] : memref<1152xf32, #tpu.memory_space<vmem_shared>> -> memref<1152xf32, #tpu.memory_space<vmem_shared>>
    tpu.wait_indirect_dma semaphore(%arg30 : memref<!tpu.dma_semaphore, #tpu.memory_space<semaphore_mem>>) src(%arg16 : memref<128xf32, #tpu.memory_space<vmem>>) dst(%dma_wait3A_173 : memref<1152xf32, #tpu.memory_space<vmem_shared>>)
    %dma_start3A_174 = arith.constant 3840 : i32
    %dma_start3A_175 = tpu.memref_slice %arg10[%dma_start3A_174] : memref<4096xi32, #tpu.memory_space<vmem>> -> memref<128xi32, #tpu.memory_space<vmem>>
    %dma_start3A_176 = arith.constant 0 : i32
    %dma_start3A_177 = arith.constant 0 : i32
    %dma_start3A_178 = tpu.memref_slice %arg2[%dma_start3A_176, %dma_start3A_177] : memref<4096x128xf32, #tpu.memory_space<hbm>> -> memref<4096x128xf32, #tpu.memory_space<hbm>>
    tpu.enqueue_indirect_dma source(%dma_start3A_178 : memref<4096x128xf32, #tpu.memory_space<hbm>>) target(%arg14 : memref<128x128xf32, #tpu.memory_space<vmem>>) offsets(%dma_start3A_175 : memref<128xi32, #tpu.memory_space<vmem>>) semaphore(%arg22 : memref<!tpu.dma_semaphore, #tpu.memory_space<semaphore_mem>>)
    %dma_wait3A_179 = arith.constant 3584 : i32
    %dma_wait3A_180 = tpu.memref_slice %arg10[%dma_wait3A_179] : memref<4096xi32, #tpu.memory_space<vmem>> -> memref<128xi32, #tpu.memory_space<vmem>>
    %dma_wait3A_181 = arith.constant 0 : i32
    %dma_wait3A_182 = arith.constant 0 : i32
    %dma_wait3A_183 = tpu.memref_slice %arg2[%dma_wait3A_181, %dma_wait3A_182] : memref<4096x128xf32, #tpu.memory_space<hbm>> -> memref<4096x128xf32, #tpu.memory_space<hbm>>
    tpu.wait_indirect_dma semaphore(%arg20 : memref<!tpu.dma_semaphore, #tpu.memory_space<semaphore_mem>>) src(%dma_wait3A_183 : memref<4096x128xf32, #tpu.memory_space<hbm>>) dst(%arg12 : memref<128x128xf32, #tpu.memory_space<vmem>>)
    %dma_start3A_184 = arith.constant 28 : i32
    %dma_start3A_185 = arith.constant 0 : i32
    %dma_start3A_186 = tpu.memref_slice %arg11[%dma_start3A_184, %dma_start3A_185] : memref<32x128xi32, #tpu.memory_space<vmem>> -> memref<1x128xi32, #tpu.memory_space<vmem>>
    %dma_start3A_187 = tpu.memref_squeeze %dma_start3A_186 : memref<1x128xi32, #tpu.memory_space<vmem>> -> memref<128xi32, #tpu.memory_space<vmem>>
    %dma_start3A_188 = arith.constant 0 : i32
    %dma_start3A_189 = arith.constant 0 : i32
    %dma_start3A_190 = tpu.memref_slice %arg18[%dma_start3A_188, %dma_start3A_189] : memref<1152x128xf32, #tpu.memory_space<vmem_shared>> -> memref<1152x128xf32, #tpu.memory_space<vmem_shared>>
    tpu.enqueue_indirect_dma source(%arg12 : memref<128x128xf32, #tpu.memory_space<vmem>>) target(%dma_start3A_190 : memref<1152x128xf32, #tpu.memory_space<vmem_shared>>) offsets(%dma_start3A_187 : memref<128xi32, #tpu.memory_space<vmem>>) semaphore(%arg24 : memref<!tpu.dma_semaphore, #tpu.memory_space<semaphore_mem>>) {add = true}
    %dma_start3A_191 = arith.constant 28 : i32
    %dma_start3A_192 = arith.constant 0 : i32
    %dma_start3A_193 = tpu.memref_slice %arg11[%dma_start3A_191, %dma_start3A_192] : memref<32x128xi32, #tpu.memory_space<vmem>> -> memref<1x128xi32, #tpu.memory_space<vmem>>
    %dma_start3A_194 = tpu.memref_squeeze %dma_start3A_193 : memref<1x128xi32, #tpu.memory_space<vmem>> -> memref<128xi32, #tpu.memory_space<vmem>>
    %dma_start3A_195 = arith.constant 0 : i32
    %dma_start3A_196 = tpu.memref_slice %arg19[%dma_start3A_195] : memref<1152xf32, #tpu.memory_space<vmem_shared>> -> memref<1152xf32, #tpu.memory_space<vmem_shared>>
    tpu.enqueue_indirect_dma source(%arg16 : memref<128xf32, #tpu.memory_space<vmem>>) target(%dma_start3A_196 : memref<1152xf32, #tpu.memory_space<vmem_shared>>) offsets(%dma_start3A_194 : memref<128xi32, #tpu.memory_space<vmem>>) semaphore(%arg28 : memref<!tpu.dma_semaphore, #tpu.memory_space<semaphore_mem>>) {add = true}
    %dma_wait3A_197 = arith.constant 27 : i32
    %dma_wait3A_198 = arith.constant 0 : i32
    %dma_wait3A_199 = tpu.memref_slice %arg11[%dma_wait3A_197, %dma_wait3A_198] : memref<32x128xi32, #tpu.memory_space<vmem>> -> memref<1x128xi32, #tpu.memory_space<vmem>>
    %dma_wait3A_200 = tpu.memref_squeeze %dma_wait3A_199 : memref<1x128xi32, #tpu.memory_space<vmem>> -> memref<128xi32, #tpu.memory_space<vmem>>
    %dma_wait3A_201 = arith.constant 0 : i32
    %dma_wait3A_202 = arith.constant 0 : i32
    %dma_wait3A_203 = tpu.memref_slice %arg18[%dma_wait3A_201, %dma_wait3A_202] : memref<1152x128xf32, #tpu.memory_space<vmem_shared>> -> memref<1152x128xf32, #tpu.memory_space<vmem_shared>>
    tpu.wait_indirect_dma semaphore(%arg27 : memref<!tpu.dma_semaphore, #tpu.memory_space<semaphore_mem>>) src(%arg15 : memref<128x128xf32, #tpu.memory_space<vmem>>) dst(%dma_wait3A_203 : memref<1152x128xf32, #tpu.memory_space<vmem_shared>>)
    %dma_wait3A_204 = arith.constant 27 : i32
    %dma_wait3A_205 = arith.constant 0 : i32
    %dma_wait3A_206 = tpu.memref_slice %arg11[%dma_wait3A_204, %dma_wait3A_205] : memref<32x128xi32, #tpu.memory_space<vmem>> -> memref<1x128xi32, #tpu.memory_space<vmem>>
    %dma_wait3A_207 = tpu.memref_squeeze %dma_wait3A_206 : memref<1x128xi32, #tpu.memory_space<vmem>> -> memref<128xi32, #tpu.memory_space<vmem>>
    %dma_wait3A_208 = arith.constant 0 : i32
    %dma_wait3A_209 = tpu.memref_slice %arg19[%dma_wait3A_208] : memref<1152xf32, #tpu.memory_space<vmem_shared>> -> memref<1152xf32, #tpu.memory_space<vmem_shared>>
    tpu.wait_indirect_dma semaphore(%arg31 : memref<!tpu.dma_semaphore, #tpu.memory_space<semaphore_mem>>) src(%arg16 : memref<128xf32, #tpu.memory_space<vmem>>) dst(%dma_wait3A_209 : memref<1152xf32, #tpu.memory_space<vmem_shared>>)
    %dma_start3A_210 = arith.constant 3968 : i32
    %dma_start3A_211 = tpu.memref_slice %arg10[%dma_start3A_210] : memref<4096xi32, #tpu.memory_space<vmem>> -> memref<128xi32, #tpu.memory_space<vmem>>
    %dma_start3A_212 = arith.constant 0 : i32
    %dma_start3A_213 = arith.constant 0 : i32
    %dma_start3A_214 = tpu.memref_slice %arg2[%dma_start3A_212, %dma_start3A_213] : memref<4096x128xf32, #tpu.memory_space<hbm>> -> memref<4096x128xf32, #tpu.memory_space<hbm>>
    tpu.enqueue_indirect_dma source(%dma_start3A_214 : memref<4096x128xf32, #tpu.memory_space<hbm>>) target(%arg15 : memref<128x128xf32, #tpu.memory_space<vmem>>) offsets(%dma_start3A_211 : memref<128xi32, #tpu.memory_space<vmem>>) semaphore(%arg23 : memref<!tpu.dma_semaphore, #tpu.memory_space<semaphore_mem>>)
    %dma_wait3A_215 = arith.constant 3712 : i32
    %dma_wait3A_216 = tpu.memref_slice %arg10[%dma_wait3A_215] : memref<4096xi32, #tpu.memory_space<vmem>> -> memref<128xi32, #tpu.memory_space<vmem>>
    %dma_wait3A_217 = arith.constant 0 : i32
    %dma_wait3A_218 = arith.constant 0 : i32
    %dma_wait3A_219 = tpu.memref_slice %arg2[%dma_wait3A_217, %dma_wait3A_218] : memref<4096x128xf32, #tpu.memory_space<hbm>> -> memref<4096x128xf32, #tpu.memory_space<hbm>>
    tpu.wait_indirect_dma semaphore(%arg21 : memref<!tpu.dma_semaphore, #tpu.memory_space<semaphore_mem>>) src(%dma_wait3A_219 : memref<4096x128xf32, #tpu.memory_space<hbm>>) dst(%arg13 : memref<128x128xf32, #tpu.memory_space<vmem>>)
    %dma_start3A_220 = arith.constant 29 : i32
    %dma_start3A_221 = arith.constant 0 : i32
    %dma_start3A_222 = tpu.memref_slice %arg11[%dma_start3A_220, %dma_start3A_221] : memref<32x128xi32, #tpu.memory_space<vmem>> -> memref<1x128xi32, #tpu.memory_space<vmem>>
    %dma_start3A_223 = tpu.memref_squeeze %dma_start3A_222 : memref<1x128xi32, #tpu.memory_space<vmem>> -> memref<128xi32, #tpu.memory_space<vmem>>
    %dma_start3A_224 = arith.constant 0 : i32
    %dma_start3A_225 = arith.constant 0 : i32
    %dma_start3A_226 = tpu.memref_slice %arg18[%dma_start3A_224, %dma_start3A_225] : memref<1152x128xf32, #tpu.memory_space<vmem_shared>> -> memref<1152x128xf32, #tpu.memory_space<vmem_shared>>
    tpu.enqueue_indirect_dma source(%arg13 : memref<128x128xf32, #tpu.memory_space<vmem>>) target(%dma_start3A_226 : memref<1152x128xf32, #tpu.memory_space<vmem_shared>>) offsets(%dma_start3A_223 : memref<128xi32, #tpu.memory_space<vmem>>) semaphore(%arg25 : memref<!tpu.dma_semaphore, #tpu.memory_space<semaphore_mem>>) {add = true}
    %dma_start3A_227 = arith.constant 29 : i32
    %dma_start3A_228 = arith.constant 0 : i32
    %dma_start3A_229 = tpu.memref_slice %arg11[%dma_start3A_227, %dma_start3A_228] : memref<32x128xi32, #tpu.memory_space<vmem>> -> memref<1x128xi32, #tpu.memory_space<vmem>>
    %dma_start3A_230 = tpu.memref_squeeze %dma_start3A_229 : memref<1x128xi32, #tpu.memory_space<vmem>> -> memref<128xi32, #tpu.memory_space<vmem>>
    %dma_start3A_231 = arith.constant 0 : i32
    %dma_start3A_232 = tpu.memref_slice %arg19[%dma_start3A_231] : memref<1152xf32, #tpu.memory_space<vmem_shared>> -> memref<1152xf32, #tpu.memory_space<vmem_shared>>
    tpu.enqueue_indirect_dma source(%arg16 : memref<128xf32, #tpu.memory_space<vmem>>) target(%dma_start3A_232 : memref<1152xf32, #tpu.memory_space<vmem_shared>>) offsets(%dma_start3A_230 : memref<128xi32, #tpu.memory_space<vmem>>) semaphore(%arg29 : memref<!tpu.dma_semaphore, #tpu.memory_space<semaphore_mem>>) {add = true}
    %dma_wait3A_233 = arith.constant 3840 : i32
    %dma_wait3A_234 = tpu.memref_slice %arg10[%dma_wait3A_233] : memref<4096xi32, #tpu.memory_space<vmem>> -> memref<128xi32, #tpu.memory_space<vmem>>
    %dma_wait3A_235 = arith.constant 0 : i32
    %dma_wait3A_236 = arith.constant 0 : i32
    %dma_wait3A_237 = tpu.memref_slice %arg2[%dma_wait3A_235, %dma_wait3A_236] : memref<4096x128xf32, #tpu.memory_space<hbm>> -> memref<4096x128xf32, #tpu.memory_space<hbm>>
    tpu.wait_indirect_dma semaphore(%arg22 : memref<!tpu.dma_semaphore, #tpu.memory_space<semaphore_mem>>) src(%dma_wait3A_237 : memref<4096x128xf32, #tpu.memory_space<hbm>>) dst(%arg14 : memref<128x128xf32, #tpu.memory_space<vmem>>)
    %dma_start3A_238 = arith.constant 30 : i32
    %dma_start3A_239 = arith.constant 0 : i32
    %dma_start3A_240 = tpu.memref_slice %arg11[%dma_start3A_238, %dma_start3A_239] : memref<32x128xi32, #tpu.memory_space<vmem>> -> memref<1x128xi32, #tpu.memory_space<vmem>>
    %dma_start3A_241 = tpu.memref_squeeze %dma_start3A_240 : memref<1x128xi32, #tpu.memory_space<vmem>> -> memref<128xi32, #tpu.memory_space<vmem>>
    %dma_start3A_242 = arith.constant 0 : i32
    %dma_start3A_243 = arith.constant 0 : i32
    %dma_start3A_244 = tpu.memref_slice %arg18[%dma_start3A_242, %dma_start3A_243] : memref<1152x128xf32, #tpu.memory_space<vmem_shared>> -> memref<1152x128xf32, #tpu.memory_space<vmem_shared>>
    tpu.enqueue_indirect_dma source(%arg14 : memref<128x128xf32, #tpu.memory_space<vmem>>) target(%dma_start3A_244 : memref<1152x128xf32, #tpu.memory_space<vmem_shared>>) offsets(%dma_start3A_241 : memref<128xi32, #tpu.memory_space<vmem>>) semaphore(%arg26 : memref<!tpu.dma_semaphore, #tpu.memory_space<semaphore_mem>>) {add = true}
    %dma_start3A_245 = arith.constant 30 : i32
    %dma_start3A_246 = arith.constant 0 : i32
    %dma_start3A_247 = tpu.memref_slice %arg11[%dma_start3A_245, %dma_start3A_246] : memref<32x128xi32, #tpu.memory_space<vmem>> -> memref<1x128xi32, #tpu.memory_space<vmem>>
    %dma_start3A_248 = tpu.memref_squeeze %dma_start3A_247 : memref<1x128xi32, #tpu.memory_space<vmem>> -> memref<128xi32, #tpu.memory_space<vmem>>
    %dma_start3A_249 = arith.constant 0 : i32
    %dma_start3A_250 = tpu.memref_slice %arg19[%dma_start3A_249] : memref<1152xf32, #tpu.memory_space<vmem_shared>> -> memref<1152xf32, #tpu.memory_space<vmem_shared>>
    tpu.enqueue_indirect_dma source(%arg16 : memref<128xf32, #tpu.memory_space<vmem>>) target(%dma_start3A_250 : memref<1152xf32, #tpu.memory_space<vmem_shared>>) offsets(%dma_start3A_248 : memref<128xi32, #tpu.memory_space<vmem>>) semaphore(%arg30 : memref<!tpu.dma_semaphore, #tpu.memory_space<semaphore_mem>>) {add = true}
    %dma_wait3A_251 = arith.constant 3968 : i32
    %dma_wait3A_252 = tpu.memref_slice %arg10[%dma_wait3A_251] : memref<4096xi32, #tpu.memory_space<vmem>> -> memref<128xi32, #tpu.memory_space<vmem>>
    %dma_wait3A_253 = arith.constant 0 : i32
    %dma_wait3A_254 = arith.constant 0 : i32
    %dma_wait3A_255 = tpu.memref_slice %arg2[%dma_wait3A_253, %dma_wait3A_254] : memref<4096x128xf32, #tpu.memory_space<hbm>> -> memref<4096x128xf32, #tpu.memory_space<hbm>>
    tpu.wait_indirect_dma semaphore(%arg23 : memref<!tpu.dma_semaphore, #tpu.memory_space<semaphore_mem>>) src(%dma_wait3A_255 : memref<4096x128xf32, #tpu.memory_space<hbm>>) dst(%arg15 : memref<128x128xf32, #tpu.memory_space<vmem>>)
    %dma_start3A_256 = arith.constant 31 : i32
    %dma_start3A_257 = arith.constant 0 : i32
    %dma_start3A_258 = tpu.memref_slice %arg11[%dma_start3A_256, %dma_start3A_257] : memref<32x128xi32, #tpu.memory_space<vmem>> -> memref<1x128xi32, #tpu.memory_space<vmem>>
    %dma_start3A_259 = tpu.memref_squeeze %dma_start3A_258 : memref<1x128xi32, #tpu.memory_space<vmem>> -> memref<128xi32, #tpu.memory_space<vmem>>
    %dma_start3A_260 = arith.constant 0 : i32
    %dma_start3A_261 = arith.constant 0 : i32
    %dma_start3A_262 = tpu.memref_slice %arg18[%dma_start3A_260, %dma_start3A_261] : memref<1152x128xf32, #tpu.memory_space<vmem_shared>> -> memref<1152x128xf32, #tpu.memory_space<vmem_shared>>
    tpu.enqueue_indirect_dma source(%arg15 : memref<128x128xf32, #tpu.memory_space<vmem>>) target(%dma_start3A_262 : memref<1152x128xf32, #tpu.memory_space<vmem_shared>>) offsets(%dma_start3A_259 : memref<128xi32, #tpu.memory_space<vmem>>) semaphore(%arg27 : memref<!tpu.dma_semaphore, #tpu.memory_space<semaphore_mem>>) {add = true}
    %dma_start3A_263 = arith.constant 31 : i32
    %dma_start3A_264 = arith.constant 0 : i32
    %dma_start3A_265 = tpu.memref_slice %arg11[%dma_start3A_263, %dma_start3A_264] : memref<32x128xi32, #tpu.memory_space<vmem>> -> memref<1x128xi32, #tpu.memory_space<vmem>>
    %dma_start3A_266 = tpu.memref_squeeze %dma_start3A_265 : memref<1x128xi32, #tpu.memory_space<vmem>> -> memref<128xi32, #tpu.memory_space<vmem>>
    %dma_start3A_267 = arith.constant 0 : i32
    %dma_start3A_268 = tpu.memref_slice %arg19[%dma_start3A_267] : memref<1152xf32, #tpu.memory_space<vmem_shared>> -> memref<1152xf32, #tpu.memory_space<vmem_shared>>
    tpu.enqueue_indirect_dma source(%arg16 : memref<128xf32, #tpu.memory_space<vmem>>) target(%dma_start3A_268 : memref<1152xf32, #tpu.memory_space<vmem_shared>>) offsets(%dma_start3A_266 : memref<128xi32, #tpu.memory_space<vmem>>) semaphore(%arg31 : memref<!tpu.dma_semaphore, #tpu.memory_space<semaphore_mem>>) {add = true}
    %dma_wait3A_269 = arith.constant 28 : i32
    %dma_wait3A_270 = arith.constant 0 : i32
    %dma_wait3A_271 = tpu.memref_slice %arg11[%dma_wait3A_269, %dma_wait3A_270] : memref<32x128xi32, #tpu.memory_space<vmem>> -> memref<1x128xi32, #tpu.memory_space<vmem>>
    %dma_wait3A_272 = tpu.memref_squeeze %dma_wait3A_271 : memref<1x128xi32, #tpu.memory_space<vmem>> -> memref<128xi32, #tpu.memory_space<vmem>>
    %dma_wait3A_273 = arith.constant 0 : i32
    %dma_wait3A_274 = arith.constant 0 : i32
    %dma_wait3A_275 = tpu.memref_slice %arg18[%dma_wait3A_273, %dma_wait3A_274] : memref<1152x128xf32, #tpu.memory_space<vmem_shared>> -> memref<1152x128xf32, #tpu.memory_space<vmem_shared>>
    tpu.wait_indirect_dma semaphore(%arg24 : memref<!tpu.dma_semaphore, #tpu.memory_space<semaphore_mem>>) src(%arg12 : memref<128x128xf32, #tpu.memory_space<vmem>>) dst(%dma_wait3A_275 : memref<1152x128xf32, #tpu.memory_space<vmem_shared>>)
    %dma_wait3A_276 = arith.constant 28 : i32
    %dma_wait3A_277 = arith.constant 0 : i32
    %dma_wait3A_278 = tpu.memref_slice %arg11[%dma_wait3A_276, %dma_wait3A_277] : memref<32x128xi32, #tpu.memory_space<vmem>> -> memref<1x128xi32, #tpu.memory_space<vmem>>
    %dma_wait3A_279 = tpu.memref_squeeze %dma_wait3A_278 : memref<1x128xi32, #tpu.memory_space<vmem>> -> memref<128xi32, #tpu.memory_space<vmem>>
    %dma_wait3A_280 = arith.constant 0 : i32
    %dma_wait3A_281 = tpu.memref_slice %arg19[%dma_wait3A_280] : memref<1152xf32, #tpu.memory_space<vmem_shared>> -> memref<1152xf32, #tpu.memory_space<vmem_shared>>
    tpu.wait_indirect_dma semaphore(%arg28 : memref<!tpu.dma_semaphore, #tpu.memory_space<semaphore_mem>>) src(%arg16 : memref<128xf32, #tpu.memory_space<vmem>>) dst(%dma_wait3A_281 : memref<1152xf32, #tpu.memory_space<vmem_shared>>)
    %dma_wait3A_282 = arith.constant 29 : i32
    %dma_wait3A_283 = arith.constant 0 : i32
    %dma_wait3A_284 = tpu.memref_slice %arg11[%dma_wait3A_282, %dma_wait3A_283] : memref<32x128xi32, #tpu.memory_space<vmem>> -> memref<1x128xi32, #tpu.memory_space<vmem>>
    %dma_wait3A_285 = tpu.memref_squeeze %dma_wait3A_284 : memref<1x128xi32, #tpu.memory_space<vmem>> -> memref<128xi32, #tpu.memory_space<vmem>>
    %dma_wait3A_286 = arith.constant 0 : i32
    %dma_wait3A_287 = arith.constant 0 : i32
    %dma_wait3A_288 = tpu.memref_slice %arg18[%dma_wait3A_286, %dma_wait3A_287] : memref<1152x128xf32, #tpu.memory_space<vmem_shared>> -> memref<1152x128xf32, #tpu.memory_space<vmem_shared>>
    tpu.wait_indirect_dma semaphore(%arg25 : memref<!tpu.dma_semaphore, #tpu.memory_space<semaphore_mem>>) src(%arg13 : memref<128x128xf32, #tpu.memory_space<vmem>>) dst(%dma_wait3A_288 : memref<1152x128xf32, #tpu.memory_space<vmem_shared>>)
    %dma_wait3A_289 = arith.constant 29 : i32
    %dma_wait3A_290 = arith.constant 0 : i32
    %dma_wait3A_291 = tpu.memref_slice %arg11[%dma_wait3A_289, %dma_wait3A_290] : memref<32x128xi32, #tpu.memory_space<vmem>> -> memref<1x128xi32, #tpu.memory_space<vmem>>
    %dma_wait3A_292 = tpu.memref_squeeze %dma_wait3A_291 : memref<1x128xi32, #tpu.memory_space<vmem>> -> memref<128xi32, #tpu.memory_space<vmem>>
    %dma_wait3A_293 = arith.constant 0 : i32
    %dma_wait3A_294 = tpu.memref_slice %arg19[%dma_wait3A_293] : memref<1152xf32, #tpu.memory_space<vmem_shared>> -> memref<1152xf32, #tpu.memory_space<vmem_shared>>
    tpu.wait_indirect_dma semaphore(%arg29 : memref<!tpu.dma_semaphore, #tpu.memory_space<semaphore_mem>>) src(%arg16 : memref<128xf32, #tpu.memory_space<vmem>>) dst(%dma_wait3A_294 : memref<1152xf32, #tpu.memory_space<vmem_shared>>)
    %dma_wait3A_295 = arith.constant 30 : i32
    %dma_wait3A_296 = arith.constant 0 : i32
    %dma_wait3A_297 = tpu.memref_slice %arg11[%dma_wait3A_295, %dma_wait3A_296] : memref<32x128xi32, #tpu.memory_space<vmem>> -> memref<1x128xi32, #tpu.memory_space<vmem>>
    %dma_wait3A_298 = tpu.memref_squeeze %dma_wait3A_297 : memref<1x128xi32, #tpu.memory_space<vmem>> -> memref<128xi32, #tpu.memory_space<vmem>>
    %dma_wait3A_299 = arith.constant 0 : i32
    %dma_wait3A_300 = arith.constant 0 : i32
    %dma_wait3A_301 = tpu.memref_slice %arg18[%dma_wait3A_299, %dma_wait3A_300] : memref<1152x128xf32, #tpu.memory_space<vmem_shared>> -> memref<1152x128xf32, #tpu.memory_space<vmem_shared>>
    tpu.wait_indirect_dma semaphore(%arg26 : memref<!tpu.dma_semaphore, #tpu.memory_space<semaphore_mem>>) src(%arg14 : memref<128x128xf32, #tpu.memory_space<vmem>>) dst(%dma_wait3A_301 : memref<1152x128xf32, #tpu.memory_space<vmem_shared>>)
    %dma_wait3A_302 = arith.constant 30 : i32
    %dma_wait3A_303 = arith.constant 0 : i32
    %dma_wait3A_304 = tpu.memref_slice %arg11[%dma_wait3A_302, %dma_wait3A_303] : memref<32x128xi32, #tpu.memory_space<vmem>> -> memref<1x128xi32, #tpu.memory_space<vmem>>
    %dma_wait3A_305 = tpu.memref_squeeze %dma_wait3A_304 : memref<1x128xi32, #tpu.memory_space<vmem>> -> memref<128xi32, #tpu.memory_space<vmem>>
    %dma_wait3A_306 = arith.constant 0 : i32
    %dma_wait3A_307 = tpu.memref_slice %arg19[%dma_wait3A_306] : memref<1152xf32, #tpu.memory_space<vmem_shared>> -> memref<1152xf32, #tpu.memory_space<vmem_shared>>
    tpu.wait_indirect_dma semaphore(%arg30 : memref<!tpu.dma_semaphore, #tpu.memory_space<semaphore_mem>>) src(%arg16 : memref<128xf32, #tpu.memory_space<vmem>>) dst(%dma_wait3A_307 : memref<1152xf32, #tpu.memory_space<vmem_shared>>)
    %dma_wait3A_308 = arith.constant 31 : i32
    %dma_wait3A_309 = arith.constant 0 : i32
    %dma_wait3A_310 = tpu.memref_slice %arg11[%dma_wait3A_308, %dma_wait3A_309] : memref<32x128xi32, #tpu.memory_space<vmem>> -> memref<1x128xi32, #tpu.memory_space<vmem>>
    %dma_wait3A_311 = tpu.memref_squeeze %dma_wait3A_310 : memref<1x128xi32, #tpu.memory_space<vmem>> -> memref<128xi32, #tpu.memory_space<vmem>>
    %dma_wait3A_312 = arith.constant 0 : i32
    %dma_wait3A_313 = arith.constant 0 : i32
    %dma_wait3A_314 = tpu.memref_slice %arg18[%dma_wait3A_312, %dma_wait3A_313] : memref<1152x128xf32, #tpu.memory_space<vmem_shared>> -> memref<1152x128xf32, #tpu.memory_space<vmem_shared>>
    tpu.wait_indirect_dma semaphore(%arg27 : memref<!tpu.dma_semaphore, #tpu.memory_space<semaphore_mem>>) src(%arg15 : memref<128x128xf32, #tpu.memory_space<vmem>>) dst(%dma_wait3A_314 : memref<1152x128xf32, #tpu.memory_space<vmem_shared>>)
    %dma_wait3A_315 = arith.constant 31 : i32
    %dma_wait3A_316 = arith.constant 0 : i32
    %dma_wait3A_317 = tpu.memref_slice %arg11[%dma_wait3A_315, %dma_wait3A_316] : memref<32x128xi32, #tpu.memory_space<vmem>> -> memref<1x128xi32, #tpu.memory_space<vmem>>
    %dma_wait3A_318 = tpu.memref_squeeze %dma_wait3A_317 : memref<1x128xi32, #tpu.memory_space<vmem>> -> memref<128xi32, #tpu.memory_space<vmem>>
    %dma_wait3A_319 = arith.constant 0 : i32
    %dma_wait3A_320 = tpu.memref_slice %arg19[%dma_wait3A_319] : memref<1152xf32, #tpu.memory_space<vmem_shared>> -> memref<1152xf32, #tpu.memory_space<vmem_shared>>
    tpu.wait_indirect_dma semaphore(%arg31 : memref<!tpu.dma_semaphore, #tpu.memory_space<semaphore_mem>>) src(%arg16 : memref<128xf32, #tpu.memory_space<vmem>>) dst(%dma_wait3A_320 : memref<1152xf32, #tpu.memory_space<vmem_shared>>)
    %barrier3A_321 = arith.constant 0 : index
    tpu.barrier barrier_id(%barrier3A_321)
    %dma_start3A_322 = arith.constant 0 : i32
    %dma_start3A_323 = tpu.memref_slice %arg8[%arg0, %mul3A_2, %dma_start3A_322] : memref<2x1152x128xf32, #tpu.memory_space<hbm>> -> memref<1x72x128xf32, #tpu.memory_space<hbm>>
    %dma_start3A_324 = tpu.memref_squeeze %dma_start3A_323 : memref<1x72x128xf32, #tpu.memory_space<hbm>> -> memref<72x128xf32, #tpu.memory_space<hbm>>
    %dma_start3A_325 = arith.constant 0 : i32
    %dma_start3A_326 = tpu.memref_slice %arg18[%mul3A_2, %dma_start3A_325] : memref<1152x128xf32, #tpu.memory_space<vmem_shared>> -> memref<72x128xf32, #tpu.memory_space<vmem_shared>>
    tpu.enqueue_dma source(%dma_start3A_326 : memref<72x128xf32, #tpu.memory_space<vmem_shared>>) target(%dma_start3A_324 : memref<72x128xf32, #tpu.memory_space<hbm>>) target_semaphore(%arg24 : memref<!tpu.dma_semaphore, #tpu.memory_space<semaphore_mem>>)
    "tpu.region"() ({
      %run_scoped3A = tpu.sem_alloc : memref<!tpu.dma_semaphore, #tpu.memory_space<semaphore_mem>>
      %dma_start3A_335 = tpu.memref_slice %arg19[%mul3A_2] : memref<1152xf32, #tpu.memory_space<vmem_shared>> -> memref<72xf32, #tpu.memory_space<vmem_shared>>
      %dma_start3A_336 = tpu.memref_slice %arg19[%mul3A_2] : memref<1152xf32, #tpu.memory_space<vmem_shared>> -> memref<72xf32, #tpu.memory_space<vmem_shared>>
      tpu.enqueue_dma source(%dma_start3A_336 : memref<72xf32, #tpu.memory_space<vmem_shared>>) target(%arg17 : memref<72xf32, #tpu.memory_space<vmem>>) target_semaphore(%run_scoped3A : memref<!tpu.dma_semaphore, #tpu.memory_space<semaphore_mem>>)
      %dma_wait3A_337 = tpu.memref_slice %arg19[%mul3A_2] : memref<1152xf32, #tpu.memory_space<vmem_shared>> -> memref<72xf32, #tpu.memory_space<vmem_shared>>
      %dma_wait3A_338 = tpu.memref_slice %arg19[%mul3A_2] : memref<1152xf32, #tpu.memory_space<vmem_shared>> -> memref<72xf32, #tpu.memory_space<vmem_shared>>
      tpu.wait_dma2 semaphore(%run_scoped3A : memref<!tpu.dma_semaphore, #tpu.memory_space<semaphore_mem>>) src(%dma_wait3A_338 : memref<72xf32, #tpu.memory_space<vmem_shared>>) dst(%arg17 : memref<72xf32, #tpu.memory_space<vmem>>)
      tpu.yield
    }) : () -> ()
    %mul3A_327 = arith.constant 1152 : i32
    %mul3A_328 = arith.muli %arg0, %mul3A_327 : i32
    %add3A_329 = arith.addi %mul3A_328, %mul3A_2 : i32
    "tpu.region"() ({
      %run_scoped3A = tpu.sem_alloc : memref<!tpu.dma_semaphore, #tpu.memory_space<semaphore_mem>>
      %dma_start3A_335 = tpu.memref_slice %arg9[%add3A_329] : memref<2304xf32, #tpu.memory_space<hbm>> -> memref<72xf32, #tpu.memory_space<hbm>>
      %dma_start3A_336 = tpu.memref_slice %arg9[%add3A_329] : memref<2304xf32, #tpu.memory_space<hbm>> -> memref<72xf32, #tpu.memory_space<hbm>>
      tpu.enqueue_dma source(%arg17 : memref<72xf32, #tpu.memory_space<vmem>>) target(%dma_start3A_336 : memref<72xf32, #tpu.memory_space<hbm>>) target_semaphore(%run_scoped3A : memref<!tpu.dma_semaphore, #tpu.memory_space<semaphore_mem>>)
      %dma_wait3A_337 = tpu.memref_slice %arg9[%add3A_329] : memref<2304xf32, #tpu.memory_space<hbm>> -> memref<72xf32, #tpu.memory_space<hbm>>
      %dma_wait3A_338 = tpu.memref_slice %arg9[%add3A_329] : memref<2304xf32, #tpu.memory_space<hbm>> -> memref<72xf32, #tpu.memory_space<hbm>>
      tpu.wait_dma2 semaphore(%run_scoped3A : memref<!tpu.dma_semaphore, #tpu.memory_space<semaphore_mem>>) src(%arg17 : memref<72xf32, #tpu.memory_space<vmem>>) dst(%dma_wait3A_338 : memref<72xf32, #tpu.memory_space<hbm>>)
      tpu.yield
    }) : () -> ()
    %dma_wait3A_330 = arith.constant 0 : i32
    %dma_wait3A_331 = tpu.memref_slice %arg8[%arg0, %mul3A_2, %dma_wait3A_330] : memref<2x1152x128xf32, #tpu.memory_space<hbm>> -> memref<1x72x128xf32, #tpu.memory_space<hbm>>
    %dma_wait3A_332 = tpu.memref_squeeze %dma_wait3A_331 : memref<1x72x128xf32, #tpu.memory_space<hbm>> -> memref<72x128xf32, #tpu.memory_space<hbm>>
    %dma_wait3A_333 = arith.constant 0 : i32
    %dma_wait3A_334 = tpu.memref_slice %arg18[%mul3A_2, %dma_wait3A_333] : memref<1152x128xf32, #tpu.memory_space<vmem_shared>> -> memref<72x128xf32, #tpu.memory_space<vmem_shared>>
    tpu.wait_dma2 semaphore(%arg24 : memref<!tpu.dma_semaphore, #tpu.memory_space<semaphore_mem>>) src(%dma_wait3A_334 : memref<72x128xf32, #tpu.memory_space<vmem_shared>>) dst(%dma_wait3A_332 : memref<72x128xf32, #tpu.memory_space<hbm>>)
    return
  }
}

#map = affine_map<(d0, d1) -> (0, 0)>
#map1 = affine_map<(d0, d1) -> (0)>
#map2 = affine_map<(d0, d1) -> (0, 0, 0)>
module attributes {stable_mosaic.version = 14 : i64} {
  func.func @agg(%arg0: i32, %arg1: i32, %arg2: memref<10000x128xf32, #tpu.memory_space<hbm>>, %arg3: memref<327680xi32, #tpu.memory_space<hbm>>, %arg4: memref<2560x128xi32, #tpu.memory_space<hbm>>, %arg5: memref<4224x128xf32, #tpu.memory_space<hbm>>, %arg6: memref<4224xf32, #tpu.memory_space<hbm>>, %arg7: memref<128xf32, #tpu.memory_space<hbm>>, %arg8: memref<2x4224x128xf32, #tpu.memory_space<hbm>>, %arg9: memref<8448xf32, #tpu.memory_space<hbm>>, %arg10: memref<10240xi32, #tpu.memory_space<vmem>>, %arg11: memref<80x128xi32, #tpu.memory_space<vmem>>, %arg12: memref<128x128xf32, #tpu.memory_space<vmem>>, %arg13: memref<128x128xf32, #tpu.memory_space<vmem>>, %arg14: memref<128x128xf32, #tpu.memory_space<vmem>>, %arg15: memref<128x128xf32, #tpu.memory_space<vmem>>, %arg16: memref<128xf32, #tpu.memory_space<vmem>>, %arg17: memref<264xf32, #tpu.memory_space<vmem>>, %arg18: memref<4224x128xf32, #tpu.memory_space<vmem_shared>>, %arg19: memref<4224xf32, #tpu.memory_space<vmem_shared>>, %arg20: memref<!tpu.dma_semaphore, #tpu.memory_space<semaphore_mem>>, %arg21: memref<!tpu.dma_semaphore, #tpu.memory_space<semaphore_mem>>, %arg22: memref<!tpu.dma_semaphore, #tpu.memory_space<semaphore_mem>>, %arg23: memref<!tpu.dma_semaphore, #tpu.memory_space<semaphore_mem>>, %arg24: memref<!tpu.dma_semaphore, #tpu.memory_space<semaphore_mem>>, %arg25: memref<!tpu.dma_semaphore, #tpu.memory_space<semaphore_mem>>, %arg26: memref<!tpu.dma_semaphore, #tpu.memory_space<semaphore_mem>>, %arg27: memref<!tpu.dma_semaphore, #tpu.memory_space<semaphore_mem>>, %arg28: memref<!tpu.dma_semaphore, #tpu.memory_space<semaphore_mem>>, %arg29: memref<!tpu.dma_semaphore, #tpu.memory_space<semaphore_mem>>, %arg30: memref<!tpu.dma_semaphore, #tpu.memory_space<semaphore_mem>>, %arg31: memref<!tpu.dma_semaphore, #tpu.memory_space<semaphore_mem>>) attributes {dimension_semantics = [#tpu.dimension_semantics<core_parallel>, #tpu.dimension_semantics<subcore_parallel>], iteration_bounds = array<i64: 2, 16>, scalar_prefetch = 0 : i64, scratch_operands = 22 : i64, tpu.core_type = #tpu.core_type<sc_vector_subcore>, window_params = [{transform_indices = #map}, {transform_indices = #map1}, {transform_indices = #map}, {transform_indices = #map}, {transform_indices = #map1}, {transform_indices = #map1}, {transform_indices = #map2}, {transform_indices = #map1}]} {
    %mul3A = arith.constant 16 : i32
    %mul3A_0 = arith.muli %arg0, %mul3A : i32
    %add3A = arith.addi %mul3A_0, %arg1 : i32
    %mul3A_1 = arith.constant 264 : i32
    %mul3A_2 = arith.muli %arg1, %mul3A_1 : i32
    %mul3A_3 = arith.constant 10240 : i32
    %mul3A_4 = arith.muli %add3A, %mul3A_3 : i32
    %dma_start3A = tpu.memref_slice %arg3[%mul3A_4] : memref<327680xi32, #tpu.memory_space<hbm>> -> memref<10240xi32, #tpu.memory_space<hbm>>
    %dma_start3A_5 = tpu.memref_slice %arg3[%mul3A_4] : memref<327680xi32, #tpu.memory_space<hbm>> -> memref<10240xi32, #tpu.memory_space<hbm>>
    tpu.enqueue_dma source(%dma_start3A_5 : memref<10240xi32, #tpu.memory_space<hbm>>) target(%arg10 : memref<10240xi32, #tpu.memory_space<vmem>>) target_semaphore(%arg20 : memref<!tpu.dma_semaphore, #tpu.memory_space<semaphore_mem>>)
    %mul3A_6 = arith.constant 80 : i32
    %mul3A_7 = arith.muli %add3A, %mul3A_6 : i32
    %dma_start3A_8 = arith.constant 0 : i32
    %dma_start3A_9 = tpu.memref_slice %arg4[%mul3A_7, %dma_start3A_8] : memref<2560x128xi32, #tpu.memory_space<hbm>> -> memref<80x128xi32, #tpu.memory_space<hbm>>
    %dma_start3A_10 = arith.constant 0 : i32
    %dma_start3A_11 = tpu.memref_slice %arg4[%mul3A_7, %dma_start3A_10] : memref<2560x128xi32, #tpu.memory_space<hbm>> -> memref<80x128xi32, #tpu.memory_space<hbm>>
    tpu.enqueue_dma source(%dma_start3A_11 : memref<80x128xi32, #tpu.memory_space<hbm>>) target(%arg11 : memref<80x128xi32, #tpu.memory_space<vmem>>) target_semaphore(%arg21 : memref<!tpu.dma_semaphore, #tpu.memory_space<semaphore_mem>>)
    tpu.enqueue_dma source(%arg7 : memref<128xf32, #tpu.memory_space<hbm>>) target(%arg16 : memref<128xf32, #tpu.memory_space<vmem>>) target_semaphore(%arg28 : memref<!tpu.dma_semaphore, #tpu.memory_space<semaphore_mem>>)
    %dma_start3A_12 = arith.constant 0 : i32
    %dma_start3A_13 = tpu.memref_slice %arg18[%mul3A_2, %dma_start3A_12] : memref<4224x128xf32, #tpu.memory_space<vmem_shared>> -> memref<264x128xf32, #tpu.memory_space<vmem_shared>>
    %dma_start3A_14 = arith.constant 0 : i32
    %dma_start3A_15 = tpu.memref_slice %arg5[%mul3A_2, %dma_start3A_14] : memref<4224x128xf32, #tpu.memory_space<hbm>> -> memref<264x128xf32, #tpu.memory_space<hbm>>
    tpu.enqueue_dma source(%dma_start3A_15 : memref<264x128xf32, #tpu.memory_space<hbm>>) target(%dma_start3A_13 : memref<264x128xf32, #tpu.memory_space<vmem_shared>>) target_semaphore(%arg24 : memref<!tpu.dma_semaphore, #tpu.memory_space<semaphore_mem>>)
    %mul3A_16 = arith.constant 10240 : i32
    %mul3A_17 = arith.muli %add3A, %mul3A_16 : i32
    %dma_wait3A = tpu.memref_slice %arg3[%mul3A_17] : memref<327680xi32, #tpu.memory_space<hbm>> -> memref<10240xi32, #tpu.memory_space<hbm>>
    %dma_wait3A_18 = tpu.memref_slice %arg3[%mul3A_17] : memref<327680xi32, #tpu.memory_space<hbm>> -> memref<10240xi32, #tpu.memory_space<hbm>>
    tpu.wait_dma2 semaphore(%arg20 : memref<!tpu.dma_semaphore, #tpu.memory_space<semaphore_mem>>) src(%dma_wait3A_18 : memref<10240xi32, #tpu.memory_space<hbm>>) dst(%arg10 : memref<10240xi32, #tpu.memory_space<vmem>>)
    %dma_start3A_19 = arith.constant 0 : i32
    %dma_start3A_20 = tpu.memref_slice %arg10[%dma_start3A_19] : memref<10240xi32, #tpu.memory_space<vmem>> -> memref<128xi32, #tpu.memory_space<vmem>>
    %dma_start3A_21 = arith.constant 0 : i32
    %dma_start3A_22 = arith.constant 0 : i32
    %dma_start3A_23 = tpu.memref_slice %arg2[%dma_start3A_21, %dma_start3A_22] : memref<10000x128xf32, #tpu.memory_space<hbm>> -> memref<10000x128xf32, #tpu.memory_space<hbm>>
    tpu.enqueue_indirect_dma source(%dma_start3A_23 : memref<10000x128xf32, #tpu.memory_space<hbm>>) target(%arg12 : memref<128x128xf32, #tpu.memory_space<vmem>>) offsets(%dma_start3A_20 : memref<128xi32, #tpu.memory_space<vmem>>) semaphore(%arg20 : memref<!tpu.dma_semaphore, #tpu.memory_space<semaphore_mem>>)
    %dma_start3A_24 = arith.constant 128 : i32
    %dma_start3A_25 = tpu.memref_slice %arg10[%dma_start3A_24] : memref<10240xi32, #tpu.memory_space<vmem>> -> memref<128xi32, #tpu.memory_space<vmem>>
    %dma_start3A_26 = arith.constant 0 : i32
    %dma_start3A_27 = arith.constant 0 : i32
    %dma_start3A_28 = tpu.memref_slice %arg2[%dma_start3A_26, %dma_start3A_27] : memref<10000x128xf32, #tpu.memory_space<hbm>> -> memref<10000x128xf32, #tpu.memory_space<hbm>>
    tpu.enqueue_indirect_dma source(%dma_start3A_28 : memref<10000x128xf32, #tpu.memory_space<hbm>>) target(%arg13 : memref<128x128xf32, #tpu.memory_space<vmem>>) offsets(%dma_start3A_25 : memref<128xi32, #tpu.memory_space<vmem>>) semaphore(%arg21 : memref<!tpu.dma_semaphore, #tpu.memory_space<semaphore_mem>>)
    %mul3A_29 = arith.constant 80 : i32
    %mul3A_30 = arith.muli %add3A, %mul3A_29 : i32
    %dma_wait3A_31 = arith.constant 0 : i32
    %dma_wait3A_32 = tpu.memref_slice %arg4[%mul3A_30, %dma_wait3A_31] : memref<2560x128xi32, #tpu.memory_space<hbm>> -> memref<80x128xi32, #tpu.memory_space<hbm>>
    %dma_wait3A_33 = arith.constant 0 : i32
    %dma_wait3A_34 = tpu.memref_slice %arg4[%mul3A_30, %dma_wait3A_33] : memref<2560x128xi32, #tpu.memory_space<hbm>> -> memref<80x128xi32, #tpu.memory_space<hbm>>
    tpu.wait_dma2 semaphore(%arg21 : memref<!tpu.dma_semaphore, #tpu.memory_space<semaphore_mem>>) src(%dma_wait3A_34 : memref<80x128xi32, #tpu.memory_space<hbm>>) dst(%arg11 : memref<80x128xi32, #tpu.memory_space<vmem>>)
    tpu.wait_dma2 semaphore(%arg28 : memref<!tpu.dma_semaphore, #tpu.memory_space<semaphore_mem>>) src(%arg7 : memref<128xf32, #tpu.memory_space<hbm>>) dst(%arg16 : memref<128xf32, #tpu.memory_space<vmem>>)
    %dma_wait3A_35 = arith.constant 0 : i32
    %dma_wait3A_36 = tpu.memref_slice %arg18[%mul3A_2, %dma_wait3A_35] : memref<4224x128xf32, #tpu.memory_space<vmem_shared>> -> memref<264x128xf32, #tpu.memory_space<vmem_shared>>
    %dma_wait3A_37 = arith.constant 0 : i32
    %dma_wait3A_38 = tpu.memref_slice %arg5[%mul3A_2, %dma_wait3A_37] : memref<4224x128xf32, #tpu.memory_space<hbm>> -> memref<264x128xf32, #tpu.memory_space<hbm>>
    tpu.wait_dma2 semaphore(%arg24 : memref<!tpu.dma_semaphore, #tpu.memory_space<semaphore_mem>>) src(%dma_wait3A_38 : memref<264x128xf32, #tpu.memory_space<hbm>>) dst(%dma_wait3A_36 : memref<264x128xf32, #tpu.memory_space<vmem_shared>>)
    "tpu.region"() ({
      %run_scoped3A = tpu.sem_alloc : memref<!tpu.dma_semaphore, #tpu.memory_space<semaphore_mem>>
      %dma_start3A_335 = tpu.memref_slice %arg6[%mul3A_2] : memref<4224xf32, #tpu.memory_space<hbm>> -> memref<264xf32, #tpu.memory_space<hbm>>
      %dma_start3A_336 = tpu.memref_slice %arg6[%mul3A_2] : memref<4224xf32, #tpu.memory_space<hbm>> -> memref<264xf32, #tpu.memory_space<hbm>>
      tpu.enqueue_dma source(%dma_start3A_336 : memref<264xf32, #tpu.memory_space<hbm>>) target(%arg17 : memref<264xf32, #tpu.memory_space<vmem>>) target_semaphore(%run_scoped3A : memref<!tpu.dma_semaphore, #tpu.memory_space<semaphore_mem>>)
      %dma_wait3A_337 = tpu.memref_slice %arg6[%mul3A_2] : memref<4224xf32, #tpu.memory_space<hbm>> -> memref<264xf32, #tpu.memory_space<hbm>>
      %dma_wait3A_338 = tpu.memref_slice %arg6[%mul3A_2] : memref<4224xf32, #tpu.memory_space<hbm>> -> memref<264xf32, #tpu.memory_space<hbm>>
      tpu.wait_dma2 semaphore(%run_scoped3A : memref<!tpu.dma_semaphore, #tpu.memory_space<semaphore_mem>>) src(%dma_wait3A_338 : memref<264xf32, #tpu.memory_space<hbm>>) dst(%arg17 : memref<264xf32, #tpu.memory_space<vmem>>)
      tpu.yield
    }) : () -> ()
    "tpu.region"() ({
      %run_scoped3A = tpu.sem_alloc : memref<!tpu.dma_semaphore, #tpu.memory_space<semaphore_mem>>
      %dma_start3A_335 = tpu.memref_slice %arg19[%mul3A_2] : memref<4224xf32, #tpu.memory_space<vmem_shared>> -> memref<264xf32, #tpu.memory_space<vmem_shared>>
      %dma_start3A_336 = tpu.memref_slice %arg19[%mul3A_2] : memref<4224xf32, #tpu.memory_space<vmem_shared>> -> memref<264xf32, #tpu.memory_space<vmem_shared>>
      tpu.enqueue_dma source(%arg17 : memref<264xf32, #tpu.memory_space<vmem>>) target(%dma_start3A_336 : memref<264xf32, #tpu.memory_space<vmem_shared>>) target_semaphore(%run_scoped3A : memref<!tpu.dma_semaphore, #tpu.memory_space<semaphore_mem>>)
      %dma_wait3A_337 = tpu.memref_slice %arg19[%mul3A_2] : memref<4224xf32, #tpu.memory_space<vmem_shared>> -> memref<264xf32, #tpu.memory_space<vmem_shared>>
      %dma_wait3A_338 = tpu.memref_slice %arg19[%mul3A_2] : memref<4224xf32, #tpu.memory_space<vmem_shared>> -> memref<264xf32, #tpu.memory_space<vmem_shared>>
      tpu.wait_dma2 semaphore(%run_scoped3A : memref<!tpu.dma_semaphore, #tpu.memory_space<semaphore_mem>>) src(%arg17 : memref<264xf32, #tpu.memory_space<vmem>>) dst(%dma_wait3A_338 : memref<264xf32, #tpu.memory_space<vmem_shared>>)
      tpu.yield
    }) : () -> ()
    %barrier3A = arith.constant 0 : index
    tpu.barrier barrier_id(%barrier3A)
    %dma_start3A_39 = arith.constant 256 : i32
    %dma_start3A_40 = tpu.memref_slice %arg10[%dma_start3A_39] : memref<10240xi32, #tpu.memory_space<vmem>> -> memref<128xi32, #tpu.memory_space<vmem>>
    %dma_start3A_41 = arith.constant 0 : i32
    %dma_start3A_42 = arith.constant 0 : i32
    %dma_start3A_43 = tpu.memref_slice %arg2[%dma_start3A_41, %dma_start3A_42] : memref<10000x128xf32, #tpu.memory_space<hbm>> -> memref<10000x128xf32, #tpu.memory_space<hbm>>
    tpu.enqueue_indirect_dma source(%dma_start3A_43 : memref<10000x128xf32, #tpu.memory_space<hbm>>) target(%arg14 : memref<128x128xf32, #tpu.memory_space<vmem>>) offsets(%dma_start3A_40 : memref<128xi32, #tpu.memory_space<vmem>>) semaphore(%arg22 : memref<!tpu.dma_semaphore, #tpu.memory_space<semaphore_mem>>)
    %dma_wait3A_44 = arith.constant 0 : i32
    %dma_wait3A_45 = tpu.memref_slice %arg10[%dma_wait3A_44] : memref<10240xi32, #tpu.memory_space<vmem>> -> memref<128xi32, #tpu.memory_space<vmem>>
    %dma_wait3A_46 = arith.constant 0 : i32
    %dma_wait3A_47 = arith.constant 0 : i32
    %dma_wait3A_48 = tpu.memref_slice %arg2[%dma_wait3A_46, %dma_wait3A_47] : memref<10000x128xf32, #tpu.memory_space<hbm>> -> memref<10000x128xf32, #tpu.memory_space<hbm>>
    tpu.wait_indirect_dma semaphore(%arg20 : memref<!tpu.dma_semaphore, #tpu.memory_space<semaphore_mem>>) src(%dma_wait3A_48 : memref<10000x128xf32, #tpu.memory_space<hbm>>) dst(%arg12 : memref<128x128xf32, #tpu.memory_space<vmem>>)
    %dma_start3A_49 = arith.constant 0 : i32
    %dma_start3A_50 = arith.constant 0 : i32
    %dma_start3A_51 = tpu.memref_slice %arg11[%dma_start3A_49, %dma_start3A_50] : memref<80x128xi32, #tpu.memory_space<vmem>> -> memref<1x128xi32, #tpu.memory_space<vmem>>
    %dma_start3A_52 = tpu.memref_squeeze %dma_start3A_51 : memref<1x128xi32, #tpu.memory_space<vmem>> -> memref<128xi32, #tpu.memory_space<vmem>>
    %dma_start3A_53 = arith.constant 0 : i32
    %dma_start3A_54 = arith.constant 0 : i32
    %dma_start3A_55 = tpu.memref_slice %arg18[%dma_start3A_53, %dma_start3A_54] : memref<4224x128xf32, #tpu.memory_space<vmem_shared>> -> memref<4224x128xf32, #tpu.memory_space<vmem_shared>>
    tpu.enqueue_indirect_dma source(%arg12 : memref<128x128xf32, #tpu.memory_space<vmem>>) target(%dma_start3A_55 : memref<4224x128xf32, #tpu.memory_space<vmem_shared>>) offsets(%dma_start3A_52 : memref<128xi32, #tpu.memory_space<vmem>>) semaphore(%arg24 : memref<!tpu.dma_semaphore, #tpu.memory_space<semaphore_mem>>) {add = true}
    %dma_start3A_56 = arith.constant 0 : i32
    %dma_start3A_57 = arith.constant 0 : i32
    %dma_start3A_58 = tpu.memref_slice %arg11[%dma_start3A_56, %dma_start3A_57] : memref<80x128xi32, #tpu.memory_space<vmem>> -> memref<1x128xi32, #tpu.memory_space<vmem>>
    %dma_start3A_59 = tpu.memref_squeeze %dma_start3A_58 : memref<1x128xi32, #tpu.memory_space<vmem>> -> memref<128xi32, #tpu.memory_space<vmem>>
    %dma_start3A_60 = arith.constant 0 : i32
    %dma_start3A_61 = tpu.memref_slice %arg19[%dma_start3A_60] : memref<4224xf32, #tpu.memory_space<vmem_shared>> -> memref<4224xf32, #tpu.memory_space<vmem_shared>>
    tpu.enqueue_indirect_dma source(%arg16 : memref<128xf32, #tpu.memory_space<vmem>>) target(%dma_start3A_61 : memref<4224xf32, #tpu.memory_space<vmem_shared>>) offsets(%dma_start3A_59 : memref<128xi32, #tpu.memory_space<vmem>>) semaphore(%arg28 : memref<!tpu.dma_semaphore, #tpu.memory_space<semaphore_mem>>) {add = true}
    %dma_start3A_62 = arith.constant 384 : i32
    %dma_start3A_63 = tpu.memref_slice %arg10[%dma_start3A_62] : memref<10240xi32, #tpu.memory_space<vmem>> -> memref<128xi32, #tpu.memory_space<vmem>>
    %dma_start3A_64 = arith.constant 0 : i32
    %dma_start3A_65 = arith.constant 0 : i32
    %dma_start3A_66 = tpu.memref_slice %arg2[%dma_start3A_64, %dma_start3A_65] : memref<10000x128xf32, #tpu.memory_space<hbm>> -> memref<10000x128xf32, #tpu.memory_space<hbm>>
    tpu.enqueue_indirect_dma source(%dma_start3A_66 : memref<10000x128xf32, #tpu.memory_space<hbm>>) target(%arg15 : memref<128x128xf32, #tpu.memory_space<vmem>>) offsets(%dma_start3A_63 : memref<128xi32, #tpu.memory_space<vmem>>) semaphore(%arg23 : memref<!tpu.dma_semaphore, #tpu.memory_space<semaphore_mem>>)
    %dma_wait3A_67 = arith.constant 128 : i32
    %dma_wait3A_68 = tpu.memref_slice %arg10[%dma_wait3A_67] : memref<10240xi32, #tpu.memory_space<vmem>> -> memref<128xi32, #tpu.memory_space<vmem>>
    %dma_wait3A_69 = arith.constant 0 : i32
    %dma_wait3A_70 = arith.constant 0 : i32
    %dma_wait3A_71 = tpu.memref_slice %arg2[%dma_wait3A_69, %dma_wait3A_70] : memref<10000x128xf32, #tpu.memory_space<hbm>> -> memref<10000x128xf32, #tpu.memory_space<hbm>>
    tpu.wait_indirect_dma semaphore(%arg21 : memref<!tpu.dma_semaphore, #tpu.memory_space<semaphore_mem>>) src(%dma_wait3A_71 : memref<10000x128xf32, #tpu.memory_space<hbm>>) dst(%arg13 : memref<128x128xf32, #tpu.memory_space<vmem>>)
    %dma_start3A_72 = arith.constant 1 : i32
    %dma_start3A_73 = arith.constant 0 : i32
    %dma_start3A_74 = tpu.memref_slice %arg11[%dma_start3A_72, %dma_start3A_73] : memref<80x128xi32, #tpu.memory_space<vmem>> -> memref<1x128xi32, #tpu.memory_space<vmem>>
    %dma_start3A_75 = tpu.memref_squeeze %dma_start3A_74 : memref<1x128xi32, #tpu.memory_space<vmem>> -> memref<128xi32, #tpu.memory_space<vmem>>
    %dma_start3A_76 = arith.constant 0 : i32
    %dma_start3A_77 = arith.constant 0 : i32
    %dma_start3A_78 = tpu.memref_slice %arg18[%dma_start3A_76, %dma_start3A_77] : memref<4224x128xf32, #tpu.memory_space<vmem_shared>> -> memref<4224x128xf32, #tpu.memory_space<vmem_shared>>
    tpu.enqueue_indirect_dma source(%arg13 : memref<128x128xf32, #tpu.memory_space<vmem>>) target(%dma_start3A_78 : memref<4224x128xf32, #tpu.memory_space<vmem_shared>>) offsets(%dma_start3A_75 : memref<128xi32, #tpu.memory_space<vmem>>) semaphore(%arg25 : memref<!tpu.dma_semaphore, #tpu.memory_space<semaphore_mem>>) {add = true}
    %dma_start3A_79 = arith.constant 1 : i32
    %dma_start3A_80 = arith.constant 0 : i32
    %dma_start3A_81 = tpu.memref_slice %arg11[%dma_start3A_79, %dma_start3A_80] : memref<80x128xi32, #tpu.memory_space<vmem>> -> memref<1x128xi32, #tpu.memory_space<vmem>>
    %dma_start3A_82 = tpu.memref_squeeze %dma_start3A_81 : memref<1x128xi32, #tpu.memory_space<vmem>> -> memref<128xi32, #tpu.memory_space<vmem>>
    %dma_start3A_83 = arith.constant 0 : i32
    %dma_start3A_84 = tpu.memref_slice %arg19[%dma_start3A_83] : memref<4224xf32, #tpu.memory_space<vmem_shared>> -> memref<4224xf32, #tpu.memory_space<vmem_shared>>
    tpu.enqueue_indirect_dma source(%arg16 : memref<128xf32, #tpu.memory_space<vmem>>) target(%dma_start3A_84 : memref<4224xf32, #tpu.memory_space<vmem_shared>>) offsets(%dma_start3A_82 : memref<128xi32, #tpu.memory_space<vmem>>) semaphore(%arg29 : memref<!tpu.dma_semaphore, #tpu.memory_space<semaphore_mem>>) {add = true}
    %dma_wait3A_85 = arith.constant 0 : i32
    %dma_wait3A_86 = arith.constant 0 : i32
    %dma_wait3A_87 = tpu.memref_slice %arg11[%dma_wait3A_85, %dma_wait3A_86] : memref<80x128xi32, #tpu.memory_space<vmem>> -> memref<1x128xi32, #tpu.memory_space<vmem>>
    %dma_wait3A_88 = tpu.memref_squeeze %dma_wait3A_87 : memref<1x128xi32, #tpu.memory_space<vmem>> -> memref<128xi32, #tpu.memory_space<vmem>>
    %dma_wait3A_89 = arith.constant 0 : i32
    %dma_wait3A_90 = arith.constant 0 : i32
    %dma_wait3A_91 = tpu.memref_slice %arg18[%dma_wait3A_89, %dma_wait3A_90] : memref<4224x128xf32, #tpu.memory_space<vmem_shared>> -> memref<4224x128xf32, #tpu.memory_space<vmem_shared>>
    tpu.wait_indirect_dma semaphore(%arg24 : memref<!tpu.dma_semaphore, #tpu.memory_space<semaphore_mem>>) src(%arg12 : memref<128x128xf32, #tpu.memory_space<vmem>>) dst(%dma_wait3A_91 : memref<4224x128xf32, #tpu.memory_space<vmem_shared>>)
    %dma_wait3A_92 = arith.constant 0 : i32
    %dma_wait3A_93 = arith.constant 0 : i32
    %dma_wait3A_94 = tpu.memref_slice %arg11[%dma_wait3A_92, %dma_wait3A_93] : memref<80x128xi32, #tpu.memory_space<vmem>> -> memref<1x128xi32, #tpu.memory_space<vmem>>
    %dma_wait3A_95 = tpu.memref_squeeze %dma_wait3A_94 : memref<1x128xi32, #tpu.memory_space<vmem>> -> memref<128xi32, #tpu.memory_space<vmem>>
    %dma_wait3A_96 = arith.constant 0 : i32
    %dma_wait3A_97 = tpu.memref_slice %arg19[%dma_wait3A_96] : memref<4224xf32, #tpu.memory_space<vmem_shared>> -> memref<4224xf32, #tpu.memory_space<vmem_shared>>
    tpu.wait_indirect_dma semaphore(%arg28 : memref<!tpu.dma_semaphore, #tpu.memory_space<semaphore_mem>>) src(%arg16 : memref<128xf32, #tpu.memory_space<vmem>>) dst(%dma_wait3A_97 : memref<4224xf32, #tpu.memory_space<vmem_shared>>)
    %dma_start3A_98 = arith.constant 512 : i32
    %dma_start3A_99 = tpu.memref_slice %arg10[%dma_start3A_98] : memref<10240xi32, #tpu.memory_space<vmem>> -> memref<128xi32, #tpu.memory_space<vmem>>
    %dma_start3A_100 = arith.constant 0 : i32
    %dma_start3A_101 = arith.constant 0 : i32
    %dma_start3A_102 = tpu.memref_slice %arg2[%dma_start3A_100, %dma_start3A_101] : memref<10000x128xf32, #tpu.memory_space<hbm>> -> memref<10000x128xf32, #tpu.memory_space<hbm>>
    tpu.enqueue_indirect_dma source(%dma_start3A_102 : memref<10000x128xf32, #tpu.memory_space<hbm>>) target(%arg12 : memref<128x128xf32, #tpu.memory_space<vmem>>) offsets(%dma_start3A_99 : memref<128xi32, #tpu.memory_space<vmem>>) semaphore(%arg20 : memref<!tpu.dma_semaphore, #tpu.memory_space<semaphore_mem>>)
    %dma_wait3A_103 = arith.constant 256 : i32
    %dma_wait3A_104 = tpu.memref_slice %arg10[%dma_wait3A_103] : memref<10240xi32, #tpu.memory_space<vmem>> -> memref<128xi32, #tpu.memory_space<vmem>>
    %dma_wait3A_105 = arith.constant 0 : i32
    %dma_wait3A_106 = arith.constant 0 : i32
    %dma_wait3A_107 = tpu.memref_slice %arg2[%dma_wait3A_105, %dma_wait3A_106] : memref<10000x128xf32, #tpu.memory_space<hbm>> -> memref<10000x128xf32, #tpu.memory_space<hbm>>
    tpu.wait_indirect_dma semaphore(%arg22 : memref<!tpu.dma_semaphore, #tpu.memory_space<semaphore_mem>>) src(%dma_wait3A_107 : memref<10000x128xf32, #tpu.memory_space<hbm>>) dst(%arg14 : memref<128x128xf32, #tpu.memory_space<vmem>>)
    %dma_start3A_108 = arith.constant 2 : i32
    %dma_start3A_109 = arith.constant 0 : i32
    %dma_start3A_110 = tpu.memref_slice %arg11[%dma_start3A_108, %dma_start3A_109] : memref<80x128xi32, #tpu.memory_space<vmem>> -> memref<1x128xi32, #tpu.memory_space<vmem>>
    %dma_start3A_111 = tpu.memref_squeeze %dma_start3A_110 : memref<1x128xi32, #tpu.memory_space<vmem>> -> memref<128xi32, #tpu.memory_space<vmem>>
    %dma_start3A_112 = arith.constant 0 : i32
    %dma_start3A_113 = arith.constant 0 : i32
    %dma_start3A_114 = tpu.memref_slice %arg18[%dma_start3A_112, %dma_start3A_113] : memref<4224x128xf32, #tpu.memory_space<vmem_shared>> -> memref<4224x128xf32, #tpu.memory_space<vmem_shared>>
    tpu.enqueue_indirect_dma source(%arg14 : memref<128x128xf32, #tpu.memory_space<vmem>>) target(%dma_start3A_114 : memref<4224x128xf32, #tpu.memory_space<vmem_shared>>) offsets(%dma_start3A_111 : memref<128xi32, #tpu.memory_space<vmem>>) semaphore(%arg26 : memref<!tpu.dma_semaphore, #tpu.memory_space<semaphore_mem>>) {add = true}
    %dma_start3A_115 = arith.constant 2 : i32
    %dma_start3A_116 = arith.constant 0 : i32
    %dma_start3A_117 = tpu.memref_slice %arg11[%dma_start3A_115, %dma_start3A_116] : memref<80x128xi32, #tpu.memory_space<vmem>> -> memref<1x128xi32, #tpu.memory_space<vmem>>
    %dma_start3A_118 = tpu.memref_squeeze %dma_start3A_117 : memref<1x128xi32, #tpu.memory_space<vmem>> -> memref<128xi32, #tpu.memory_space<vmem>>
    %dma_start3A_119 = arith.constant 0 : i32
    %dma_start3A_120 = tpu.memref_slice %arg19[%dma_start3A_119] : memref<4224xf32, #tpu.memory_space<vmem_shared>> -> memref<4224xf32, #tpu.memory_space<vmem_shared>>
    tpu.enqueue_indirect_dma source(%arg16 : memref<128xf32, #tpu.memory_space<vmem>>) target(%dma_start3A_120 : memref<4224xf32, #tpu.memory_space<vmem_shared>>) offsets(%dma_start3A_118 : memref<128xi32, #tpu.memory_space<vmem>>) semaphore(%arg30 : memref<!tpu.dma_semaphore, #tpu.memory_space<semaphore_mem>>) {add = true}
    %dma_wait3A_121 = arith.constant 1 : i32
    %dma_wait3A_122 = arith.constant 0 : i32
    %dma_wait3A_123 = tpu.memref_slice %arg11[%dma_wait3A_121, %dma_wait3A_122] : memref<80x128xi32, #tpu.memory_space<vmem>> -> memref<1x128xi32, #tpu.memory_space<vmem>>
    %dma_wait3A_124 = tpu.memref_squeeze %dma_wait3A_123 : memref<1x128xi32, #tpu.memory_space<vmem>> -> memref<128xi32, #tpu.memory_space<vmem>>
    %dma_wait3A_125 = arith.constant 0 : i32
    %dma_wait3A_126 = arith.constant 0 : i32
    %dma_wait3A_127 = tpu.memref_slice %arg18[%dma_wait3A_125, %dma_wait3A_126] : memref<4224x128xf32, #tpu.memory_space<vmem_shared>> -> memref<4224x128xf32, #tpu.memory_space<vmem_shared>>
    tpu.wait_indirect_dma semaphore(%arg25 : memref<!tpu.dma_semaphore, #tpu.memory_space<semaphore_mem>>) src(%arg13 : memref<128x128xf32, #tpu.memory_space<vmem>>) dst(%dma_wait3A_127 : memref<4224x128xf32, #tpu.memory_space<vmem_shared>>)
    %dma_wait3A_128 = arith.constant 1 : i32
    %dma_wait3A_129 = arith.constant 0 : i32
    %dma_wait3A_130 = tpu.memref_slice %arg11[%dma_wait3A_128, %dma_wait3A_129] : memref<80x128xi32, #tpu.memory_space<vmem>> -> memref<1x128xi32, #tpu.memory_space<vmem>>
    %dma_wait3A_131 = tpu.memref_squeeze %dma_wait3A_130 : memref<1x128xi32, #tpu.memory_space<vmem>> -> memref<128xi32, #tpu.memory_space<vmem>>
    %dma_wait3A_132 = arith.constant 0 : i32
    %dma_wait3A_133 = tpu.memref_slice %arg19[%dma_wait3A_132] : memref<4224xf32, #tpu.memory_space<vmem_shared>> -> memref<4224xf32, #tpu.memory_space<vmem_shared>>
    tpu.wait_indirect_dma semaphore(%arg29 : memref<!tpu.dma_semaphore, #tpu.memory_space<semaphore_mem>>) src(%arg16 : memref<128xf32, #tpu.memory_space<vmem>>) dst(%dma_wait3A_133 : memref<4224xf32, #tpu.memory_space<vmem_shared>>)
    %dma_start3A_134 = arith.constant 640 : i32
    %dma_start3A_135 = tpu.memref_slice %arg10[%dma_start3A_134] : memref<10240xi32, #tpu.memory_space<vmem>> -> memref<128xi32, #tpu.memory_space<vmem>>
    %dma_start3A_136 = arith.constant 0 : i32
    %dma_start3A_137 = arith.constant 0 : i32
    %dma_start3A_138 = tpu.memref_slice %arg2[%dma_start3A_136, %dma_start3A_137] : memref<10000x128xf32, #tpu.memory_space<hbm>> -> memref<10000x128xf32, #tpu.memory_space<hbm>>
    tpu.enqueue_indirect_dma source(%dma_start3A_138 : memref<10000x128xf32, #tpu.memory_space<hbm>>) target(%arg13 : memref<128x128xf32, #tpu.memory_space<vmem>>) offsets(%dma_start3A_135 : memref<128xi32, #tpu.memory_space<vmem>>) semaphore(%arg21 : memref<!tpu.dma_semaphore, #tpu.memory_space<semaphore_mem>>)
    %dma_wait3A_139 = arith.constant 384 : i32
    %dma_wait3A_140 = tpu.memref_slice %arg10[%dma_wait3A_139] : memref<10240xi32, #tpu.memory_space<vmem>> -> memref<128xi32, #tpu.memory_space<vmem>>
    %dma_wait3A_141 = arith.constant 0 : i32
    %dma_wait3A_142 = arith.constant 0 : i32
    %dma_wait3A_143 = tpu.memref_slice %arg2[%dma_wait3A_141, %dma_wait3A_142] : memref<10000x128xf32, #tpu.memory_space<hbm>> -> memref<10000x128xf32, #tpu.memory_space<hbm>>
    tpu.wait_indirect_dma semaphore(%arg23 : memref<!tpu.dma_semaphore, #tpu.memory_space<semaphore_mem>>) src(%dma_wait3A_143 : memref<10000x128xf32, #tpu.memory_space<hbm>>) dst(%arg15 : memref<128x128xf32, #tpu.memory_space<vmem>>)
    %dma_start3A_144 = arith.constant 3 : i32
    %dma_start3A_145 = arith.constant 0 : i32
    %dma_start3A_146 = tpu.memref_slice %arg11[%dma_start3A_144, %dma_start3A_145] : memref<80x128xi32, #tpu.memory_space<vmem>> -> memref<1x128xi32, #tpu.memory_space<vmem>>
    %dma_start3A_147 = tpu.memref_squeeze %dma_start3A_146 : memref<1x128xi32, #tpu.memory_space<vmem>> -> memref<128xi32, #tpu.memory_space<vmem>>
    %dma_start3A_148 = arith.constant 0 : i32
    %dma_start3A_149 = arith.constant 0 : i32
    %dma_start3A_150 = tpu.memref_slice %arg18[%dma_start3A_148, %dma_start3A_149] : memref<4224x128xf32, #tpu.memory_space<vmem_shared>> -> memref<4224x128xf32, #tpu.memory_space<vmem_shared>>
    tpu.enqueue_indirect_dma source(%arg15 : memref<128x128xf32, #tpu.memory_space<vmem>>) target(%dma_start3A_150 : memref<4224x128xf32, #tpu.memory_space<vmem_shared>>) offsets(%dma_start3A_147 : memref<128xi32, #tpu.memory_space<vmem>>) semaphore(%arg27 : memref<!tpu.dma_semaphore, #tpu.memory_space<semaphore_mem>>) {add = true}
    %dma_start3A_151 = arith.constant 3 : i32
    %dma_start3A_152 = arith.constant 0 : i32
    %dma_start3A_153 = tpu.memref_slice %arg11[%dma_start3A_151, %dma_start3A_152] : memref<80x128xi32, #tpu.memory_space<vmem>> -> memref<1x128xi32, #tpu.memory_space<vmem>>
    %dma_start3A_154 = tpu.memref_squeeze %dma_start3A_153 : memref<1x128xi32, #tpu.memory_space<vmem>> -> memref<128xi32, #tpu.memory_space<vmem>>
    %dma_start3A_155 = arith.constant 0 : i32
    %dma_start3A_156 = tpu.memref_slice %arg19[%dma_start3A_155] : memref<4224xf32, #tpu.memory_space<vmem_shared>> -> memref<4224xf32, #tpu.memory_space<vmem_shared>>
    tpu.enqueue_indirect_dma source(%arg16 : memref<128xf32, #tpu.memory_space<vmem>>) target(%dma_start3A_156 : memref<4224xf32, #tpu.memory_space<vmem_shared>>) offsets(%dma_start3A_154 : memref<128xi32, #tpu.memory_space<vmem>>) semaphore(%arg31 : memref<!tpu.dma_semaphore, #tpu.memory_space<semaphore_mem>>) {add = true}
    %scan3A = arith.constant 0 : i32
    %scan3A_157 = arith.constant 18 : i32
    %scan3A_158 = arith.addi %scan3A, %scan3A_157 : i32
    %scan3A_159 = arith.constant 1 : i32
    scf.for %scan3A_335 = %scan3A to %scan3A_158 step %scan3A_159  : i32 {
      %mul3A_336 = arith.constant 1 : i32
      %mul3A_337 = arith.muli %scan3A_335, %mul3A_336 : i32
      %add3A_338 = arith.constant 1 : i32
      %add3A_339 = arith.addi %add3A_338, %mul3A_337 : i32
      %mul3A_340 = arith.constant 4 : i32
      %mul3A_341 = arith.muli %add3A_339, %mul3A_340 : i32
      %add3A_342 = arith.constant 0 : i32
      %add3A_343 = arith.addi %mul3A_341, %add3A_342 : i32
      %sub3A = arith.constant 2 : i32
      %sub3A_344 = arith.subi %add3A_343, %sub3A : i32
      %dma_wait3A_345 = arith.constant 0 : i32
      %dma_wait3A_346 = tpu.memref_slice %arg11[%sub3A_344, %dma_wait3A_345] : memref<80x128xi32, #tpu.memory_space<vmem>> -> memref<1x128xi32, #tpu.memory_space<vmem>>
      %dma_wait3A_347 = tpu.memref_squeeze %dma_wait3A_346 : memref<1x128xi32, #tpu.memory_space<vmem>> -> memref<128xi32, #tpu.memory_space<vmem>>
      %dma_wait3A_348 = arith.constant 0 : i32
      %dma_wait3A_349 = arith.constant 0 : i32
      %dma_wait3A_350 = tpu.memref_slice %arg18[%dma_wait3A_348, %dma_wait3A_349] : memref<4224x128xf32, #tpu.memory_space<vmem_shared>> -> memref<4224x128xf32, #tpu.memory_space<vmem_shared>>
      tpu.wait_indirect_dma semaphore(%arg26 : memref<!tpu.dma_semaphore, #tpu.memory_space<semaphore_mem>>) src(%arg14 : memref<128x128xf32, #tpu.memory_space<vmem>>) dst(%dma_wait3A_350 : memref<4224x128xf32, #tpu.memory_space<vmem_shared>>)
      %dma_wait3A_351 = arith.constant 0 : i32
      %dma_wait3A_352 = tpu.memref_slice %arg11[%sub3A_344, %dma_wait3A_351] : memref<80x128xi32, #tpu.memory_space<vmem>> -> memref<1x128xi32, #tpu.memory_space<vmem>>
      %dma_wait3A_353 = tpu.memref_squeeze %dma_wait3A_352 : memref<1x128xi32, #tpu.memory_space<vmem>> -> memref<128xi32, #tpu.memory_space<vmem>>
      %dma_wait3A_354 = arith.constant 0 : i32
      %dma_wait3A_355 = tpu.memref_slice %arg19[%dma_wait3A_354] : memref<4224xf32, #tpu.memory_space<vmem_shared>> -> memref<4224xf32, #tpu.memory_space<vmem_shared>>
      tpu.wait_indirect_dma semaphore(%arg30 : memref<!tpu.dma_semaphore, #tpu.memory_space<semaphore_mem>>) src(%arg16 : memref<128xf32, #tpu.memory_space<vmem>>) dst(%dma_wait3A_355 : memref<4224xf32, #tpu.memory_space<vmem_shared>>)
      %add3A_356 = arith.constant 2 : i32
      %add3A_357 = arith.addi %add3A_343, %add3A_356 : i32
      %mul3A_358 = arith.constant 128 : i32
      %mul3A_359 = arith.muli %add3A_357, %mul3A_358 : i32
      %dma_start3A_360 = tpu.memref_slice %arg10[%mul3A_359] : memref<10240xi32, #tpu.memory_space<vmem>> -> memref<128xi32, #tpu.memory_space<vmem>>
      %dma_start3A_361 = arith.constant 0 : i32
      %dma_start3A_362 = arith.constant 0 : i32
      %dma_start3A_363 = tpu.memref_slice %arg2[%dma_start3A_361, %dma_start3A_362] : memref<10000x128xf32, #tpu.memory_space<hbm>> -> memref<10000x128xf32, #tpu.memory_space<hbm>>
      tpu.enqueue_indirect_dma source(%dma_start3A_363 : memref<10000x128xf32, #tpu.memory_space<hbm>>) target(%arg14 : memref<128x128xf32, #tpu.memory_space<vmem>>) offsets(%dma_start3A_360 : memref<128xi32, #tpu.memory_space<vmem>>) semaphore(%arg22 : memref<!tpu.dma_semaphore, #tpu.memory_space<semaphore_mem>>)
      %mul3A_364 = arith.constant 128 : i32
      %mul3A_365 = arith.muli %add3A_343, %mul3A_364 : i32
      %dma_wait3A_366 = tpu.memref_slice %arg10[%mul3A_365] : memref<10240xi32, #tpu.memory_space<vmem>> -> memref<128xi32, #tpu.memory_space<vmem>>
      %dma_wait3A_367 = arith.constant 0 : i32
      %dma_wait3A_368 = arith.constant 0 : i32
      %dma_wait3A_369 = tpu.memref_slice %arg2[%dma_wait3A_367, %dma_wait3A_368] : memref<10000x128xf32, #tpu.memory_space<hbm>> -> memref<10000x128xf32, #tpu.memory_space<hbm>>
      tpu.wait_indirect_dma semaphore(%arg20 : memref<!tpu.dma_semaphore, #tpu.memory_space<semaphore_mem>>) src(%dma_wait3A_369 : memref<10000x128xf32, #tpu.memory_space<hbm>>) dst(%arg12 : memref<128x128xf32, #tpu.memory_space<vmem>>)
      %dma_start3A_370 = arith.constant 0 : i32
      %dma_start3A_371 = tpu.memref_slice %arg11[%add3A_343, %dma_start3A_370] : memref<80x128xi32, #tpu.memory_space<vmem>> -> memref<1x128xi32, #tpu.memory_space<vmem>>
      %dma_start3A_372 = tpu.memref_squeeze %dma_start3A_371 : memref<1x128xi32, #tpu.memory_space<vmem>> -> memref<128xi32, #tpu.memory_space<vmem>>
      %dma_start3A_373 = arith.constant 0 : i32
      %dma_start3A_374 = arith.constant 0 : i32
      %dma_start3A_375 = tpu.memref_slice %arg18[%dma_start3A_373, %dma_start3A_374] : memref<4224x128xf32, #tpu.memory_space<vmem_shared>> -> memref<4224x128xf32, #tpu.memory_space<vmem_shared>>
      tpu.enqueue_indirect_dma source(%arg12 : memref<128x128xf32, #tpu.memory_space<vmem>>) target(%dma_start3A_375 : memref<4224x128xf32, #tpu.memory_space<vmem_shared>>) offsets(%dma_start3A_372 : memref<128xi32, #tpu.memory_space<vmem>>) semaphore(%arg24 : memref<!tpu.dma_semaphore, #tpu.memory_space<semaphore_mem>>) {add = true}
      %dma_start3A_376 = arith.constant 0 : i32
      %dma_start3A_377 = tpu.memref_slice %arg11[%add3A_343, %dma_start3A_376] : memref<80x128xi32, #tpu.memory_space<vmem>> -> memref<1x128xi32, #tpu.memory_space<vmem>>
      %dma_start3A_378 = tpu.memref_squeeze %dma_start3A_377 : memref<1x128xi32, #tpu.memory_space<vmem>> -> memref<128xi32, #tpu.memory_space<vmem>>
      %dma_start3A_379 = arith.constant 0 : i32
      %dma_start3A_380 = tpu.memref_slice %arg19[%dma_start3A_379] : memref<4224xf32, #tpu.memory_space<vmem_shared>> -> memref<4224xf32, #tpu.memory_space<vmem_shared>>
      tpu.enqueue_indirect_dma source(%arg16 : memref<128xf32, #tpu.memory_space<vmem>>) target(%dma_start3A_380 : memref<4224xf32, #tpu.memory_space<vmem_shared>>) offsets(%dma_start3A_378 : memref<128xi32, #tpu.memory_space<vmem>>) semaphore(%arg28 : memref<!tpu.dma_semaphore, #tpu.memory_space<semaphore_mem>>) {add = true}
      %add3A_381 = arith.constant 1 : i32
      %add3A_382 = arith.addi %mul3A_341, %add3A_381 : i32
      %sub3A_383 = arith.constant 2 : i32
      %sub3A_384 = arith.subi %add3A_382, %sub3A_383 : i32
      %dma_wait3A_385 = arith.constant 0 : i32
      %dma_wait3A_386 = tpu.memref_slice %arg11[%sub3A_384, %dma_wait3A_385] : memref<80x128xi32, #tpu.memory_space<vmem>> -> memref<1x128xi32, #tpu.memory_space<vmem>>
      %dma_wait3A_387 = tpu.memref_squeeze %dma_wait3A_386 : memref<1x128xi32, #tpu.memory_space<vmem>> -> memref<128xi32, #tpu.memory_space<vmem>>
      %dma_wait3A_388 = arith.constant 0 : i32
      %dma_wait3A_389 = arith.constant 0 : i32
      %dma_wait3A_390 = tpu.memref_slice %arg18[%dma_wait3A_388, %dma_wait3A_389] : memref<4224x128xf32, #tpu.memory_space<vmem_shared>> -> memref<4224x128xf32, #tpu.memory_space<vmem_shared>>
      tpu.wait_indirect_dma semaphore(%arg27 : memref<!tpu.dma_semaphore, #tpu.memory_space<semaphore_mem>>) src(%arg15 : memref<128x128xf32, #tpu.memory_space<vmem>>) dst(%dma_wait3A_390 : memref<4224x128xf32, #tpu.memory_space<vmem_shared>>)
      %dma_wait3A_391 = arith.constant 0 : i32
      %dma_wait3A_392 = tpu.memref_slice %arg11[%sub3A_384, %dma_wait3A_391] : memref<80x128xi32, #tpu.memory_space<vmem>> -> memref<1x128xi32, #tpu.memory_space<vmem>>
      %dma_wait3A_393 = tpu.memref_squeeze %dma_wait3A_392 : memref<1x128xi32, #tpu.memory_space<vmem>> -> memref<128xi32, #tpu.memory_space<vmem>>
      %dma_wait3A_394 = arith.constant 0 : i32
      %dma_wait3A_395 = tpu.memref_slice %arg19[%dma_wait3A_394] : memref<4224xf32, #tpu.memory_space<vmem_shared>> -> memref<4224xf32, #tpu.memory_space<vmem_shared>>
      tpu.wait_indirect_dma semaphore(%arg31 : memref<!tpu.dma_semaphore, #tpu.memory_space<semaphore_mem>>) src(%arg16 : memref<128xf32, #tpu.memory_space<vmem>>) dst(%dma_wait3A_395 : memref<4224xf32, #tpu.memory_space<vmem_shared>>)
      %add3A_396 = arith.constant 2 : i32
      %add3A_397 = arith.addi %add3A_382, %add3A_396 : i32
      %mul3A_398 = arith.constant 128 : i32
      %mul3A_399 = arith.muli %add3A_397, %mul3A_398 : i32
      %dma_start3A_400 = tpu.memref_slice %arg10[%mul3A_399] : memref<10240xi32, #tpu.memory_space<vmem>> -> memref<128xi32, #tpu.memory_space<vmem>>
      %dma_start3A_401 = arith.constant 0 : i32
      %dma_start3A_402 = arith.constant 0 : i32
      %dma_start3A_403 = tpu.memref_slice %arg2[%dma_start3A_401, %dma_start3A_402] : memref<10000x128xf32, #tpu.memory_space<hbm>> -> memref<10000x128xf32, #tpu.memory_space<hbm>>
      tpu.enqueue_indirect_dma source(%dma_start3A_403 : memref<10000x128xf32, #tpu.memory_space<hbm>>) target(%arg15 : memref<128x128xf32, #tpu.memory_space<vmem>>) offsets(%dma_start3A_400 : memref<128xi32, #tpu.memory_space<vmem>>) semaphore(%arg23 : memref<!tpu.dma_semaphore, #tpu.memory_space<semaphore_mem>>)
      %mul3A_404 = arith.constant 128 : i32
      %mul3A_405 = arith.muli %add3A_382, %mul3A_404 : i32
      %dma_wait3A_406 = tpu.memref_slice %arg10[%mul3A_405] : memref<10240xi32, #tpu.memory_space<vmem>> -> memref<128xi32, #tpu.memory_space<vmem>>
      %dma_wait3A_407 = arith.constant 0 : i32
      %dma_wait3A_408 = arith.constant 0 : i32
      %dma_wait3A_409 = tpu.memref_slice %arg2[%dma_wait3A_407, %dma_wait3A_408] : memref<10000x128xf32, #tpu.memory_space<hbm>> -> memref<10000x128xf32, #tpu.memory_space<hbm>>
      tpu.wait_indirect_dma semaphore(%arg21 : memref<!tpu.dma_semaphore, #tpu.memory_space<semaphore_mem>>) src(%dma_wait3A_409 : memref<10000x128xf32, #tpu.memory_space<hbm>>) dst(%arg13 : memref<128x128xf32, #tpu.memory_space<vmem>>)
      %dma_start3A_410 = arith.constant 0 : i32
      %dma_start3A_411 = tpu.memref_slice %arg11[%add3A_382, %dma_start3A_410] : memref<80x128xi32, #tpu.memory_space<vmem>> -> memref<1x128xi32, #tpu.memory_space<vmem>>
      %dma_start3A_412 = tpu.memref_squeeze %dma_start3A_411 : memref<1x128xi32, #tpu.memory_space<vmem>> -> memref<128xi32, #tpu.memory_space<vmem>>
      %dma_start3A_413 = arith.constant 0 : i32
      %dma_start3A_414 = arith.constant 0 : i32
      %dma_start3A_415 = tpu.memref_slice %arg18[%dma_start3A_413, %dma_start3A_414] : memref<4224x128xf32, #tpu.memory_space<vmem_shared>> -> memref<4224x128xf32, #tpu.memory_space<vmem_shared>>
      tpu.enqueue_indirect_dma source(%arg13 : memref<128x128xf32, #tpu.memory_space<vmem>>) target(%dma_start3A_415 : memref<4224x128xf32, #tpu.memory_space<vmem_shared>>) offsets(%dma_start3A_412 : memref<128xi32, #tpu.memory_space<vmem>>) semaphore(%arg25 : memref<!tpu.dma_semaphore, #tpu.memory_space<semaphore_mem>>) {add = true}
      %dma_start3A_416 = arith.constant 0 : i32
      %dma_start3A_417 = tpu.memref_slice %arg11[%add3A_382, %dma_start3A_416] : memref<80x128xi32, #tpu.memory_space<vmem>> -> memref<1x128xi32, #tpu.memory_space<vmem>>
      %dma_start3A_418 = tpu.memref_squeeze %dma_start3A_417 : memref<1x128xi32, #tpu.memory_space<vmem>> -> memref<128xi32, #tpu.memory_space<vmem>>
      %dma_start3A_419 = arith.constant 0 : i32
      %dma_start3A_420 = tpu.memref_slice %arg19[%dma_start3A_419] : memref<4224xf32, #tpu.memory_space<vmem_shared>> -> memref<4224xf32, #tpu.memory_space<vmem_shared>>
      tpu.enqueue_indirect_dma source(%arg16 : memref<128xf32, #tpu.memory_space<vmem>>) target(%dma_start3A_420 : memref<4224xf32, #tpu.memory_space<vmem_shared>>) offsets(%dma_start3A_418 : memref<128xi32, #tpu.memory_space<vmem>>) semaphore(%arg29 : memref<!tpu.dma_semaphore, #tpu.memory_space<semaphore_mem>>) {add = true}
      %add3A_421 = arith.constant 2 : i32
      %add3A_422 = arith.addi %mul3A_341, %add3A_421 : i32
      %sub3A_423 = arith.constant 2 : i32
      %sub3A_424 = arith.subi %add3A_422, %sub3A_423 : i32
      %dma_wait3A_425 = arith.constant 0 : i32
      %dma_wait3A_426 = tpu.memref_slice %arg11[%sub3A_424, %dma_wait3A_425] : memref<80x128xi32, #tpu.memory_space<vmem>> -> memref<1x128xi32, #tpu.memory_space<vmem>>
      %dma_wait3A_427 = tpu.memref_squeeze %dma_wait3A_426 : memref<1x128xi32, #tpu.memory_space<vmem>> -> memref<128xi32, #tpu.memory_space<vmem>>
      %dma_wait3A_428 = arith.constant 0 : i32
      %dma_wait3A_429 = arith.constant 0 : i32
      %dma_wait3A_430 = tpu.memref_slice %arg18[%dma_wait3A_428, %dma_wait3A_429] : memref<4224x128xf32, #tpu.memory_space<vmem_shared>> -> memref<4224x128xf32, #tpu.memory_space<vmem_shared>>
      tpu.wait_indirect_dma semaphore(%arg24 : memref<!tpu.dma_semaphore, #tpu.memory_space<semaphore_mem>>) src(%arg12 : memref<128x128xf32, #tpu.memory_space<vmem>>) dst(%dma_wait3A_430 : memref<4224x128xf32, #tpu.memory_space<vmem_shared>>)
      %dma_wait3A_431 = arith.constant 0 : i32
      %dma_wait3A_432 = tpu.memref_slice %arg11[%sub3A_424, %dma_wait3A_431] : memref<80x128xi32, #tpu.memory_space<vmem>> -> memref<1x128xi32, #tpu.memory_space<vmem>>
      %dma_wait3A_433 = tpu.memref_squeeze %dma_wait3A_432 : memref<1x128xi32, #tpu.memory_space<vmem>> -> memref<128xi32, #tpu.memory_space<vmem>>
      %dma_wait3A_434 = arith.constant 0 : i32
      %dma_wait3A_435 = tpu.memref_slice %arg19[%dma_wait3A_434] : memref<4224xf32, #tpu.memory_space<vmem_shared>> -> memref<4224xf32, #tpu.memory_space<vmem_shared>>
      tpu.wait_indirect_dma semaphore(%arg28 : memref<!tpu.dma_semaphore, #tpu.memory_space<semaphore_mem>>) src(%arg16 : memref<128xf32, #tpu.memory_space<vmem>>) dst(%dma_wait3A_435 : memref<4224xf32, #tpu.memory_space<vmem_shared>>)
      %add3A_436 = arith.constant 2 : i32
      %add3A_437 = arith.addi %add3A_422, %add3A_436 : i32
      %mul3A_438 = arith.constant 128 : i32
      %mul3A_439 = arith.muli %add3A_437, %mul3A_438 : i32
      %dma_start3A_440 = tpu.memref_slice %arg10[%mul3A_439] : memref<10240xi32, #tpu.memory_space<vmem>> -> memref<128xi32, #tpu.memory_space<vmem>>
      %dma_start3A_441 = arith.constant 0 : i32
      %dma_start3A_442 = arith.constant 0 : i32
      %dma_start3A_443 = tpu.memref_slice %arg2[%dma_start3A_441, %dma_start3A_442] : memref<10000x128xf32, #tpu.memory_space<hbm>> -> memref<10000x128xf32, #tpu.memory_space<hbm>>
      tpu.enqueue_indirect_dma source(%dma_start3A_443 : memref<10000x128xf32, #tpu.memory_space<hbm>>) target(%arg12 : memref<128x128xf32, #tpu.memory_space<vmem>>) offsets(%dma_start3A_440 : memref<128xi32, #tpu.memory_space<vmem>>) semaphore(%arg20 : memref<!tpu.dma_semaphore, #tpu.memory_space<semaphore_mem>>)
      %mul3A_444 = arith.constant 128 : i32
      %mul3A_445 = arith.muli %add3A_422, %mul3A_444 : i32
      %dma_wait3A_446 = tpu.memref_slice %arg10[%mul3A_445] : memref<10240xi32, #tpu.memory_space<vmem>> -> memref<128xi32, #tpu.memory_space<vmem>>
      %dma_wait3A_447 = arith.constant 0 : i32
      %dma_wait3A_448 = arith.constant 0 : i32
      %dma_wait3A_449 = tpu.memref_slice %arg2[%dma_wait3A_447, %dma_wait3A_448] : memref<10000x128xf32, #tpu.memory_space<hbm>> -> memref<10000x128xf32, #tpu.memory_space<hbm>>
      tpu.wait_indirect_dma semaphore(%arg22 : memref<!tpu.dma_semaphore, #tpu.memory_space<semaphore_mem>>) src(%dma_wait3A_449 : memref<10000x128xf32, #tpu.memory_space<hbm>>) dst(%arg14 : memref<128x128xf32, #tpu.memory_space<vmem>>)
      %dma_start3A_450 = arith.constant 0 : i32
      %dma_start3A_451 = tpu.memref_slice %arg11[%add3A_422, %dma_start3A_450] : memref<80x128xi32, #tpu.memory_space<vmem>> -> memref<1x128xi32, #tpu.memory_space<vmem>>
      %dma_start3A_452 = tpu.memref_squeeze %dma_start3A_451 : memref<1x128xi32, #tpu.memory_space<vmem>> -> memref<128xi32, #tpu.memory_space<vmem>>
      %dma_start3A_453 = arith.constant 0 : i32
      %dma_start3A_454 = arith.constant 0 : i32
      %dma_start3A_455 = tpu.memref_slice %arg18[%dma_start3A_453, %dma_start3A_454] : memref<4224x128xf32, #tpu.memory_space<vmem_shared>> -> memref<4224x128xf32, #tpu.memory_space<vmem_shared>>
      tpu.enqueue_indirect_dma source(%arg14 : memref<128x128xf32, #tpu.memory_space<vmem>>) target(%dma_start3A_455 : memref<4224x128xf32, #tpu.memory_space<vmem_shared>>) offsets(%dma_start3A_452 : memref<128xi32, #tpu.memory_space<vmem>>) semaphore(%arg26 : memref<!tpu.dma_semaphore, #tpu.memory_space<semaphore_mem>>) {add = true}
      %dma_start3A_456 = arith.constant 0 : i32
      %dma_start3A_457 = tpu.memref_slice %arg11[%add3A_422, %dma_start3A_456] : memref<80x128xi32, #tpu.memory_space<vmem>> -> memref<1x128xi32, #tpu.memory_space<vmem>>
      %dma_start3A_458 = tpu.memref_squeeze %dma_start3A_457 : memref<1x128xi32, #tpu.memory_space<vmem>> -> memref<128xi32, #tpu.memory_space<vmem>>
      %dma_start3A_459 = arith.constant 0 : i32
      %dma_start3A_460 = tpu.memref_slice %arg19[%dma_start3A_459] : memref<4224xf32, #tpu.memory_space<vmem_shared>> -> memref<4224xf32, #tpu.memory_space<vmem_shared>>
      tpu.enqueue_indirect_dma source(%arg16 : memref<128xf32, #tpu.memory_space<vmem>>) target(%dma_start3A_460 : memref<4224xf32, #tpu.memory_space<vmem_shared>>) offsets(%dma_start3A_458 : memref<128xi32, #tpu.memory_space<vmem>>) semaphore(%arg30 : memref<!tpu.dma_semaphore, #tpu.memory_space<semaphore_mem>>) {add = true}
      %add3A_461 = arith.constant 3 : i32
      %add3A_462 = arith.addi %mul3A_341, %add3A_461 : i32
      %sub3A_463 = arith.constant 2 : i32
      %sub3A_464 = arith.subi %add3A_462, %sub3A_463 : i32
      %dma_wait3A_465 = arith.constant 0 : i32
      %dma_wait3A_466 = tpu.memref_slice %arg11[%sub3A_464, %dma_wait3A_465] : memref<80x128xi32, #tpu.memory_space<vmem>> -> memref<1x128xi32, #tpu.memory_space<vmem>>
      %dma_wait3A_467 = tpu.memref_squeeze %dma_wait3A_466 : memref<1x128xi32, #tpu.memory_space<vmem>> -> memref<128xi32, #tpu.memory_space<vmem>>
      %dma_wait3A_468 = arith.constant 0 : i32
      %dma_wait3A_469 = arith.constant 0 : i32
      %dma_wait3A_470 = tpu.memref_slice %arg18[%dma_wait3A_468, %dma_wait3A_469] : memref<4224x128xf32, #tpu.memory_space<vmem_shared>> -> memref<4224x128xf32, #tpu.memory_space<vmem_shared>>
      tpu.wait_indirect_dma semaphore(%arg25 : memref<!tpu.dma_semaphore, #tpu.memory_space<semaphore_mem>>) src(%arg13 : memref<128x128xf32, #tpu.memory_space<vmem>>) dst(%dma_wait3A_470 : memref<4224x128xf32, #tpu.memory_space<vmem_shared>>)
      %dma_wait3A_471 = arith.constant 0 : i32
      %dma_wait3A_472 = tpu.memref_slice %arg11[%sub3A_464, %dma_wait3A_471] : memref<80x128xi32, #tpu.memory_space<vmem>> -> memref<1x128xi32, #tpu.memory_space<vmem>>
      %dma_wait3A_473 = tpu.memref_squeeze %dma_wait3A_472 : memref<1x128xi32, #tpu.memory_space<vmem>> -> memref<128xi32, #tpu.memory_space<vmem>>
      %dma_wait3A_474 = arith.constant 0 : i32
      %dma_wait3A_475 = tpu.memref_slice %arg19[%dma_wait3A_474] : memref<4224xf32, #tpu.memory_space<vmem_shared>> -> memref<4224xf32, #tpu.memory_space<vmem_shared>>
      tpu.wait_indirect_dma semaphore(%arg29 : memref<!tpu.dma_semaphore, #tpu.memory_space<semaphore_mem>>) src(%arg16 : memref<128xf32, #tpu.memory_space<vmem>>) dst(%dma_wait3A_475 : memref<4224xf32, #tpu.memory_space<vmem_shared>>)
      %add3A_476 = arith.constant 2 : i32
      %add3A_477 = arith.addi %add3A_462, %add3A_476 : i32
      %mul3A_478 = arith.constant 128 : i32
      %mul3A_479 = arith.muli %add3A_477, %mul3A_478 : i32
      %dma_start3A_480 = tpu.memref_slice %arg10[%mul3A_479] : memref<10240xi32, #tpu.memory_space<vmem>> -> memref<128xi32, #tpu.memory_space<vmem>>
      %dma_start3A_481 = arith.constant 0 : i32
      %dma_start3A_482 = arith.constant 0 : i32
      %dma_start3A_483 = tpu.memref_slice %arg2[%dma_start3A_481, %dma_start3A_482] : memref<10000x128xf32, #tpu.memory_space<hbm>> -> memref<10000x128xf32, #tpu.memory_space<hbm>>
      tpu.enqueue_indirect_dma source(%dma_start3A_483 : memref<10000x128xf32, #tpu.memory_space<hbm>>) target(%arg13 : memref<128x128xf32, #tpu.memory_space<vmem>>) offsets(%dma_start3A_480 : memref<128xi32, #tpu.memory_space<vmem>>) semaphore(%arg21 : memref<!tpu.dma_semaphore, #tpu.memory_space<semaphore_mem>>)
      %mul3A_484 = arith.constant 128 : i32
      %mul3A_485 = arith.muli %add3A_462, %mul3A_484 : i32
      %dma_wait3A_486 = tpu.memref_slice %arg10[%mul3A_485] : memref<10240xi32, #tpu.memory_space<vmem>> -> memref<128xi32, #tpu.memory_space<vmem>>
      %dma_wait3A_487 = arith.constant 0 : i32
      %dma_wait3A_488 = arith.constant 0 : i32
      %dma_wait3A_489 = tpu.memref_slice %arg2[%dma_wait3A_487, %dma_wait3A_488] : memref<10000x128xf32, #tpu.memory_space<hbm>> -> memref<10000x128xf32, #tpu.memory_space<hbm>>
      tpu.wait_indirect_dma semaphore(%arg23 : memref<!tpu.dma_semaphore, #tpu.memory_space<semaphore_mem>>) src(%dma_wait3A_489 : memref<10000x128xf32, #tpu.memory_space<hbm>>) dst(%arg15 : memref<128x128xf32, #tpu.memory_space<vmem>>)
      %dma_start3A_490 = arith.constant 0 : i32
      %dma_start3A_491 = tpu.memref_slice %arg11[%add3A_462, %dma_start3A_490] : memref<80x128xi32, #tpu.memory_space<vmem>> -> memref<1x128xi32, #tpu.memory_space<vmem>>
      %dma_start3A_492 = tpu.memref_squeeze %dma_start3A_491 : memref<1x128xi32, #tpu.memory_space<vmem>> -> memref<128xi32, #tpu.memory_space<vmem>>
      %dma_start3A_493 = arith.constant 0 : i32
      %dma_start3A_494 = arith.constant 0 : i32
      %dma_start3A_495 = tpu.memref_slice %arg18[%dma_start3A_493, %dma_start3A_494] : memref<4224x128xf32, #tpu.memory_space<vmem_shared>> -> memref<4224x128xf32, #tpu.memory_space<vmem_shared>>
      tpu.enqueue_indirect_dma source(%arg15 : memref<128x128xf32, #tpu.memory_space<vmem>>) target(%dma_start3A_495 : memref<4224x128xf32, #tpu.memory_space<vmem_shared>>) offsets(%dma_start3A_492 : memref<128xi32, #tpu.memory_space<vmem>>) semaphore(%arg27 : memref<!tpu.dma_semaphore, #tpu.memory_space<semaphore_mem>>) {add = true}
      %dma_start3A_496 = arith.constant 0 : i32
      %dma_start3A_497 = tpu.memref_slice %arg11[%add3A_462, %dma_start3A_496] : memref<80x128xi32, #tpu.memory_space<vmem>> -> memref<1x128xi32, #tpu.memory_space<vmem>>
      %dma_start3A_498 = tpu.memref_squeeze %dma_start3A_497 : memref<1x128xi32, #tpu.memory_space<vmem>> -> memref<128xi32, #tpu.memory_space<vmem>>
      %dma_start3A_499 = arith.constant 0 : i32
      %dma_start3A_500 = tpu.memref_slice %arg19[%dma_start3A_499] : memref<4224xf32, #tpu.memory_space<vmem_shared>> -> memref<4224xf32, #tpu.memory_space<vmem_shared>>
      tpu.enqueue_indirect_dma source(%arg16 : memref<128xf32, #tpu.memory_space<vmem>>) target(%dma_start3A_500 : memref<4224xf32, #tpu.memory_space<vmem_shared>>) offsets(%dma_start3A_498 : memref<128xi32, #tpu.memory_space<vmem>>) semaphore(%arg31 : memref<!tpu.dma_semaphore, #tpu.memory_space<semaphore_mem>>) {add = true}
    }
    %scan3A_160 = arith.constant 18 : i32
    %dma_wait3A_161 = arith.constant 74 : i32
    %dma_wait3A_162 = arith.constant 0 : i32
    %dma_wait3A_163 = tpu.memref_slice %arg11[%dma_wait3A_161, %dma_wait3A_162] : memref<80x128xi32, #tpu.memory_space<vmem>> -> memref<1x128xi32, #tpu.memory_space<vmem>>
    %dma_wait3A_164 = tpu.memref_squeeze %dma_wait3A_163 : memref<1x128xi32, #tpu.memory_space<vmem>> -> memref<128xi32, #tpu.memory_space<vmem>>
    %dma_wait3A_165 = arith.constant 0 : i32
    %dma_wait3A_166 = arith.constant 0 : i32
    %dma_wait3A_167 = tpu.memref_slice %arg18[%dma_wait3A_165, %dma_wait3A_166] : memref<4224x128xf32, #tpu.memory_space<vmem_shared>> -> memref<4224x128xf32, #tpu.memory_space<vmem_shared>>
    tpu.wait_indirect_dma semaphore(%arg26 : memref<!tpu.dma_semaphore, #tpu.memory_space<semaphore_mem>>) src(%arg14 : memref<128x128xf32, #tpu.memory_space<vmem>>) dst(%dma_wait3A_167 : memref<4224x128xf32, #tpu.memory_space<vmem_shared>>)
    %dma_wait3A_168 = arith.constant 74 : i32
    %dma_wait3A_169 = arith.constant 0 : i32
    %dma_wait3A_170 = tpu.memref_slice %arg11[%dma_wait3A_168, %dma_wait3A_169] : memref<80x128xi32, #tpu.memory_space<vmem>> -> memref<1x128xi32, #tpu.memory_space<vmem>>
    %dma_wait3A_171 = tpu.memref_squeeze %dma_wait3A_170 : memref<1x128xi32, #tpu.memory_space<vmem>> -> memref<128xi32, #tpu.memory_space<vmem>>
    %dma_wait3A_172 = arith.constant 0 : i32
    %dma_wait3A_173 = tpu.memref_slice %arg19[%dma_wait3A_172] : memref<4224xf32, #tpu.memory_space<vmem_shared>> -> memref<4224xf32, #tpu.memory_space<vmem_shared>>
    tpu.wait_indirect_dma semaphore(%arg30 : memref<!tpu.dma_semaphore, #tpu.memory_space<semaphore_mem>>) src(%arg16 : memref<128xf32, #tpu.memory_space<vmem>>) dst(%dma_wait3A_173 : memref<4224xf32, #tpu.memory_space<vmem_shared>>)
    %dma_start3A_174 = arith.constant 9984 : i32
    %dma_start3A_175 = tpu.memref_slice %arg10[%dma_start3A_174] : memref<10240xi32, #tpu.memory_space<vmem>> -> memref<128xi32, #tpu.memory_space<vmem>>
    %dma_start3A_176 = arith.constant 0 : i32
    %dma_start3A_177 = arith.constant 0 : i32
    %dma_start3A_178 = tpu.memref_slice %arg2[%dma_start3A_176, %dma_start3A_177] : memref<10000x128xf32, #tpu.memory_space<hbm>> -> memref<10000x128xf32, #tpu.memory_space<hbm>>
    tpu.enqueue_indirect_dma source(%dma_start3A_178 : memref<10000x128xf32, #tpu.memory_space<hbm>>) target(%arg14 : memref<128x128xf32, #tpu.memory_space<vmem>>) offsets(%dma_start3A_175 : memref<128xi32, #tpu.memory_space<vmem>>) semaphore(%arg22 : memref<!tpu.dma_semaphore, #tpu.memory_space<semaphore_mem>>)
    %dma_wait3A_179 = arith.constant 9728 : i32
    %dma_wait3A_180 = tpu.memref_slice %arg10[%dma_wait3A_179] : memref<10240xi32, #tpu.memory_space<vmem>> -> memref<128xi32, #tpu.memory_space<vmem>>
    %dma_wait3A_181 = arith.constant 0 : i32
    %dma_wait3A_182 = arith.constant 0 : i32
    %dma_wait3A_183 = tpu.memref_slice %arg2[%dma_wait3A_181, %dma_wait3A_182] : memref<10000x128xf32, #tpu.memory_space<hbm>> -> memref<10000x128xf32, #tpu.memory_space<hbm>>
    tpu.wait_indirect_dma semaphore(%arg20 : memref<!tpu.dma_semaphore, #tpu.memory_space<semaphore_mem>>) src(%dma_wait3A_183 : memref<10000x128xf32, #tpu.memory_space<hbm>>) dst(%arg12 : memref<128x128xf32, #tpu.memory_space<vmem>>)
    %dma_start3A_184 = arith.constant 76 : i32
    %dma_start3A_185 = arith.constant 0 : i32
    %dma_start3A_186 = tpu.memref_slice %arg11[%dma_start3A_184, %dma_start3A_185] : memref<80x128xi32, #tpu.memory_space<vmem>> -> memref<1x128xi32, #tpu.memory_space<vmem>>
    %dma_start3A_187 = tpu.memref_squeeze %dma_start3A_186 : memref<1x128xi32, #tpu.memory_space<vmem>> -> memref<128xi32, #tpu.memory_space<vmem>>
    %dma_start3A_188 = arith.constant 0 : i32
    %dma_start3A_189 = arith.constant 0 : i32
    %dma_start3A_190 = tpu.memref_slice %arg18[%dma_start3A_188, %dma_start3A_189] : memref<4224x128xf32, #tpu.memory_space<vmem_shared>> -> memref<4224x128xf32, #tpu.memory_space<vmem_shared>>
    tpu.enqueue_indirect_dma source(%arg12 : memref<128x128xf32, #tpu.memory_space<vmem>>) target(%dma_start3A_190 : memref<4224x128xf32, #tpu.memory_space<vmem_shared>>) offsets(%dma_start3A_187 : memref<128xi32, #tpu.memory_space<vmem>>) semaphore(%arg24 : memref<!tpu.dma_semaphore, #tpu.memory_space<semaphore_mem>>) {add = true}
    %dma_start3A_191 = arith.constant 76 : i32
    %dma_start3A_192 = arith.constant 0 : i32
    %dma_start3A_193 = tpu.memref_slice %arg11[%dma_start3A_191, %dma_start3A_192] : memref<80x128xi32, #tpu.memory_space<vmem>> -> memref<1x128xi32, #tpu.memory_space<vmem>>
    %dma_start3A_194 = tpu.memref_squeeze %dma_start3A_193 : memref<1x128xi32, #tpu.memory_space<vmem>> -> memref<128xi32, #tpu.memory_space<vmem>>
    %dma_start3A_195 = arith.constant 0 : i32
    %dma_start3A_196 = tpu.memref_slice %arg19[%dma_start3A_195] : memref<4224xf32, #tpu.memory_space<vmem_shared>> -> memref<4224xf32, #tpu.memory_space<vmem_shared>>
    tpu.enqueue_indirect_dma source(%arg16 : memref<128xf32, #tpu.memory_space<vmem>>) target(%dma_start3A_196 : memref<4224xf32, #tpu.memory_space<vmem_shared>>) offsets(%dma_start3A_194 : memref<128xi32, #tpu.memory_space<vmem>>) semaphore(%arg28 : memref<!tpu.dma_semaphore, #tpu.memory_space<semaphore_mem>>) {add = true}
    %dma_wait3A_197 = arith.constant 75 : i32
    %dma_wait3A_198 = arith.constant 0 : i32
    %dma_wait3A_199 = tpu.memref_slice %arg11[%dma_wait3A_197, %dma_wait3A_198] : memref<80x128xi32, #tpu.memory_space<vmem>> -> memref<1x128xi32, #tpu.memory_space<vmem>>
    %dma_wait3A_200 = tpu.memref_squeeze %dma_wait3A_199 : memref<1x128xi32, #tpu.memory_space<vmem>> -> memref<128xi32, #tpu.memory_space<vmem>>
    %dma_wait3A_201 = arith.constant 0 : i32
    %dma_wait3A_202 = arith.constant 0 : i32
    %dma_wait3A_203 = tpu.memref_slice %arg18[%dma_wait3A_201, %dma_wait3A_202] : memref<4224x128xf32, #tpu.memory_space<vmem_shared>> -> memref<4224x128xf32, #tpu.memory_space<vmem_shared>>
    tpu.wait_indirect_dma semaphore(%arg27 : memref<!tpu.dma_semaphore, #tpu.memory_space<semaphore_mem>>) src(%arg15 : memref<128x128xf32, #tpu.memory_space<vmem>>) dst(%dma_wait3A_203 : memref<4224x128xf32, #tpu.memory_space<vmem_shared>>)
    %dma_wait3A_204 = arith.constant 75 : i32
    %dma_wait3A_205 = arith.constant 0 : i32
    %dma_wait3A_206 = tpu.memref_slice %arg11[%dma_wait3A_204, %dma_wait3A_205] : memref<80x128xi32, #tpu.memory_space<vmem>> -> memref<1x128xi32, #tpu.memory_space<vmem>>
    %dma_wait3A_207 = tpu.memref_squeeze %dma_wait3A_206 : memref<1x128xi32, #tpu.memory_space<vmem>> -> memref<128xi32, #tpu.memory_space<vmem>>
    %dma_wait3A_208 = arith.constant 0 : i32
    %dma_wait3A_209 = tpu.memref_slice %arg19[%dma_wait3A_208] : memref<4224xf32, #tpu.memory_space<vmem_shared>> -> memref<4224xf32, #tpu.memory_space<vmem_shared>>
    tpu.wait_indirect_dma semaphore(%arg31 : memref<!tpu.dma_semaphore, #tpu.memory_space<semaphore_mem>>) src(%arg16 : memref<128xf32, #tpu.memory_space<vmem>>) dst(%dma_wait3A_209 : memref<4224xf32, #tpu.memory_space<vmem_shared>>)
    %dma_start3A_210 = arith.constant 10112 : i32
    %dma_start3A_211 = tpu.memref_slice %arg10[%dma_start3A_210] : memref<10240xi32, #tpu.memory_space<vmem>> -> memref<128xi32, #tpu.memory_space<vmem>>
    %dma_start3A_212 = arith.constant 0 : i32
    %dma_start3A_213 = arith.constant 0 : i32
    %dma_start3A_214 = tpu.memref_slice %arg2[%dma_start3A_212, %dma_start3A_213] : memref<10000x128xf32, #tpu.memory_space<hbm>> -> memref<10000x128xf32, #tpu.memory_space<hbm>>
    tpu.enqueue_indirect_dma source(%dma_start3A_214 : memref<10000x128xf32, #tpu.memory_space<hbm>>) target(%arg15 : memref<128x128xf32, #tpu.memory_space<vmem>>) offsets(%dma_start3A_211 : memref<128xi32, #tpu.memory_space<vmem>>) semaphore(%arg23 : memref<!tpu.dma_semaphore, #tpu.memory_space<semaphore_mem>>)
    %dma_wait3A_215 = arith.constant 9856 : i32
    %dma_wait3A_216 = tpu.memref_slice %arg10[%dma_wait3A_215] : memref<10240xi32, #tpu.memory_space<vmem>> -> memref<128xi32, #tpu.memory_space<vmem>>
    %dma_wait3A_217 = arith.constant 0 : i32
    %dma_wait3A_218 = arith.constant 0 : i32
    %dma_wait3A_219 = tpu.memref_slice %arg2[%dma_wait3A_217, %dma_wait3A_218] : memref<10000x128xf32, #tpu.memory_space<hbm>> -> memref<10000x128xf32, #tpu.memory_space<hbm>>
    tpu.wait_indirect_dma semaphore(%arg21 : memref<!tpu.dma_semaphore, #tpu.memory_space<semaphore_mem>>) src(%dma_wait3A_219 : memref<10000x128xf32, #tpu.memory_space<hbm>>) dst(%arg13 : memref<128x128xf32, #tpu.memory_space<vmem>>)
    %dma_start3A_220 = arith.constant 77 : i32
    %dma_start3A_221 = arith.constant 0 : i32
    %dma_start3A_222 = tpu.memref_slice %arg11[%dma_start3A_220, %dma_start3A_221] : memref<80x128xi32, #tpu.memory_space<vmem>> -> memref<1x128xi32, #tpu.memory_space<vmem>>
    %dma_start3A_223 = tpu.memref_squeeze %dma_start3A_222 : memref<1x128xi32, #tpu.memory_space<vmem>> -> memref<128xi32, #tpu.memory_space<vmem>>
    %dma_start3A_224 = arith.constant 0 : i32
    %dma_start3A_225 = arith.constant 0 : i32
    %dma_start3A_226 = tpu.memref_slice %arg18[%dma_start3A_224, %dma_start3A_225] : memref<4224x128xf32, #tpu.memory_space<vmem_shared>> -> memref<4224x128xf32, #tpu.memory_space<vmem_shared>>
    tpu.enqueue_indirect_dma source(%arg13 : memref<128x128xf32, #tpu.memory_space<vmem>>) target(%dma_start3A_226 : memref<4224x128xf32, #tpu.memory_space<vmem_shared>>) offsets(%dma_start3A_223 : memref<128xi32, #tpu.memory_space<vmem>>) semaphore(%arg25 : memref<!tpu.dma_semaphore, #tpu.memory_space<semaphore_mem>>) {add = true}
    %dma_start3A_227 = arith.constant 77 : i32
    %dma_start3A_228 = arith.constant 0 : i32
    %dma_start3A_229 = tpu.memref_slice %arg11[%dma_start3A_227, %dma_start3A_228] : memref<80x128xi32, #tpu.memory_space<vmem>> -> memref<1x128xi32, #tpu.memory_space<vmem>>
    %dma_start3A_230 = tpu.memref_squeeze %dma_start3A_229 : memref<1x128xi32, #tpu.memory_space<vmem>> -> memref<128xi32, #tpu.memory_space<vmem>>
    %dma_start3A_231 = arith.constant 0 : i32
    %dma_start3A_232 = tpu.memref_slice %arg19[%dma_start3A_231] : memref<4224xf32, #tpu.memory_space<vmem_shared>> -> memref<4224xf32, #tpu.memory_space<vmem_shared>>
    tpu.enqueue_indirect_dma source(%arg16 : memref<128xf32, #tpu.memory_space<vmem>>) target(%dma_start3A_232 : memref<4224xf32, #tpu.memory_space<vmem_shared>>) offsets(%dma_start3A_230 : memref<128xi32, #tpu.memory_space<vmem>>) semaphore(%arg29 : memref<!tpu.dma_semaphore, #tpu.memory_space<semaphore_mem>>) {add = true}
    %dma_wait3A_233 = arith.constant 9984 : i32
    %dma_wait3A_234 = tpu.memref_slice %arg10[%dma_wait3A_233] : memref<10240xi32, #tpu.memory_space<vmem>> -> memref<128xi32, #tpu.memory_space<vmem>>
    %dma_wait3A_235 = arith.constant 0 : i32
    %dma_wait3A_236 = arith.constant 0 : i32
    %dma_wait3A_237 = tpu.memref_slice %arg2[%dma_wait3A_235, %dma_wait3A_236] : memref<10000x128xf32, #tpu.memory_space<hbm>> -> memref<10000x128xf32, #tpu.memory_space<hbm>>
    tpu.wait_indirect_dma semaphore(%arg22 : memref<!tpu.dma_semaphore, #tpu.memory_space<semaphore_mem>>) src(%dma_wait3A_237 : memref<10000x128xf32, #tpu.memory_space<hbm>>) dst(%arg14 : memref<128x128xf32, #tpu.memory_space<vmem>>)
    %dma_start3A_238 = arith.constant 78 : i32
    %dma_start3A_239 = arith.constant 0 : i32
    %dma_start3A_240 = tpu.memref_slice %arg11[%dma_start3A_238, %dma_start3A_239] : memref<80x128xi32, #tpu.memory_space<vmem>> -> memref<1x128xi32, #tpu.memory_space<vmem>>
    %dma_start3A_241 = tpu.memref_squeeze %dma_start3A_240 : memref<1x128xi32, #tpu.memory_space<vmem>> -> memref<128xi32, #tpu.memory_space<vmem>>
    %dma_start3A_242 = arith.constant 0 : i32
    %dma_start3A_243 = arith.constant 0 : i32
    %dma_start3A_244 = tpu.memref_slice %arg18[%dma_start3A_242, %dma_start3A_243] : memref<4224x128xf32, #tpu.memory_space<vmem_shared>> -> memref<4224x128xf32, #tpu.memory_space<vmem_shared>>
    tpu.enqueue_indirect_dma source(%arg14 : memref<128x128xf32, #tpu.memory_space<vmem>>) target(%dma_start3A_244 : memref<4224x128xf32, #tpu.memory_space<vmem_shared>>) offsets(%dma_start3A_241 : memref<128xi32, #tpu.memory_space<vmem>>) semaphore(%arg26 : memref<!tpu.dma_semaphore, #tpu.memory_space<semaphore_mem>>) {add = true}
    %dma_start3A_245 = arith.constant 78 : i32
    %dma_start3A_246 = arith.constant 0 : i32
    %dma_start3A_247 = tpu.memref_slice %arg11[%dma_start3A_245, %dma_start3A_246] : memref<80x128xi32, #tpu.memory_space<vmem>> -> memref<1x128xi32, #tpu.memory_space<vmem>>
    %dma_start3A_248 = tpu.memref_squeeze %dma_start3A_247 : memref<1x128xi32, #tpu.memory_space<vmem>> -> memref<128xi32, #tpu.memory_space<vmem>>
    %dma_start3A_249 = arith.constant 0 : i32
    %dma_start3A_250 = tpu.memref_slice %arg19[%dma_start3A_249] : memref<4224xf32, #tpu.memory_space<vmem_shared>> -> memref<4224xf32, #tpu.memory_space<vmem_shared>>
    tpu.enqueue_indirect_dma source(%arg16 : memref<128xf32, #tpu.memory_space<vmem>>) target(%dma_start3A_250 : memref<4224xf32, #tpu.memory_space<vmem_shared>>) offsets(%dma_start3A_248 : memref<128xi32, #tpu.memory_space<vmem>>) semaphore(%arg30 : memref<!tpu.dma_semaphore, #tpu.memory_space<semaphore_mem>>) {add = true}
    %dma_wait3A_251 = arith.constant 10112 : i32
    %dma_wait3A_252 = tpu.memref_slice %arg10[%dma_wait3A_251] : memref<10240xi32, #tpu.memory_space<vmem>> -> memref<128xi32, #tpu.memory_space<vmem>>
    %dma_wait3A_253 = arith.constant 0 : i32
    %dma_wait3A_254 = arith.constant 0 : i32
    %dma_wait3A_255 = tpu.memref_slice %arg2[%dma_wait3A_253, %dma_wait3A_254] : memref<10000x128xf32, #tpu.memory_space<hbm>> -> memref<10000x128xf32, #tpu.memory_space<hbm>>
    tpu.wait_indirect_dma semaphore(%arg23 : memref<!tpu.dma_semaphore, #tpu.memory_space<semaphore_mem>>) src(%dma_wait3A_255 : memref<10000x128xf32, #tpu.memory_space<hbm>>) dst(%arg15 : memref<128x128xf32, #tpu.memory_space<vmem>>)
    %dma_start3A_256 = arith.constant 79 : i32
    %dma_start3A_257 = arith.constant 0 : i32
    %dma_start3A_258 = tpu.memref_slice %arg11[%dma_start3A_256, %dma_start3A_257] : memref<80x128xi32, #tpu.memory_space<vmem>> -> memref<1x128xi32, #tpu.memory_space<vmem>>
    %dma_start3A_259 = tpu.memref_squeeze %dma_start3A_258 : memref<1x128xi32, #tpu.memory_space<vmem>> -> memref<128xi32, #tpu.memory_space<vmem>>
    %dma_start3A_260 = arith.constant 0 : i32
    %dma_start3A_261 = arith.constant 0 : i32
    %dma_start3A_262 = tpu.memref_slice %arg18[%dma_start3A_260, %dma_start3A_261] : memref<4224x128xf32, #tpu.memory_space<vmem_shared>> -> memref<4224x128xf32, #tpu.memory_space<vmem_shared>>
    tpu.enqueue_indirect_dma source(%arg15 : memref<128x128xf32, #tpu.memory_space<vmem>>) target(%dma_start3A_262 : memref<4224x128xf32, #tpu.memory_space<vmem_shared>>) offsets(%dma_start3A_259 : memref<128xi32, #tpu.memory_space<vmem>>) semaphore(%arg27 : memref<!tpu.dma_semaphore, #tpu.memory_space<semaphore_mem>>) {add = true}
    %dma_start3A_263 = arith.constant 79 : i32
    %dma_start3A_264 = arith.constant 0 : i32
    %dma_start3A_265 = tpu.memref_slice %arg11[%dma_start3A_263, %dma_start3A_264] : memref<80x128xi32, #tpu.memory_space<vmem>> -> memref<1x128xi32, #tpu.memory_space<vmem>>
    %dma_start3A_266 = tpu.memref_squeeze %dma_start3A_265 : memref<1x128xi32, #tpu.memory_space<vmem>> -> memref<128xi32, #tpu.memory_space<vmem>>
    %dma_start3A_267 = arith.constant 0 : i32
    %dma_start3A_268 = tpu.memref_slice %arg19[%dma_start3A_267] : memref<4224xf32, #tpu.memory_space<vmem_shared>> -> memref<4224xf32, #tpu.memory_space<vmem_shared>>
    tpu.enqueue_indirect_dma source(%arg16 : memref<128xf32, #tpu.memory_space<vmem>>) target(%dma_start3A_268 : memref<4224xf32, #tpu.memory_space<vmem_shared>>) offsets(%dma_start3A_266 : memref<128xi32, #tpu.memory_space<vmem>>) semaphore(%arg31 : memref<!tpu.dma_semaphore, #tpu.memory_space<semaphore_mem>>) {add = true}
    %dma_wait3A_269 = arith.constant 76 : i32
    %dma_wait3A_270 = arith.constant 0 : i32
    %dma_wait3A_271 = tpu.memref_slice %arg11[%dma_wait3A_269, %dma_wait3A_270] : memref<80x128xi32, #tpu.memory_space<vmem>> -> memref<1x128xi32, #tpu.memory_space<vmem>>
    %dma_wait3A_272 = tpu.memref_squeeze %dma_wait3A_271 : memref<1x128xi32, #tpu.memory_space<vmem>> -> memref<128xi32, #tpu.memory_space<vmem>>
    %dma_wait3A_273 = arith.constant 0 : i32
    %dma_wait3A_274 = arith.constant 0 : i32
    %dma_wait3A_275 = tpu.memref_slice %arg18[%dma_wait3A_273, %dma_wait3A_274] : memref<4224x128xf32, #tpu.memory_space<vmem_shared>> -> memref<4224x128xf32, #tpu.memory_space<vmem_shared>>
    tpu.wait_indirect_dma semaphore(%arg24 : memref<!tpu.dma_semaphore, #tpu.memory_space<semaphore_mem>>) src(%arg12 : memref<128x128xf32, #tpu.memory_space<vmem>>) dst(%dma_wait3A_275 : memref<4224x128xf32, #tpu.memory_space<vmem_shared>>)
    %dma_wait3A_276 = arith.constant 76 : i32
    %dma_wait3A_277 = arith.constant 0 : i32
    %dma_wait3A_278 = tpu.memref_slice %arg11[%dma_wait3A_276, %dma_wait3A_277] : memref<80x128xi32, #tpu.memory_space<vmem>> -> memref<1x128xi32, #tpu.memory_space<vmem>>
    %dma_wait3A_279 = tpu.memref_squeeze %dma_wait3A_278 : memref<1x128xi32, #tpu.memory_space<vmem>> -> memref<128xi32, #tpu.memory_space<vmem>>
    %dma_wait3A_280 = arith.constant 0 : i32
    %dma_wait3A_281 = tpu.memref_slice %arg19[%dma_wait3A_280] : memref<4224xf32, #tpu.memory_space<vmem_shared>> -> memref<4224xf32, #tpu.memory_space<vmem_shared>>
    tpu.wait_indirect_dma semaphore(%arg28 : memref<!tpu.dma_semaphore, #tpu.memory_space<semaphore_mem>>) src(%arg16 : memref<128xf32, #tpu.memory_space<vmem>>) dst(%dma_wait3A_281 : memref<4224xf32, #tpu.memory_space<vmem_shared>>)
    %dma_wait3A_282 = arith.constant 77 : i32
    %dma_wait3A_283 = arith.constant 0 : i32
    %dma_wait3A_284 = tpu.memref_slice %arg11[%dma_wait3A_282, %dma_wait3A_283] : memref<80x128xi32, #tpu.memory_space<vmem>> -> memref<1x128xi32, #tpu.memory_space<vmem>>
    %dma_wait3A_285 = tpu.memref_squeeze %dma_wait3A_284 : memref<1x128xi32, #tpu.memory_space<vmem>> -> memref<128xi32, #tpu.memory_space<vmem>>
    %dma_wait3A_286 = arith.constant 0 : i32
    %dma_wait3A_287 = arith.constant 0 : i32
    %dma_wait3A_288 = tpu.memref_slice %arg18[%dma_wait3A_286, %dma_wait3A_287] : memref<4224x128xf32, #tpu.memory_space<vmem_shared>> -> memref<4224x128xf32, #tpu.memory_space<vmem_shared>>
    tpu.wait_indirect_dma semaphore(%arg25 : memref<!tpu.dma_semaphore, #tpu.memory_space<semaphore_mem>>) src(%arg13 : memref<128x128xf32, #tpu.memory_space<vmem>>) dst(%dma_wait3A_288 : memref<4224x128xf32, #tpu.memory_space<vmem_shared>>)
    %dma_wait3A_289 = arith.constant 77 : i32
    %dma_wait3A_290 = arith.constant 0 : i32
    %dma_wait3A_291 = tpu.memref_slice %arg11[%dma_wait3A_289, %dma_wait3A_290] : memref<80x128xi32, #tpu.memory_space<vmem>> -> memref<1x128xi32, #tpu.memory_space<vmem>>
    %dma_wait3A_292 = tpu.memref_squeeze %dma_wait3A_291 : memref<1x128xi32, #tpu.memory_space<vmem>> -> memref<128xi32, #tpu.memory_space<vmem>>
    %dma_wait3A_293 = arith.constant 0 : i32
    %dma_wait3A_294 = tpu.memref_slice %arg19[%dma_wait3A_293] : memref<4224xf32, #tpu.memory_space<vmem_shared>> -> memref<4224xf32, #tpu.memory_space<vmem_shared>>
    tpu.wait_indirect_dma semaphore(%arg29 : memref<!tpu.dma_semaphore, #tpu.memory_space<semaphore_mem>>) src(%arg16 : memref<128xf32, #tpu.memory_space<vmem>>) dst(%dma_wait3A_294 : memref<4224xf32, #tpu.memory_space<vmem_shared>>)
    %dma_wait3A_295 = arith.constant 78 : i32
    %dma_wait3A_296 = arith.constant 0 : i32
    %dma_wait3A_297 = tpu.memref_slice %arg11[%dma_wait3A_295, %dma_wait3A_296] : memref<80x128xi32, #tpu.memory_space<vmem>> -> memref<1x128xi32, #tpu.memory_space<vmem>>
    %dma_wait3A_298 = tpu.memref_squeeze %dma_wait3A_297 : memref<1x128xi32, #tpu.memory_space<vmem>> -> memref<128xi32, #tpu.memory_space<vmem>>
    %dma_wait3A_299 = arith.constant 0 : i32
    %dma_wait3A_300 = arith.constant 0 : i32
    %dma_wait3A_301 = tpu.memref_slice %arg18[%dma_wait3A_299, %dma_wait3A_300] : memref<4224x128xf32, #tpu.memory_space<vmem_shared>> -> memref<4224x128xf32, #tpu.memory_space<vmem_shared>>
    tpu.wait_indirect_dma semaphore(%arg26 : memref<!tpu.dma_semaphore, #tpu.memory_space<semaphore_mem>>) src(%arg14 : memref<128x128xf32, #tpu.memory_space<vmem>>) dst(%dma_wait3A_301 : memref<4224x128xf32, #tpu.memory_space<vmem_shared>>)
    %dma_wait3A_302 = arith.constant 78 : i32
    %dma_wait3A_303 = arith.constant 0 : i32
    %dma_wait3A_304 = tpu.memref_slice %arg11[%dma_wait3A_302, %dma_wait3A_303] : memref<80x128xi32, #tpu.memory_space<vmem>> -> memref<1x128xi32, #tpu.memory_space<vmem>>
    %dma_wait3A_305 = tpu.memref_squeeze %dma_wait3A_304 : memref<1x128xi32, #tpu.memory_space<vmem>> -> memref<128xi32, #tpu.memory_space<vmem>>
    %dma_wait3A_306 = arith.constant 0 : i32
    %dma_wait3A_307 = tpu.memref_slice %arg19[%dma_wait3A_306] : memref<4224xf32, #tpu.memory_space<vmem_shared>> -> memref<4224xf32, #tpu.memory_space<vmem_shared>>
    tpu.wait_indirect_dma semaphore(%arg30 : memref<!tpu.dma_semaphore, #tpu.memory_space<semaphore_mem>>) src(%arg16 : memref<128xf32, #tpu.memory_space<vmem>>) dst(%dma_wait3A_307 : memref<4224xf32, #tpu.memory_space<vmem_shared>>)
    %dma_wait3A_308 = arith.constant 79 : i32
    %dma_wait3A_309 = arith.constant 0 : i32
    %dma_wait3A_310 = tpu.memref_slice %arg11[%dma_wait3A_308, %dma_wait3A_309] : memref<80x128xi32, #tpu.memory_space<vmem>> -> memref<1x128xi32, #tpu.memory_space<vmem>>
    %dma_wait3A_311 = tpu.memref_squeeze %dma_wait3A_310 : memref<1x128xi32, #tpu.memory_space<vmem>> -> memref<128xi32, #tpu.memory_space<vmem>>
    %dma_wait3A_312 = arith.constant 0 : i32
    %dma_wait3A_313 = arith.constant 0 : i32
    %dma_wait3A_314 = tpu.memref_slice %arg18[%dma_wait3A_312, %dma_wait3A_313] : memref<4224x128xf32, #tpu.memory_space<vmem_shared>> -> memref<4224x128xf32, #tpu.memory_space<vmem_shared>>
    tpu.wait_indirect_dma semaphore(%arg27 : memref<!tpu.dma_semaphore, #tpu.memory_space<semaphore_mem>>) src(%arg15 : memref<128x128xf32, #tpu.memory_space<vmem>>) dst(%dma_wait3A_314 : memref<4224x128xf32, #tpu.memory_space<vmem_shared>>)
    %dma_wait3A_315 = arith.constant 79 : i32
    %dma_wait3A_316 = arith.constant 0 : i32
    %dma_wait3A_317 = tpu.memref_slice %arg11[%dma_wait3A_315, %dma_wait3A_316] : memref<80x128xi32, #tpu.memory_space<vmem>> -> memref<1x128xi32, #tpu.memory_space<vmem>>
    %dma_wait3A_318 = tpu.memref_squeeze %dma_wait3A_317 : memref<1x128xi32, #tpu.memory_space<vmem>> -> memref<128xi32, #tpu.memory_space<vmem>>
    %dma_wait3A_319 = arith.constant 0 : i32
    %dma_wait3A_320 = tpu.memref_slice %arg19[%dma_wait3A_319] : memref<4224xf32, #tpu.memory_space<vmem_shared>> -> memref<4224xf32, #tpu.memory_space<vmem_shared>>
    tpu.wait_indirect_dma semaphore(%arg31 : memref<!tpu.dma_semaphore, #tpu.memory_space<semaphore_mem>>) src(%arg16 : memref<128xf32, #tpu.memory_space<vmem>>) dst(%dma_wait3A_320 : memref<4224xf32, #tpu.memory_space<vmem_shared>>)
    %barrier3A_321 = arith.constant 0 : index
    tpu.barrier barrier_id(%barrier3A_321)
    %dma_start3A_322 = arith.constant 0 : i32
    %dma_start3A_323 = tpu.memref_slice %arg8[%arg0, %mul3A_2, %dma_start3A_322] : memref<2x4224x128xf32, #tpu.memory_space<hbm>> -> memref<1x264x128xf32, #tpu.memory_space<hbm>>
    %dma_start3A_324 = tpu.memref_squeeze %dma_start3A_323 : memref<1x264x128xf32, #tpu.memory_space<hbm>> -> memref<264x128xf32, #tpu.memory_space<hbm>>
    %dma_start3A_325 = arith.constant 0 : i32
    %dma_start3A_326 = tpu.memref_slice %arg18[%mul3A_2, %dma_start3A_325] : memref<4224x128xf32, #tpu.memory_space<vmem_shared>> -> memref<264x128xf32, #tpu.memory_space<vmem_shared>>
    tpu.enqueue_dma source(%dma_start3A_326 : memref<264x128xf32, #tpu.memory_space<vmem_shared>>) target(%dma_start3A_324 : memref<264x128xf32, #tpu.memory_space<hbm>>) target_semaphore(%arg24 : memref<!tpu.dma_semaphore, #tpu.memory_space<semaphore_mem>>)
    "tpu.region"() ({
      %run_scoped3A = tpu.sem_alloc : memref<!tpu.dma_semaphore, #tpu.memory_space<semaphore_mem>>
      %dma_start3A_335 = tpu.memref_slice %arg19[%mul3A_2] : memref<4224xf32, #tpu.memory_space<vmem_shared>> -> memref<264xf32, #tpu.memory_space<vmem_shared>>
      %dma_start3A_336 = tpu.memref_slice %arg19[%mul3A_2] : memref<4224xf32, #tpu.memory_space<vmem_shared>> -> memref<264xf32, #tpu.memory_space<vmem_shared>>
      tpu.enqueue_dma source(%dma_start3A_336 : memref<264xf32, #tpu.memory_space<vmem_shared>>) target(%arg17 : memref<264xf32, #tpu.memory_space<vmem>>) target_semaphore(%run_scoped3A : memref<!tpu.dma_semaphore, #tpu.memory_space<semaphore_mem>>)
      %dma_wait3A_337 = tpu.memref_slice %arg19[%mul3A_2] : memref<4224xf32, #tpu.memory_space<vmem_shared>> -> memref<264xf32, #tpu.memory_space<vmem_shared>>
      %dma_wait3A_338 = tpu.memref_slice %arg19[%mul3A_2] : memref<4224xf32, #tpu.memory_space<vmem_shared>> -> memref<264xf32, #tpu.memory_space<vmem_shared>>
      tpu.wait_dma2 semaphore(%run_scoped3A : memref<!tpu.dma_semaphore, #tpu.memory_space<semaphore_mem>>) src(%dma_wait3A_338 : memref<264xf32, #tpu.memory_space<vmem_shared>>) dst(%arg17 : memref<264xf32, #tpu.memory_space<vmem>>)
      tpu.yield
    }) : () -> ()
    %mul3A_327 = arith.constant 4224 : i32
    %mul3A_328 = arith.muli %arg0, %mul3A_327 : i32
    %add3A_329 = arith.addi %mul3A_328, %mul3A_2 : i32
    "tpu.region"() ({
      %run_scoped3A = tpu.sem_alloc : memref<!tpu.dma_semaphore, #tpu.memory_space<semaphore_mem>>
      %dma_start3A_335 = tpu.memref_slice %arg9[%add3A_329] : memref<8448xf32, #tpu.memory_space<hbm>> -> memref<264xf32, #tpu.memory_space<hbm>>
      %dma_start3A_336 = tpu.memref_slice %arg9[%add3A_329] : memref<8448xf32, #tpu.memory_space<hbm>> -> memref<264xf32, #tpu.memory_space<hbm>>
      tpu.enqueue_dma source(%arg17 : memref<264xf32, #tpu.memory_space<vmem>>) target(%dma_start3A_336 : memref<264xf32, #tpu.memory_space<hbm>>) target_semaphore(%run_scoped3A : memref<!tpu.dma_semaphore, #tpu.memory_space<semaphore_mem>>)
      %dma_wait3A_337 = tpu.memref_slice %arg9[%add3A_329] : memref<8448xf32, #tpu.memory_space<hbm>> -> memref<264xf32, #tpu.memory_space<hbm>>
      %dma_wait3A_338 = tpu.memref_slice %arg9[%add3A_329] : memref<8448xf32, #tpu.memory_space<hbm>> -> memref<264xf32, #tpu.memory_space<hbm>>
      tpu.wait_dma2 semaphore(%run_scoped3A : memref<!tpu.dma_semaphore, #tpu.memory_space<semaphore_mem>>) src(%arg17 : memref<264xf32, #tpu.memory_space<vmem>>) dst(%dma_wait3A_338 : memref<264xf32, #tpu.memory_space<hbm>>)
      tpu.yield
    }) : () -> ()
    %dma_wait3A_330 = arith.constant 0 : i32
    %dma_wait3A_331 = tpu.memref_slice %arg8[%arg0, %mul3A_2, %dma_wait3A_330] : memref<2x4224x128xf32, #tpu.memory_space<hbm>> -> memref<1x264x128xf32, #tpu.memory_space<hbm>>
    %dma_wait3A_332 = tpu.memref_squeeze %dma_wait3A_331 : memref<1x264x128xf32, #tpu.memory_space<hbm>> -> memref<264x128xf32, #tpu.memory_space<hbm>>
    %dma_wait3A_333 = arith.constant 0 : i32
    %dma_wait3A_334 = tpu.memref_slice %arg18[%mul3A_2, %dma_wait3A_333] : memref<4224x128xf32, #tpu.memory_space<vmem_shared>> -> memref<264x128xf32, #tpu.memory_space<vmem_shared>>
    tpu.wait_dma2 semaphore(%arg24 : memref<!tpu.dma_semaphore, #tpu.memory_space<semaphore_mem>>) src(%dma_wait3A_334 : memref<264x128xf32, #tpu.memory_space<vmem_shared>>) dst(%dma_wait3A_332 : memref<264x128xf32, #tpu.memory_space<hbm>>)
    return
  }
}

module attributes {stable_mosaic.version = 14 : i64} {
  func.func @body(%arg0: i32, %arg1: memref<2x1024x128xf32, #tpu.memory_space<vmem>>, %arg2: memref<2x1024xf32, #tpu.memory_space<vmem>>, %arg3: memref<1024x128xf32, #tpu.memory_space<vmem>>, %arg4: memref<128x128xf32, #tpu.memory_space<vmem>>, %arg5: memref<128x128xf32, #tpu.memory_space<vmem>>, %arg6: memref<1x128xf32, #tpu.memory_space<vmem>>, %arg7: memref<1024x128xf32, #tpu.memory_space<vmem>>) attributes {dimension_semantics = [#tpu.dimension_semantics<arbitrary>], iteration_bounds = array<i64: 1>, scalar_prefetch = 0 : i64, scratch_operands = 0 : i64, tpu.core_type = #tpu.core_type<tc>, window_params = [{transform_indices = @transform_0, window_bounds = array<i64: 2, 1024, 128>}, {transform_indices = @transform_1, window_bounds = array<i64: 2, 1024>}, {transform_indices = @transform_2, window_bounds = array<i64: 1024, 128>}, {pipeline_mode = #tpu.pipeline_mode<synchronous>, transform_indices = @transform_3, window_bounds = array<i64: 128, 128>}, {pipeline_mode = #tpu.pipeline_mode<synchronous>, transform_indices = @transform_4, window_bounds = array<i64: 128, 128>}, {pipeline_mode = #tpu.pipeline_mode<synchronous>, transform_indices = @transform_5, window_bounds = array<i64: 1, 128>}, {pipeline_mode = #tpu.pipeline_mode<synchronous>, transform_indices = @transform_6, window_bounds = array<i64: 1024, 128>}]} {
    %get3A = arith.constant 0 : index
    %get3A_0 = arith.constant 0 : index
    %get3A_1 = arith.constant 0 : index
    %get3A_2 = vector.load %arg1[%get3A, %get3A_0, %get3A_1] : memref<2x1024x128xf32, #tpu.memory_space<vmem>>, vector<1x1024x128xf32>
    %get3A_3 = vector.shape_cast %get3A_2 : vector<1x1024x128xf32> to vector<1024x128xf32>
    %get3A_4 = arith.constant 1 : index
    %get3A_5 = arith.constant 0 : index
    %get3A_6 = arith.constant 0 : index
    %get3A_7 = vector.load %arg1[%get3A_4, %get3A_5, %get3A_6] : memref<2x1024x128xf32, #tpu.memory_space<vmem>>, vector<1x1024x128xf32>
    %get3A_8 = vector.shape_cast %get3A_7 : vector<1x1024x128xf32> to vector<1024x128xf32>
    %add3A = arith.addf %get3A_3, %get3A_8 : vector<1024x128xf32>
    %get3A_9 = arith.constant 0 : index
    %get3A_10 = arith.constant 0 : index
    %get3A_11 = vector.load %arg2[%get3A_9, %get3A_10] : memref<2x1024xf32, #tpu.memory_space<vmem>>, vector<2x1024xf32>
    %broadcast_in_dim3A = arith.constant 1.000000e+00 : f32
    %broadcast_in_dim3A_12 = vector.broadcast %broadcast_in_dim3A : f32 to vector<2x128xf32>
    %dot_general3A = arith.constant dense<0.000000e+00> : vector<1024x128xf32>
    %dot_general3A_13 = tpu.matmul %get3A_11, %broadcast_in_dim3A_12, %dot_general3A {dimension_numbers = #tpu.dot_dimension_numbers<[0], [0], [1], [1], [0, 1, 1, 1], [], []>, precision = #tpu.contract_precision<fp32>, transpose_lhs_hint = false} : vector<2x1024xf32>, vector<2x128xf32>, vector<1024x128xf32> -> vector<1024x128xf32>
    %max3A = arith.constant 1.000000e+00 : f32
    %max3A_14 = vector.broadcast %max3A : f32 to vector<1024x128xf32>
    %max3A_15 = arith.maximumf %dot_general3A_13, %max3A_14 : vector<1024x128xf32>
    %div3A = arith.divf %add3A, %max3A_15 : vector<1024x128xf32>
    %get3A_16 = arith.constant 0 : index
    %get3A_17 = arith.constant 0 : index
    %get3A_18 = vector.load %arg4[%get3A_16, %get3A_17] : memref<128x128xf32, #tpu.memory_space<vmem>>, vector<128x128xf32>
    %convert_element_type3A = arith.truncf %div3A : vector<1024x128xf32> to vector<1024x128xbf16>
    %convert_element_type3A_19 = arith.extf %convert_element_type3A : vector<1024x128xbf16> to vector<1024x128xf32>
    %sub3A = arith.subf %div3A, %convert_element_type3A_19 : vector<1024x128xf32>
    %convert_element_type3A_20 = arith.truncf %sub3A : vector<1024x128xf32> to vector<1024x128xbf16>
    %convert_element_type3A_21 = arith.truncf %get3A_18 : vector<128x128xf32> to vector<128x128xbf16>
    %convert_element_type3A_22 = arith.extf %convert_element_type3A_21 : vector<128x128xbf16> to vector<128x128xf32>
    %sub3A_23 = arith.subf %get3A_18, %convert_element_type3A_22 : vector<128x128xf32>
    %convert_element_type3A_24 = arith.truncf %sub3A_23 : vector<128x128xf32> to vector<128x128xbf16>
    %dot_general3A_25 = arith.constant dense<0.000000e+00> : vector<1024x128xf32>
    %dot_general3A_26 = tpu.matmul %convert_element_type3A, %convert_element_type3A_21, %dot_general3A_25 {dimension_numbers = #tpu.dot_dimension_numbers<[1], [1], [0], [0], [0, 0, 1, 0], [], []>, transpose_lhs_hint = false} : vector<1024x128xbf16>, vector<128x128xbf16>, vector<1024x128xf32> -> vector<1024x128xf32>
    %dot_general3A_27 = arith.constant dense<0.000000e+00> : vector<1024x128xf32>
    %dot_general3A_28 = tpu.matmul %convert_element_type3A_20, %convert_element_type3A_21, %dot_general3A_27 {dimension_numbers = #tpu.dot_dimension_numbers<[1], [1], [0], [0], [0, 0, 1, 0], [], []>, transpose_lhs_hint = false} : vector<1024x128xbf16>, vector<128x128xbf16>, vector<1024x128xf32> -> vector<1024x128xf32>
    %add3A_29 = arith.addf %dot_general3A_26, %dot_general3A_28 : vector<1024x128xf32>
    %dot_general3A_30 = arith.constant dense<0.000000e+00> : vector<1024x128xf32>
    %dot_general3A_31 = tpu.matmul %convert_element_type3A, %convert_element_type3A_24, %dot_general3A_30 {dimension_numbers = #tpu.dot_dimension_numbers<[1], [1], [0], [0], [0, 0, 1, 0], [], []>, transpose_lhs_hint = false} : vector<1024x128xbf16>, vector<128x128xbf16>, vector<1024x128xf32> -> vector<1024x128xf32>
    %add3A_32 = arith.addf %add3A_29, %dot_general3A_31 : vector<1024x128xf32>
    %get3A_33 = arith.constant 0 : index
    %get3A_34 = arith.constant 0 : index
    %get3A_35 = vector.load %arg3[%get3A_33, %get3A_34] : memref<1024x128xf32, #tpu.memory_space<vmem>>, vector<1024x128xf32>
    %get3A_36 = arith.constant 0 : index
    %get3A_37 = arith.constant 0 : index
    %get3A_38 = vector.load %arg5[%get3A_36, %get3A_37] : memref<128x128xf32, #tpu.memory_space<vmem>>, vector<128x128xf32>
    %convert_element_type3A_39 = arith.truncf %get3A_35 : vector<1024x128xf32> to vector<1024x128xbf16>
    %convert_element_type3A_40 = arith.extf %convert_element_type3A_39 : vector<1024x128xbf16> to vector<1024x128xf32>
    %sub3A_41 = arith.subf %get3A_35, %convert_element_type3A_40 : vector<1024x128xf32>
    %convert_element_type3A_42 = arith.truncf %sub3A_41 : vector<1024x128xf32> to vector<1024x128xbf16>
    %convert_element_type3A_43 = arith.truncf %get3A_38 : vector<128x128xf32> to vector<128x128xbf16>
    %convert_element_type3A_44 = arith.extf %convert_element_type3A_43 : vector<128x128xbf16> to vector<128x128xf32>
    %sub3A_45 = arith.subf %get3A_38, %convert_element_type3A_44 : vector<128x128xf32>
    %convert_element_type3A_46 = arith.truncf %sub3A_45 : vector<128x128xf32> to vector<128x128xbf16>
    %dot_general3A_47 = arith.constant dense<0.000000e+00> : vector<1024x128xf32>
    %dot_general3A_48 = tpu.matmul %convert_element_type3A_39, %convert_element_type3A_43, %dot_general3A_47 {dimension_numbers = #tpu.dot_dimension_numbers<[1], [1], [0], [0], [0, 0, 1, 0], [], []>, transpose_lhs_hint = false} : vector<1024x128xbf16>, vector<128x128xbf16>, vector<1024x128xf32> -> vector<1024x128xf32>
    %dot_general3A_49 = arith.constant dense<0.000000e+00> : vector<1024x128xf32>
    %dot_general3A_50 = tpu.matmul %convert_element_type3A_42, %convert_element_type3A_43, %dot_general3A_49 {dimension_numbers = #tpu.dot_dimension_numbers<[1], [1], [0], [0], [0, 0, 1, 0], [], []>, transpose_lhs_hint = false} : vector<1024x128xbf16>, vector<128x128xbf16>, vector<1024x128xf32> -> vector<1024x128xf32>
    %add3A_51 = arith.addf %dot_general3A_48, %dot_general3A_50 : vector<1024x128xf32>
    %dot_general3A_52 = arith.constant dense<0.000000e+00> : vector<1024x128xf32>
    %dot_general3A_53 = tpu.matmul %convert_element_type3A_39, %convert_element_type3A_46, %dot_general3A_52 {dimension_numbers = #tpu.dot_dimension_numbers<[1], [1], [0], [0], [0, 0, 1, 0], [], []>, transpose_lhs_hint = false} : vector<1024x128xbf16>, vector<128x128xbf16>, vector<1024x128xf32> -> vector<1024x128xf32>
    %add3A_54 = arith.addf %add3A_51, %dot_general3A_53 : vector<1024x128xf32>
    %add3A_55 = arith.addf %add3A_32, %add3A_54 : vector<1024x128xf32>
    %get3A_56 = arith.constant 0 : index
    %get3A_57 = arith.constant 0 : index
    %get3A_58 = vector.load %arg6[%get3A_56, %get3A_57] : memref<1x128xf32, #tpu.memory_space<vmem>>, vector<1x128xf32>
    %add3A_59 = vector.broadcast %get3A_58 : vector<1x128xf32> to vector<1024x128xf32>
    %add3A_60 = arith.addf %add3A_55, %add3A_59 : vector<1024x128xf32>
    %reduce_max3A = arith.constant dense<0xFF800000> : vector<1024xf32>
    %reduce_max3A_61 = vector.multi_reduction <maximumf>, %add3A_60, %reduce_max3A [1] : vector<1024x128xf32> to vector<1024xf32>
    %broadcast_in_dim3A_62 = vector.shape_cast %reduce_max3A_61 : vector<1024xf32> to vector<1024x1xf32>
    %sub3A_63 = vector.broadcast %broadcast_in_dim3A_62 : vector<1024x1xf32> to vector<1024x128xf32>
    %sub3A_64 = arith.subf %add3A_60, %sub3A_63 : vector<1024x128xf32>
    %sub3A_65 = vector.broadcast %broadcast_in_dim3A_62 : vector<1024x1xf32> to vector<1024x128xf32>
    %sub3A_66 = arith.subf %add3A_60, %sub3A_65 : vector<1024x128xf32>
    %exp3A = math.exp %sub3A_66 : vector<1024x128xf32>
    %reduce_sum3A = arith.constant dense<0.000000e+00> : vector<1024xf32>
    %reduce_sum3A_67 = vector.multi_reduction <add>, %exp3A, %reduce_sum3A [1] : vector<1024x128xf32> to vector<1024xf32>
    %broadcast_in_dim3A_68 = vector.shape_cast %reduce_sum3A_67 : vector<1024xf32> to vector<1024x1xf32>
    %log3A = math.log %broadcast_in_dim3A_68 : vector<1024x1xf32>
    %sub3A_69 = vector.broadcast %log3A : vector<1024x1xf32> to vector<1024x128xf32>
    %sub3A_70 = arith.subf %sub3A_64, %sub3A_69 : vector<1024x128xf32>
    %swap3A = arith.constant 0 : index
    %swap3A_71 = arith.constant 0 : index
    %swap3A_72 = vector.load %arg7[%swap3A, %swap3A_71] : memref<1024x128xf32, #tpu.memory_space<vmem>>, vector<1024x128xf32>
    tpu.vector_store %arg7[%swap3A, %swap3A_71], %sub3A_70 {strides = array<i32>} : memref<1024x128xf32, #tpu.memory_space<vmem>>, vector<1024x128xf32>,
    return
  }
  func.func @transform_0(%arg0: i32) -> (i32, i32, i32) {
    %c0_i32 = arith.constant 0 : i32
    %c0_i32_0 = arith.constant 0 : i32
    %c0_i32_1 = arith.constant 0 : i32
    %c0_i32_2 = arith.constant 0 : i32
    return %c0_i32, %c0_i32_0, %c0_i32_1 : i32, i32, i32
  }
  func.func @transform_1(%arg0: i32) -> (i32, i32) {
    %c0_i32 = arith.constant 0 : i32
    %c0_i32_0 = arith.constant 0 : i32
    %c0_i32_1 = arith.constant 0 : i32
    return %c0_i32, %c0_i32_0 : i32, i32
  }
  func.func @transform_2(%arg0: i32) -> (i32, i32) {
    %c0_i32 = arith.constant 0 : i32
    %c0_i32_0 = arith.constant 0 : i32
    %c0_i32_1 = arith.constant 0 : i32
    return %c0_i32, %c0_i32_0 : i32, i32
  }
  func.func @transform_3(%arg0: i32) -> (i32, i32) {
    %c0_i32 = arith.constant 0 : i32
    %c0_i32_0 = arith.constant 0 : i32
    %c0_i32_1 = arith.constant 0 : i32
    return %c0_i32, %c0_i32_0 : i32, i32
  }
  func.func @transform_4(%arg0: i32) -> (i32, i32) {
    %c0_i32 = arith.constant 0 : i32
    %c0_i32_0 = arith.constant 0 : i32
    %c0_i32_1 = arith.constant 0 : i32
    return %c0_i32, %c0_i32_0 : i32, i32
  }
  func.func @transform_5(%arg0: i32) -> (i32, i32) {
    %c0_i32 = arith.constant 0 : i32
    %c0_i32_0 = arith.constant 0 : i32
    %c0_i32_1 = arith.constant 0 : i32
    return %c0_i32, %c0_i32_0 : i32, i32
  }
  func.func @transform_6(%arg0: i32) -> (i32, i32) {
    %c0_i32 = arith.constant 0 : i32
    %c0_i32_0 = arith.constant 0 : i32
    %c0_i32_1 = arith.constant 0 : i32
    return %c0_i32, %c0_i32_0 : i32, i32
  }
}

module attributes {stable_mosaic.version = 14 : i64} {
  func.func @body(%arg0: i32, %arg1: memref<2x4096x128xf32, #tpu.memory_space<vmem>>, %arg2: memref<2x4096xf32, #tpu.memory_space<vmem>>, %arg3: memref<4096x128xf32, #tpu.memory_space<vmem>>, %arg4: memref<128x128xf32, #tpu.memory_space<vmem>>, %arg5: memref<128x128xf32, #tpu.memory_space<vmem>>, %arg6: memref<1x128xf32, #tpu.memory_space<vmem>>, %arg7: memref<4096x128xf32, #tpu.memory_space<vmem>>) attributes {dimension_semantics = [#tpu.dimension_semantics<arbitrary>], iteration_bounds = array<i64: 1>, scalar_prefetch = 0 : i64, scratch_operands = 0 : i64, tpu.core_type = #tpu.core_type<tc>, window_params = [{transform_indices = @transform_0, window_bounds = array<i64: 2, 4096, 128>}, {transform_indices = @transform_1, window_bounds = array<i64: 2, 4096>}, {transform_indices = @transform_2, window_bounds = array<i64: 4096, 128>}, {pipeline_mode = #tpu.pipeline_mode<synchronous>, transform_indices = @transform_3, window_bounds = array<i64: 128, 128>}, {pipeline_mode = #tpu.pipeline_mode<synchronous>, transform_indices = @transform_4, window_bounds = array<i64: 128, 128>}, {pipeline_mode = #tpu.pipeline_mode<synchronous>, transform_indices = @transform_5, window_bounds = array<i64: 1, 128>}, {pipeline_mode = #tpu.pipeline_mode<synchronous>, transform_indices = @transform_6, window_bounds = array<i64: 4096, 128>}]} {
    %get3A = arith.constant 0 : index
    %get3A_0 = arith.constant 0 : index
    %get3A_1 = arith.constant 0 : index
    %get3A_2 = vector.load %arg1[%get3A, %get3A_0, %get3A_1] : memref<2x4096x128xf32, #tpu.memory_space<vmem>>, vector<1x4096x128xf32>
    %get3A_3 = vector.shape_cast %get3A_2 : vector<1x4096x128xf32> to vector<4096x128xf32>
    %get3A_4 = arith.constant 1 : index
    %get3A_5 = arith.constant 0 : index
    %get3A_6 = arith.constant 0 : index
    %get3A_7 = vector.load %arg1[%get3A_4, %get3A_5, %get3A_6] : memref<2x4096x128xf32, #tpu.memory_space<vmem>>, vector<1x4096x128xf32>
    %get3A_8 = vector.shape_cast %get3A_7 : vector<1x4096x128xf32> to vector<4096x128xf32>
    %add3A = arith.addf %get3A_3, %get3A_8 : vector<4096x128xf32>
    %get3A_9 = arith.constant 0 : index
    %get3A_10 = arith.constant 0 : index
    %get3A_11 = vector.load %arg2[%get3A_9, %get3A_10] : memref<2x4096xf32, #tpu.memory_space<vmem>>, vector<2x4096xf32>
    %broadcast_in_dim3A = arith.constant 1.000000e+00 : f32
    %broadcast_in_dim3A_12 = vector.broadcast %broadcast_in_dim3A : f32 to vector<2x128xf32>
    %dot_general3A = arith.constant dense<0.000000e+00> : vector<4096x128xf32>
    %dot_general3A_13 = tpu.matmul %get3A_11, %broadcast_in_dim3A_12, %dot_general3A {dimension_numbers = #tpu.dot_dimension_numbers<[0], [0], [1], [1], [0, 1, 1, 1], [], []>, precision = #tpu.contract_precision<fp32>, transpose_lhs_hint = false} : vector<2x4096xf32>, vector<2x128xf32>, vector<4096x128xf32> -> vector<4096x128xf32>
    %max3A = arith.constant 1.000000e+00 : f32
    %max3A_14 = vector.broadcast %max3A : f32 to vector<4096x128xf32>
    %max3A_15 = arith.maximumf %dot_general3A_13, %max3A_14 : vector<4096x128xf32>
    %div3A = arith.divf %add3A, %max3A_15 : vector<4096x128xf32>
    %get3A_16 = arith.constant 0 : index
    %get3A_17 = arith.constant 0 : index
    %get3A_18 = vector.load %arg4[%get3A_16, %get3A_17] : memref<128x128xf32, #tpu.memory_space<vmem>>, vector<128x128xf32>
    %convert_element_type3A = arith.truncf %div3A : vector<4096x128xf32> to vector<4096x128xbf16>
    %convert_element_type3A_19 = arith.extf %convert_element_type3A : vector<4096x128xbf16> to vector<4096x128xf32>
    %sub3A = arith.subf %div3A, %convert_element_type3A_19 : vector<4096x128xf32>
    %convert_element_type3A_20 = arith.truncf %sub3A : vector<4096x128xf32> to vector<4096x128xbf16>
    %convert_element_type3A_21 = arith.truncf %get3A_18 : vector<128x128xf32> to vector<128x128xbf16>
    %convert_element_type3A_22 = arith.extf %convert_element_type3A_21 : vector<128x128xbf16> to vector<128x128xf32>
    %sub3A_23 = arith.subf %get3A_18, %convert_element_type3A_22 : vector<128x128xf32>
    %convert_element_type3A_24 = arith.truncf %sub3A_23 : vector<128x128xf32> to vector<128x128xbf16>
    %dot_general3A_25 = arith.constant dense<0.000000e+00> : vector<4096x128xf32>
    %dot_general3A_26 = tpu.matmul %convert_element_type3A, %convert_element_type3A_21, %dot_general3A_25 {dimension_numbers = #tpu.dot_dimension_numbers<[1], [1], [0], [0], [0, 0, 1, 0], [], []>, transpose_lhs_hint = false} : vector<4096x128xbf16>, vector<128x128xbf16>, vector<4096x128xf32> -> vector<4096x128xf32>
    %dot_general3A_27 = arith.constant dense<0.000000e+00> : vector<4096x128xf32>
    %dot_general3A_28 = tpu.matmul %convert_element_type3A_20, %convert_element_type3A_21, %dot_general3A_27 {dimension_numbers = #tpu.dot_dimension_numbers<[1], [1], [0], [0], [0, 0, 1, 0], [], []>, transpose_lhs_hint = false} : vector<4096x128xbf16>, vector<128x128xbf16>, vector<4096x128xf32> -> vector<4096x128xf32>
    %add3A_29 = arith.addf %dot_general3A_26, %dot_general3A_28 : vector<4096x128xf32>
    %dot_general3A_30 = arith.constant dense<0.000000e+00> : vector<4096x128xf32>
    %dot_general3A_31 = tpu.matmul %convert_element_type3A, %convert_element_type3A_24, %dot_general3A_30 {dimension_numbers = #tpu.dot_dimension_numbers<[1], [1], [0], [0], [0, 0, 1, 0], [], []>, transpose_lhs_hint = false} : vector<4096x128xbf16>, vector<128x128xbf16>, vector<4096x128xf32> -> vector<4096x128xf32>
    %add3A_32 = arith.addf %add3A_29, %dot_general3A_31 : vector<4096x128xf32>
    %get3A_33 = arith.constant 0 : index
    %get3A_34 = arith.constant 0 : index
    %get3A_35 = vector.load %arg3[%get3A_33, %get3A_34] : memref<4096x128xf32, #tpu.memory_space<vmem>>, vector<4096x128xf32>
    %get3A_36 = arith.constant 0 : index
    %get3A_37 = arith.constant 0 : index
    %get3A_38 = vector.load %arg5[%get3A_36, %get3A_37] : memref<128x128xf32, #tpu.memory_space<vmem>>, vector<128x128xf32>
    %convert_element_type3A_39 = arith.truncf %get3A_35 : vector<4096x128xf32> to vector<4096x128xbf16>
    %convert_element_type3A_40 = arith.extf %convert_element_type3A_39 : vector<4096x128xbf16> to vector<4096x128xf32>
    %sub3A_41 = arith.subf %get3A_35, %convert_element_type3A_40 : vector<4096x128xf32>
    %convert_element_type3A_42 = arith.truncf %sub3A_41 : vector<4096x128xf32> to vector<4096x128xbf16>
    %convert_element_type3A_43 = arith.truncf %get3A_38 : vector<128x128xf32> to vector<128x128xbf16>
    %convert_element_type3A_44 = arith.extf %convert_element_type3A_43 : vector<128x128xbf16> to vector<128x128xf32>
    %sub3A_45 = arith.subf %get3A_38, %convert_element_type3A_44 : vector<128x128xf32>
    %convert_element_type3A_46 = arith.truncf %sub3A_45 : vector<128x128xf32> to vector<128x128xbf16>
    %dot_general3A_47 = arith.constant dense<0.000000e+00> : vector<4096x128xf32>
    %dot_general3A_48 = tpu.matmul %convert_element_type3A_39, %convert_element_type3A_43, %dot_general3A_47 {dimension_numbers = #tpu.dot_dimension_numbers<[1], [1], [0], [0], [0, 0, 1, 0], [], []>, transpose_lhs_hint = false} : vector<4096x128xbf16>, vector<128x128xbf16>, vector<4096x128xf32> -> vector<4096x128xf32>
    %dot_general3A_49 = arith.constant dense<0.000000e+00> : vector<4096x128xf32>
    %dot_general3A_50 = tpu.matmul %convert_element_type3A_42, %convert_element_type3A_43, %dot_general3A_49 {dimension_numbers = #tpu.dot_dimension_numbers<[1], [1], [0], [0], [0, 0, 1, 0], [], []>, transpose_lhs_hint = false} : vector<4096x128xbf16>, vector<128x128xbf16>, vector<4096x128xf32> -> vector<4096x128xf32>
    %add3A_51 = arith.addf %dot_general3A_48, %dot_general3A_50 : vector<4096x128xf32>
    %dot_general3A_52 = arith.constant dense<0.000000e+00> : vector<4096x128xf32>
    %dot_general3A_53 = tpu.matmul %convert_element_type3A_39, %convert_element_type3A_46, %dot_general3A_52 {dimension_numbers = #tpu.dot_dimension_numbers<[1], [1], [0], [0], [0, 0, 1, 0], [], []>, transpose_lhs_hint = false} : vector<4096x128xbf16>, vector<128x128xbf16>, vector<4096x128xf32> -> vector<4096x128xf32>
    %add3A_54 = arith.addf %add3A_51, %dot_general3A_53 : vector<4096x128xf32>
    %add3A_55 = arith.addf %add3A_32, %add3A_54 : vector<4096x128xf32>
    %get3A_56 = arith.constant 0 : index
    %get3A_57 = arith.constant 0 : index
    %get3A_58 = vector.load %arg6[%get3A_56, %get3A_57] : memref<1x128xf32, #tpu.memory_space<vmem>>, vector<1x128xf32>
    %add3A_59 = vector.broadcast %get3A_58 : vector<1x128xf32> to vector<4096x128xf32>
    %add3A_60 = arith.addf %add3A_55, %add3A_59 : vector<4096x128xf32>
    %max3A_61 = arith.constant 0.000000e+00 : f32
    %max3A_62 = vector.broadcast %max3A_61 : f32 to vector<4096x128xf32>
    %max3A_63 = arith.maximumf %add3A_60, %max3A_62 : vector<4096x128xf32>
    %swap3A = arith.constant 0 : index
    %swap3A_64 = arith.constant 0 : index
    %swap3A_65 = vector.load %arg7[%swap3A, %swap3A_64] : memref<4096x128xf32, #tpu.memory_space<vmem>>, vector<4096x128xf32>
    tpu.vector_store %arg7[%swap3A, %swap3A_64], %max3A_63 {strides = array<i32>} : memref<4096x128xf32, #tpu.memory_space<vmem>>, vector<4096x128xf32>,
    return
  }
  func.func @transform_0(%arg0: i32) -> (i32, i32, i32) {
    %c0_i32 = arith.constant 0 : i32
    %c0_i32_0 = arith.constant 0 : i32
    %c0_i32_1 = arith.constant 0 : i32
    %c0_i32_2 = arith.constant 0 : i32
    return %c0_i32, %c0_i32_0, %c0_i32_1 : i32, i32, i32
  }
  func.func @transform_1(%arg0: i32) -> (i32, i32) {
    %c0_i32 = arith.constant 0 : i32
    %c0_i32_0 = arith.constant 0 : i32
    %c0_i32_1 = arith.constant 0 : i32
    return %c0_i32, %c0_i32_0 : i32, i32
  }
  func.func @transform_2(%arg0: i32) -> (i32, i32) {
    %c0_i32 = arith.constant 0 : i32
    %c0_i32_0 = arith.constant 0 : i32
    %c0_i32_1 = arith.constant 0 : i32
    return %c0_i32, %c0_i32_0 : i32, i32
  }
  func.func @transform_3(%arg0: i32) -> (i32, i32) {
    %c0_i32 = arith.constant 0 : i32
    %c0_i32_0 = arith.constant 0 : i32
    %c0_i32_1 = arith.constant 0 : i32
    return %c0_i32, %c0_i32_0 : i32, i32
  }
  func.func @transform_4(%arg0: i32) -> (i32, i32) {
    %c0_i32 = arith.constant 0 : i32
    %c0_i32_0 = arith.constant 0 : i32
    %c0_i32_1 = arith.constant 0 : i32
    return %c0_i32, %c0_i32_0 : i32, i32
  }
  func.func @transform_5(%arg0: i32) -> (i32, i32) {
    %c0_i32 = arith.constant 0 : i32
    %c0_i32_0 = arith.constant 0 : i32
    %c0_i32_1 = arith.constant 0 : i32
    return %c0_i32, %c0_i32_0 : i32, i32
  }
  func.func @transform_6(%arg0: i32) -> (i32, i32) {
    %c0_i32 = arith.constant 0 : i32
    %c0_i32_0 = arith.constant 0 : i32
    %c0_i32_1 = arith.constant 0 : i32
    return %c0_i32, %c0_i32_0 : i32, i32
  }
}

</mosaic_0001>

<sc_bundles>
// kernel: kernel.6.cloned.1.call-start
scs
__scs_entry_jumppad:
0x0: {  	(pc) =	sbr.rel $0x88, $3  }
0x1: {  	(tag) =	ssettag $0x0;
	lr =	simm.s32 $0x1  }
0x2: {  	[smem:$0x3F98] =	sst lr;
	_ =	strace $0xD0000000  }
0x3: {  	_ = 	snop  }
0x4: {  	_ = 	snop  }
0x5: {  	_ = 	snop  }
0x6: {  	_ = 	snop  }
0x7: {  	_ = 	snop  }
__scs_overlays_trampoline_lowered:
0x8: {  	[smem:$0x3FA7] =	sst s0  }
0x9: {  	[smem:$0x3FA8] =	sst s1  }
0xa: {  	[smem:$0x3FA9] =	sst s2  }
0xb: {  	[smem:$0x3FAA] =	sst s3  }
0xc: {  	[smem:$0x3FAB] =	sst s4  }
0xd: {  	[smem:$0x3FAC] =	sst s5  }
0xe: {  	[smem:$0x3FAD] =	sst s6  }
0xf: {  	[smem:$0x3FAE] =	sst s7  }
0x10: {  	[smem:$0x3FAF] =	sst s8  }
0x11: {  	[smem:$0x3FB0] =	sst s9;
	s0 =	simm.s32 @!p0 $0x0  }
0x12: {  	s1 =	sld [smem:$0x3F96];
	s0 =	simm.s32 @p0 $0x1  }
0x13: {  	[smem:$0x3FB1] =	sst s0;
	s0 =	simm.s32 @!p1 $0x0  }
0x14: {  	s2 =	sld [smem:$0x3F95];
	s0 =	simm.s32 @p1 $0x1  }
0x15: {  	[smem:$0x3FB2] =	sst s0;
	s0 =	simm.s32 @!p2 $0x0  }
0x16: {  	s3 =	sld [smem:$0x3FDB];
	s0 =	simm.s32 @p2 $0x1  }
0x17: {  	s4 =	simm.s32 $0x1BF5;
	[smem:$0x3FB4] =	sst s0  }
0x18: {  	s0 =	sld [smem:$0x3F97];
	_ =	swait.ge [sflag:s4], $0x0  }
0x19: {  	s7 =	sld [smem:$0x3F98]  }
0x1a: {  	s8 =	sadd.s32 $0xFFFFE003, lr  }
0x1b: {  	s9 =	sadd.s32 $0xFFFFFEF7, lr;
	s5 =	simm.s32 $0xFFFFFFFF;
	p2 =	slt.u32 s8, $0xFFFFF086  }
0x1c: {  	p1 =	slt.u32 s9, $0xF7A;
	s5 =	simm.s32 @!p2 $0x0  }
0x1d: {  	s5 =	simm.s32 @p1 $0x1;
	p0 =	seq.s32 s7, s2  }
0x1e: {  	s7 =	smul.u32 @!p0 $0xF7A, s2;
	p2 =	seq.s32 @!p0 s5, $0x0  }
0x1f: {  	s9 =	smul.u32 $0xF7A, s1;
	s8 =	simm.s32 @!p0 $0x1BF5;
	p2 =	por !p2, p0  }
0x20: {  	[sflag:s8] =	ssyncset.s32 @!p0 $0xFFFFF086;
	s6 =	sadd.s32 @!p0 s3, s7;
	s7 =	simm.s32 @!p0 $0x108  }
0x21: {  	s3 =	sadd.s32 s3, s9;
	s6 =	sadd.s32 @!p0 $0x88, s6;
	s7 =	simm.s32 @p2 $0x1082  }
0x22: {  	[simem:s7], [sflag:s8] =	dma.local @!p0 [hbm:s6], $0xF7A  }
0x23: {  	s9 =	sor.u32 $0xD0000000, s2;
	s6 =	simm.s32 $0x108;
	_ =	swait.ge @!p0 [sflag:s8], $0x0  }
0x24: {  	s3 =	sadd.s32 $0x88, s3;
	s6 =	simm.s32 @!p1 $0x1082;
	[sflag:s4] =	ssyncset.s32 $0xFFFFF086  }
0x25: {  	[simem:s6], [sflag:s4] =	dma.local [hbm:s3], $0xF7A  }
0x26: {  	[smem:$0x3F98] =	sst s1;
	(tag) =	ssettag s2;
	_ =	strace s9  }
0x27: {  	s1 =	sld [smem:$0x3FA8]  }
0x28: {  	s2 =	sld [smem:$0x3FA9]  }
0x29: {  	s4 =	sld [smem:$0x3FAB]  }
0x2a: {  	p0 =	seq.s32 s5, $0x0;
	s5 =	sld [smem:$0x3FAC]  }
0x2b: {  	s6 =	sld [smem:$0x3FAD]  }
0x2c: {  	s7 =	sld [smem:$0x3FAE]  }
0x2d: {  	s3 =	simm.s32 $0x108;
	s8 =	sld [smem:$0x3FAF]  }
0x2e: {  	s3 =	simm.s32 @!p0 $0x1082;
	s9 =	sld [smem:$0x3FB0]  }
0x2f: {  	lr =	sadd.s32 s0, s3;
	s0 =	sld [smem:$0x3FA7]  }
0x30: {  	s3 =	sld [smem:$0x3FAA]  }
0x31: {  	[smem:$0x3FB3] =	sst s10  }
0x32: {  	s10 =	sld [smem:$0x3FB1];
	_ =	sdelay $0x3  }
0x33: {  	p0 =	seq.s32 s10, $0x1;
	s10 =	sld [smem:$0x3FB3];
	_ =	sdelay $0x3  }
0x34: {  	[smem:$0x3FB3] =	sst s10  }
0x35: {  	s10 =	sld [smem:$0x3FB2];
	_ =	sdelay $0x3  }
0x36: {  	p1 =	seq.s32 s10, $0x1;
	s10 =	sld [smem:$0x3FB3];
	_ =	sdelay $0x3  }
0x37: {  	[smem:$0x3FB3] =	sst s10  }
0x38: {  	s10 =	sld [smem:$0x3FB4]  }
0x39: {  	_ = 	snop;
	(pc) =	sbr.ind lr, $3  }
0x3a: {  	_ = 	snop  }
0x3b: {  	_ = 	snop  }
0x3c: {  	p2 =	seq.s32 s10, $0x1;
	s10 =	sld [smem:$0x3FB3]  }
0x3d: {  	_ =	shalt  }
0x3e: {  	_ =	shalt  }
0x3f: {  	_ =	shalt  }
0x40: {  	_ =	shalt  }
0x41: {  	_ =	shalt  }
0x42: {  	_ =	shalt  }
0x43: {  	_ =	shalt  }
0x44: {  	_ =	shalt  }
0x45: {  	_ =	shalt  }
0x46: {  	_ =	shalt  }
0x47: {  	_ =	shalt  }
0x48: {  	_ =	shalt  }
0x49: {  	_ =	shalt  }
0x4a: {  	_ =	shalt  }
0x4b: {  	_ =	shalt  }
0x4c: {  	_ =	shalt  }
0x4d: {  	_ =	shalt  }
0x4e: {  	_ =	shalt  }
0x4f: {  	_ =	shalt  }
0x50: {  	_ =	shalt  }
0x51: {  	_ =	shalt  }
0x52: {  	_ =	shalt  }
0x53: {  	_ =	shalt  }
0x54: {  	_ =	shalt  }
0x55: {  	_ =	shalt  }
0x56: {  	_ =	shalt  }
0x57: {  	_ =	shalt  }
0x58: {  	_ =	shalt  }
0x59: {  	_ =	shalt  }
0x5a: {  	_ =	shalt  }
0x5b: {  	_ =	shalt  }
0x5c: {  	_ =	shalt  }
0x5d: {  	_ =	shalt  }
0x5e: {  	_ =	shalt  }
0x5f: {  	_ =	shalt  }
0x60: {  	_ =	shalt  }
0x61: {  	_ =	shalt  }
0x62: {  	_ =	shalt  }
0x63: {  	_ =	shalt  }
0x64: {  	_ =	shalt  }
0x65: {  	_ =	shalt  }
0x66: {  	_ =	shalt  }
0x67: {  	_ =	shalt  }
0x68: {  	_ =	shalt  }
0x69: {  	_ =	shalt  }
0x6a: {  	_ =	shalt  }
0x6b: {  	_ =	shalt  }
0x6c: {  	_ =	shalt  }
0x6d: {  	_ =	shalt  }
0x6e: {  	_ =	shalt  }
0x6f: {  	_ =	shalt  }
0x70: {  	_ =	shalt  }
0x71: {  	_ =	shalt  }
0x72: {  	_ =	shalt  }
0x73: {  	_ =	shalt  }
0x74: {  	_ =	shalt  }
0x75: {  	_ =	shalt  }
0x76: {  	_ =	shalt  }
0x77: {  	_ =	shalt  }
0x78: {  	_ =	shalt  }
0x79: {  	_ =	shalt  }
0x7a: {  	_ =	shalt  }
0x7b: {  	_ =	shalt  }
0x7c: {  	_ =	shalt  }
0x7d: {  	_ =	shalt  }
0x7e: {  	_ =	shalt  }
0x7f: {  	_ =	shalt  }
0x80: {  	_ =	shalt  }
0x81: {  	_ =	shalt  }
0x82: {  	_ =	shalt  }
0x83: {  	_ =	shalt  }
0x84: {  	_ =	shalt  }
0x85: {  	_ =	shalt  }
0x86: {  	_ =	shalt  }
0x87: {  	_ =	shalt  }
.Lfunc_end0:
.L_simem_size_0:
called_computation_lowered:
.L_overlay_start_0:
0x88: {  	s2 =	sld [smem:$0x3FD9]  }
0x89: {  	s3 =	sld [smem:$0x3FFE];
	_ =	sdelay $0x1  }
0x8a: {  	s1 =	srdreg.scid  }
0x8b: {  	s0 =	sand.u32 $0x1, s1  }
0x8c: {  	s17 =	sshll.u32 s0, $0xA;
	s2 =	sadd.s32 s3, s2  }
0x8d: {  	s2 =	sadd.s32 s2, s17  }
0x8e: {  	[smem:$0x3FBF] =	sst s2  }
0x8f: {  	_ = 	snop  }
0x90: {  	s2 =	sld [smem:$0x3FC9];
	(tm) =	ssettm $0x1  }
0x91: {  	s18 =	sld [smem:$0x3FFB];
	_ =	sdelay $0x3  }
0x92: {  	_ =	strace s18  }
0x93: {  	s3 =	sld [smem:$0x3FFC];
	_ =	sdelay $0x3  }
0x94: {  	_ =	strace s3  }
0x95: {  	s3 =	sld [smem:$0x3FFD];
	_ =	sdelay $0x3  }
0x96: {  	_ =	strace s3  }
0x97: {  	_ =	strace $0x8FFFFFFF  }
0x98: {  	s19 =	sld [smem:$0x3FDB];
	_ =	sdelay $0x1  }
0x99: {  	s4 =	simm.s32 $_scs_section_size  }
0x9a: {  	s5 =	simm.s32 $_size__tile_overlayer_lowered;
	s6 =	simm.s32 $_tile_overlayer_lowered  }
0x9b: {  	s22 =	simm.s32 $0x1BFF;
	s21 =	sshll.u32 s6, $0x1;
	s3 =	sadd.s32 s4, s19  }
0x9c: {  	s7 =	simm.s32 $0x0;
	s20 =	sshll.u32 s5, $0x1;
	s5 =	sadd.s32 s21, s3  }
0x9d: {  	[timem:s7], [sflag:s22] =	dma.local [hbm:s5], s20  }
0x9e: {  	_ =	swait.ge [sflag:s22], s20  }
0x9f: {  	s4 =	ssub.s32 $0x0, s20;
	[sflag:s22] =	ssyncset.done $0x0  }
0xa0: {  	[sflag:s22] =	ssyncadd.s32 s4;
	_ =	sdelay $0x1  }
0xa1: {  	s23 =	simm.s32 $0x1B8B  }
0xa2: {  	_ =	swait.ge [sflag:s23], $0x1  }
0xa3: {  	[sflag:s23] =	ssyncset.done $0x0  }
0xa4: {  	s25 =	simm.s32 $0x1B8E;
	s24 =	sld [smem:$0x3FFE];
	[sflag:s23] =	ssyncadd.s32 $0xFFFFFFFF  }
0xa5: {  	s26 =	simm.s32 $execute0_lowered;
	[smem:$0x3FD2] =	sst s25  }
0xa6: {  	s5 =	sshll.u32 s26, $0x1;
	_ =	strace $0x80000046;
	[dreg:$0x1] =	wrdreg $0xFFFFFFFF  }
0xa7: {  	s28 =	simm.s32 $_size_execute0_lowered;
	s3 =	sadd.s32 s3, s5;
	[dreg:$0x0] =	wrdreg $0x0  }
0xa8: {  	s5 =	sshll.u32 s28, $0x1;
	[dreg:$0x2] =	wrdreg s3  }
0xa9: {  	[dreg:$0x3] =	wrdreg s5  }
0xaa: {  	[dreg:$0x4] =	wrdreg $0xC0  }
0xab: {  	_ =	task [dreg:s7], $0x5FFFF  }
0xac: {  	[dreg:$0x1] =	wrdreg $0xFFFFFFFF  }
0xad: {  	[dreg:$0x0] =	wrdreg $0x60  }
0xae: {  	[dreg:$0x2] =	wrdreg s2  }
0xaf: {  	[dreg:$0x3] =	wrdreg s24  }
0xb0: {  	[dreg:$0x4] =	wrdreg $0x152000  }
0xb1: {  	[dreg:$0x5] =	wrdreg $0x1D6000  }
0xb2: {  	[dreg:$0x6] =	wrdreg $0x9  }
0xb3: {  	_ =	task.clear_ibuf [dreg:s7], $0x7FFFF;
	_ =	strace $0x90000046  }
0xb4: {  	s29 =	simm.s32 $0x9;
	_ =	strace $0x80000048  }
0xb5: {  	_ =	swait.ge [sflag:s29], $0x1  }
0xb6: {  	[sflag:s29] =	ssyncadd.s32 $0xFFFFFFFF  }
0xb7: {  	_ =	strace $0x90000048  }
0xb8: {  	_ =	sfence  }
0xb9: {  	s30 =	sld [smem:$0x0];
	_ =	sdelay $0x2  }
0xba: {  	s31 =	sshll.u32 s1, $0xD;
	s1 =	sshrl.u32 s1, $0x2  }
0xbb: {  	s3 =	sand.u32 $0x4000, s31;
	s1 =	sadd.s32 s1, s30  }
0xbc: {  	s0 =	sor.u32 s3, s0;
	s1 =	sshll.u32 s1, $0x11  }
0xbd: {  	s0 =	sor.u32 s1, s0  }
0xbe: {  	s0 =	sadd.s32 $0x8F2B, s0  }
0xbf: {  	[sflag:s0] =	ssyncadd.remote.s32 $0x1  }
0xc0: {  	_ =	sfence.sel $0xFFFF  }
0xc1: {  	[dreg:$0x0] =	wrdreg $0xFFFFFFFF;
	(pc) =	sbr.abs _section_cstart, $3  }
0xc2: {  	[dreg:$0x1] =	wrdreg $0xFFFFFFFF  }
0xc3: {  	_ =	task.clear_ibuf [dreg:s7], $0x2FFFF;
	_ =	strace $0x9FFFFFFF  }
0xc4: {  	(tm) =	ssettm $0x7FFFFFFF  }
0xc5: {  	_ =	shalt  }
tec
execute0_lowered:
.L_overlay_start_1:
0x0: {  	(tag) =	ssettag $0x1  }
0x1: {  	s0 =	rddreg [dreg:$0x0]  }
0x2: {  	s2 =	rddreg [dreg:$0x1]  }
0x3: {  	s1 =	srdreg.scid;
	s3 =	rddreg [dreg:$0x2]  }
0x4: {  	s14 =	stileid.u32;
	s4 =	rddreg [dreg:$0x3]  }
0x5: {  	s17 =	simm.s32 $0x15000;
	s19 =	simm.s32 $0x1;
	s28 =	simm.s32 $0xD  }
0x6: {  	s30 =	simm.s32 $0xD000;
	s31 =	simm.s32 $0x3;
	s7 =	smul.u32 $0x8400, s14  }
0x7: {  	s15 =	simm.s32 $0xC;
	s29 =	simm.s32 $0x0;
	s8 =	smul.u32 $0x108, s14  }
0x8: {  	s1 =	sand.u32 $0x1, s1;
	s13 =	sadd.s32 $0x16800, s2;
	s22 =	smul.u32 $0x21000, s14  }
0x9: {  	s25 =	sshll.u32 s14, $0x6;
	s5 =	sshll.u32 s1, $0x4;
	s10 =	smul.u32 $0x84000, s1  }
0xa: {  	s12 =	smul.u32 $0x1080, s1;
	s1 =	ssub.s32 $0x2, s1;
	s6 =	sor.u32 s14, s5  }
0xb: {  	s5 =	simm.s32 $0x0;
	s9 =	sshrl.u32 s7, $0x3;
	s11 =	sshrl.u32 s8, $0x3  }
0xc: {  	s21 =	sshrl.u32 s1, $0x1;
	s24 =	sshrl.u32 s22, $0x2;
	s22 =	simm.s32 $0x9000  }
0xd: {  	s14 =	simm.s32 $0x8;
	s6 =	smul.u32 $0x500, s6;
	[smem:$0x7FF] =	sst s5  }
0xe: {  	s9 =	sadd.s32 s9, s2;
	s11 =	sadd.s32 s11, s2;
	s7 =	sadd.s32 s7, s10  }
0xf: {  	s20 =	sadd.s32 s8, s12;
	s1 =	ssub.s32 s1, s21;
	s12 =	sadd.s32 s8, s4  }
0x10: {  	s21 =	simm.s32 $0x5000;
	s8 =	simm.s32 $0x4;
	_ =	strace $0x80000047  }
0x11: {  	[dreg:$0x5] =	wrdreg s13;
	s7 =	sshrl.u32 s7, $0x3;
	s10 =	sshrl.u32 s20, $0x3  }
0x12: {  	s9 =	sadd.s32 $0x16A00, s9;
	s26 =	sadd.s32 $0x27200, s11;
	s1 =	smax.u32 s1, $0x1  }
0x13: {  	s20 =	simm.s32 $0x80;
	s11 =	simm.s32 $0x7;
	[dreg:$0x8] =	wrdreg s9  }
0x14: {  	s13 =	simm.s32 $0xB;
	s6 =	sadd.s32 s6, s2;
	[dreg:$0x9] =	wrdreg s26  }
0x15: {  	s7 =	sadd.s32 s7, s2;
	[dreg:$0xc] =	wrdreg s1;
	s23 =	sadd.s32 $0xC800, s6  }
0x16: {  	s2 =	sadd.s32 s10, s2;
	s6 =	sadd.s32 $0x2800, s6;
	[dreg:$0x6] =	wrdreg s23  }
0x17: {  	s10 =	sor.u32 $0x1C05, s25;
	s7 =	sadd.s32 $0x27C00, s7;
	[dreg:$0x7] =	wrdreg s6  }
0x18: {  	s25 =	simm.s32 $0x5;
	s2 =	sadd.s32 $0x27600, s2;
	[dreg:$0xa] =	wrdreg s7  }
0x19: {  	s26 =	simm.s32 $0x15080;
	s6 =	sadd.s32 s24, s3;
	[dreg:$0xb] =	wrdreg s2  }
0x1a: {  	s23 =	simm.s32 $0x2;
	s24 =	simm.s32 $0x9;
	s2 =	simm.s32 $0x11000  }
0x1b: {  	s7 =	simm.s32 $0xA;
	s18 =	sshrl.u32 s6, $0x3;
	s6 =	simm.s32 $0x6  }
.LBB2_1:
0x1c: {  	s1 =	rddreg [dreg:$0x6]  }
0x1d: {  	[tilespmem:s5], [sflag:$0x1] =	stream.linear.gather [hbm4b:s1+s5], $0x2800, $0x38;
	[tilespmem:$0x1D708] =	vst v63  }
0x1e: {  	s16 =	rddreg [dreg:$0x7];
	s9 =	simm.s32 $0x2800  }
0x1f: {  	[tilespmem:s9], [sflag:$0x2] =	stream.linear.gather [hbm4b:s16+s5], $0x2800, $0x38;
	[tilespmem:$0x1D708] =	vst v63  }
0x20: {  	s16 =	rddreg [dreg:$0x5]  }
0x21: {  	[tilespmem:s17], [sflag:$0x9] =	stream.linear.gather [hbm4b:s16+s5], $0x80, $0x38;
	[tilespmem:$0x1D708] =	vst v63  }
0x22: {  	s16 =	rddreg [dreg:$0x8]  }
0x23: {  	[spmem:s18], [sflag:s10] =	dma.local [hbm:s16], $0x1080  }
0x24: {  	_ =	swait.ge [sflag:s19], $0x2800  }
0x25: {  	[sflag:s19] =	ssyncset.done $0x0  }
0x26: {  	[sflag:s19] =	ssyncadd.s32 $0xFFFFD800  }
0x27: {  	[tilespmem:s21], [sflag:$0x1] =	stream.indirect.gather [hbm4b:s0+s20], $0x80, s5, s20, $0xb8;
	[tilespmem:$0x1D708] =	vst v63  }
0x28: {  	_ = 	snop  }
0x29: {  	[tilespmem:s22], [sflag:$0x2] =	stream.indirect.gather [hbm4b:s0+s20], $0x80, s20, s20, $0xb8;
	[tilespmem:$0x1D708] =	vst v63  }
0x2a: {  	_ =	swait.ge [sflag:s23], $0x2800  }
0x2b: {  	[sflag:s23] =	ssyncset.done $0x0  }
0x2c: {  	[sflag:s23] =	ssyncadd.s32 $0xFFFFD800  }
0x2d: {  	_ =	swait.ge [sflag:s24], $0x80  }
0x2e: {  	[sflag:s24] =	ssyncset.done $0x0  }
0x2f: {  	[sflag:s24] =	ssyncadd.s32 $0xFFFFFF80  }
0x30: {  	_ =	swait.ge [sflag:s25], $0x1080  }
0x31: {  	[sflag:s25] =	ssyncset.done $0x0  }
0x32: {  	s16 =	rddreg [dreg:$0x9];
	[sflag:s25] =	ssyncadd.s32 $0xFFFFEF80  }
0x33: {  	[tilespmem:s26], [sflag:$0xD] =	stream.linear.gather [hbm4b:s16+s5], $0x108, $0x38;
	[tilespmem:$0x1D708] =	vst v63  }
0x34: {  	_ =	swait.ge [sflag:s28], $0x108  }
0x35: {  	[sflag:s28] =	ssyncset.done $0x0  }
0x36: {  	[sflag:s28] =	ssyncadd.s32 $0xFFFFFEF8  }
0x37: {  	[spmem:s12] =	stream.linear.scatter [tilespmem:s26], [sflag:$0xD], $0x108, $0x38;
	[tilespmem:$0x1D708] =	vst v63  }
0x38: {  	_ =	swait.ge [sflag:s28], $0x108  }
0x39: {  	[sflag:s28] =	ssyncset.done $0x0  }
0x3a: {  	[sflag:s28] =	ssyncadd.s32 $0xFFFFFEF8  }
0x3b: {  	s16 =	simm.s32 $0x100;
	[bflag:$0x0] =	sbarrier.arrive $0xFFFF  }
0x3c: {  	[tilespmem:s30], [sflag:$0x3] =	stream.indirect.gather [hbm4b:s0+s20], $0x80, s16, s20, $0xb8;
	[tilespmem:$0x1D708] =	vst v63  }
0x3d: {  	_ =	swait.ge [sflag:s19], $0x4000  }
0x3e: {  	[sflag:s19] =	ssyncset.done $0x0  }
0x3f: {  	[sflag:s19] =	ssyncadd.s32 $0xFFFFC000  }
0x40: {  	[spmem:s3] =	stream.indirect.scatter.add.f32 [tilespmem:s21], [sflag:$0x5], $0x80, s9, s20, $0xb8;
	[tilespmem:$0x1D708] =	vst v63  }
0x41: {  	_ = 	snop  }
0x42: {  	[spmem:s4] =	stream.indirect.scatter.add.f32 [tilespmem:s17], [sflag:$0x9], $0x1, s9, s20, $0xb8;
	[tilespmem:$0x1D708] =	vst v63  }
0x43: {  	s16 =	simm.s32 $0x180  }
0x44: {  	[tilespmem:s2], [sflag:$0x4] =	stream.indirect.gather [hbm4b:s0+s20], $0x80, s16, s20, $0xb8;
	[tilespmem:$0x1D708] =	vst v63  }
0x45: {  	_ =	swait.ge [sflag:s23], $0x4000  }
0x46: {  	[sflag:s23] =	ssyncset.done $0x0  }
0x47: {  	s9 =	simm.s32 $0x2880;
	[sflag:s23] =	ssyncadd.s32 $0xFFFFC000  }
0x48: {  	[spmem:s3] =	stream.indirect.scatter.add.f32 [tilespmem:s22], [sflag:$0x6], $0x80, s9, s20, $0xb8;
	[tilespmem:$0x1D708] =	vst v63  }
0x49: {  	_ = 	snop  }
0x4a: {  	[spmem:s4] =	stream.indirect.scatter.add.f32 [tilespmem:s17], [sflag:$0xA], $0x1, s9, s20, $0xb8;
	[tilespmem:$0x1D708] =	vst v63  }
0x4b: {  	_ =	swait.ge [sflag:s25], $0x4000  }
0x4c: {  	[sflag:s25] =	ssyncset.done $0x0  }
0x4d: {  	[sflag:s25] =	ssyncadd.s32 $0xFFFFC000  }
0x4e: {  	_ =	swait.ge [sflag:s24], $0x80  }
0x4f: {  	[sflag:s24] =	ssyncset.done $0x0  }
0x50: {  	s16 =	simm.s32 $0x200;
	[sflag:s24] =	ssyncadd.s32 $0xFFFFFF80  }
0x51: {  	[tilespmem:s21], [sflag:$0x1] =	stream.indirect.gather [hbm4b:s0+s20], $0x80, s16, s20, $0xb8;
	[tilespmem:$0x1D708] =	vst v63  }
0x52: {  	_ =	swait.ge [sflag:s31], $0x4000  }
0x53: {  	[sflag:s31] =	ssyncset.done $0x0  }
0x54: {  	s9 =	simm.s32 $0x2900;
	[sflag:s31] =	ssyncadd.s32 $0xFFFFC000  }
0x55: {  	[spmem:s3] =	stream.indirect.scatter.add.f32 [tilespmem:s30], [sflag:$0x7], $0x80, s9, s20, $0xb8;
	[tilespmem:$0x1D708] =	vst v63  }
0x56: {  	_ = 	snop  }
0x57: {  	[spmem:s4] =	stream.indirect.scatter.add.f32 [tilespmem:s17], [sflag:$0xB], $0x1, s9, s20, $0xb8;
	[tilespmem:$0x1D708] =	vst v63  }
0x58: {  	_ =	swait.ge [sflag:s6], $0x4000  }
0x59: {  	[sflag:s6] =	ssyncset.done $0x0  }
0x5a: {  	[sflag:s6] =	ssyncadd.s32 $0xFFFFC000  }
0x5b: {  	_ =	swait.ge [sflag:s7], $0x80  }
0x5c: {  	[sflag:s7] =	ssyncset.done $0x0  }
0x5d: {  	s16 =	simm.s32 $0x280;
	[sflag:s7] =	ssyncadd.s32 $0xFFFFFF80  }
0x5e: {  	[tilespmem:s22], [sflag:$0x2] =	stream.indirect.gather [hbm4b:s0+s20], $0x80, s16, s20, $0xb8;
	[tilespmem:$0x1D708] =	vst v63  }
0x5f: {  	_ =	swait.ge [sflag:s8], $0x4000  }
0x60: {  	[sflag:s8] =	ssyncset.done $0x0  }
0x61: {  	s9 =	simm.s32 $0x2980;
	[sflag:s8] =	ssyncadd.s32 $0xFFFFC000  }
0x62: {  	[spmem:s3] =	stream.indirect.scatter.add.f32 [tilespmem:s2], [sflag:$0x8], $0x80, s9, s20, $0xb8;
	[tilespmem:$0x1D708] =	vst v63  }
0x63: {  	_ = 	snop  }
0x64: {  	[spmem:s4] =	stream.indirect.scatter.add.f32 [tilespmem:s17], [sflag:$0xC], $0x1, s9, s20, $0xb8;
	[tilespmem:$0x1D708] =	vst v63  }
0x65: {  	_ =	swait.ge [sflag:s11], $0x4000  }
0x66: {  	[sflag:s11] =	ssyncset.done $0x0  }
0x67: {  	[sflag:s11] =	ssyncadd.s32 $0xFFFFC000  }
0x68: {  	_ =	swait.ge [sflag:s13], $0x80  }
0x69: {  	[sflag:s13] =	ssyncset.done $0x0  }
0x6a: {  	s16 =	simm.s32 $0x300;
	[sflag:s13] =	ssyncadd.s32 $0xFFFFFF80  }
0x6b: {  	[tilespmem:s30], [sflag:$0x3] =	stream.indirect.gather [hbm4b:s0+s20], $0x80, s16, s20, $0xb8;
	[tilespmem:$0x1D708] =	vst v63  }
0x6c: {  	_ =	swait.ge [sflag:s19], $0x4000  }
0x6d: {  	[sflag:s19] =	ssyncset.done $0x0  }
0x6e: {  	s9 =	simm.s32 $0x2A00;
	[sflag:s19] =	ssyncadd.s32 $0xFFFFC000  }
0x6f: {  	[spmem:s3] =	stream.indirect.scatter.add.f32 [tilespmem:s21], [sflag:$0x5], $0x80, s9, s20, $0xb8;
	[tilespmem:$0x1D708] =	vst v63  }
0x70: {  	_ = 	snop  }
0x71: {  	[spmem:s4] =	stream.indirect.scatter.add.f32 [tilespmem:s17], [sflag:$0x9], $0x1, s9, s20, $0xb8;
	[tilespmem:$0x1D708] =	vst v63  }
0x72: {  	_ =	swait.ge [sflag:s14], $0x4000  }
0x73: {  	[sflag:s14] =	ssyncset.done $0x0  }
0x74: {  	[sflag:s14] =	ssyncadd.s32 $0xFFFFC000  }
0x75: {  	_ =	swait.ge [sflag:s15], $0x80  }
0x76: {  	[sflag:s15] =	ssyncset.done $0x0  }
0x77: {  	s16 =	simm.s32 $0x380;
	[sflag:s15] =	ssyncadd.s32 $0xFFFFFF80  }
0x78: {  	[tilespmem:s2], [sflag:$0x4] =	stream.indirect.gather [hbm4b:s0+s20], $0x80, s16, s20, $0xb8;
	[tilespmem:$0x1D708] =	vst v63  }
0x79: {  	_ =	swait.ge [sflag:s23], $0x4000  }
0x7a: {  	[sflag:s23] =	ssyncset.done $0x0  }
0x7b: {  	s9 =	simm.s32 $0x2A80;
	[sflag:s23] =	ssyncadd.s32 $0xFFFFC000  }
0x7c: {  	[spmem:s3] =	stream.indirect.scatter.add.f32 [tilespmem:s22], [sflag:$0x6], $0x80, s9, s20, $0xb8;
	[tilespmem:$0x1D708] =	vst v63  }
0x7d: {  	_ = 	snop  }
0x7e: {  	[spmem:s4] =	stream.indirect.scatter.add.f32 [tilespmem:s17], [sflag:$0xA], $0x1, s9, s20, $0xb8;
	[tilespmem:$0x1D708] =	vst v63  }
0x7f: {  	_ =	swait.ge [sflag:s25], $0x4000  }
0x80: {  	[sflag:s25] =	ssyncset.done $0x0  }
0x81: {  	[sflag:s25] =	ssyncadd.s32 $0xFFFFC000  }
0x82: {  	_ =	swait.ge [sflag:s24], $0x80  }
0x83: {  	[sflag:s24] =	ssyncset.done $0x0  }
0x84: {  	s16 =	simm.s32 $0x400;
	[sflag:s24] =	ssyncadd.s32 $0xFFFFFF80  }
0x85: {  	[tilespmem:s21], [sflag:$0x1] =	stream.indirect.gather [hbm4b:s0+s20], $0x80, s16, s20, $0xb8;
	[tilespmem:$0x1D708] =	vst v63  }
0x86: {  	_ =	swait.ge [sflag:s31], $0x4000  }
0x87: {  	[sflag:s31] =	ssyncset.done $0x0  }
0x88: {  	s9 =	simm.s32 $0x2B00;
	[sflag:s31] =	ssyncadd.s32 $0xFFFFC000  }
0x89: {  	[spmem:s3] =	stream.indirect.scatter.add.f32 [tilespmem:s30], [sflag:$0x7], $0x80, s9, s20, $0xb8;
	[tilespmem:$0x1D708] =	vst v63  }
0x8a: {  	_ = 	snop  }
0x8b: {  	[spmem:s4] =	stream.indirect.scatter.add.f32 [tilespmem:s17], [sflag:$0xB], $0x1, s9, s20, $0xb8;
	[tilespmem:$0x1D708] =	vst v63  }
0x8c: {  	_ =	swait.ge [sflag:s6], $0x4000  }
0x8d: {  	[sflag:s6] =	ssyncset.done $0x0  }
0x8e: {  	[sflag:s6] =	ssyncadd.s32 $0xFFFFC000  }
0x8f: {  	_ =	swait.ge [sflag:s7], $0x80  }
0x90: {  	[sflag:s7] =	ssyncset.done $0x0  }
0x91: {  	s16 =	simm.s32 $0x480;
	[sflag:s7] =	ssyncadd.s32 $0xFFFFFF80  }
0x92: {  	[tilespmem:s22], [sflag:$0x2] =	stream.indirect.gather [hbm4b:s0+s20], $0x80, s16, s20, $0xb8;
	[tilespmem:$0x1D708] =	vst v63  }
0x93: {  	_ =	swait.ge [sflag:s8], $0x4000  }
0x94: {  	[sflag:s8] =	ssyncset.done $0x0  }
0x95: {  	s1 =	simm.s32 $0x2B80;
	s9 =	simm.s32 $0x800;
	[sflag:s8] =	ssyncadd.s32 $0xFFFFC000  }
0x96: {  	[spmem:s3] =	stream.indirect.scatter.add.f32 [tilespmem:s2], [sflag:$0x8], $0x80, s1, s20, $0xb8;
	[tilespmem:$0x1D708] =	vst v63  }
.LBB2_2:
0x97: {  	[spmem:s4] =	stream.indirect.scatter.add.f32 [tilespmem:s17], [sflag:$0xC], $0x1, s1, s20, $0xb8;
	[tilespmem:$0x1D708] =	vst v63  }
0x98: {  	s1 =	smov.u32 s9  }
0x99: {  	p0 =	sne.s32 s9, $0x8800;
	s9 =	sadd.s32 $0x800, s9;
	_ =	swait.ge [sflag:s11], $0x4000  }
0x9a: {  	[sflag:s11] =	ssyncset.done $0x0  }
0x9b: {  	[sflag:s11] =	ssyncadd.s32 $0xFFFFC000  }
0x9c: {  	_ =	swait.ge [sflag:s13], $0x80  }
0x9d: {  	s1 =	sshra.s32 s1, $0x2;
	[sflag:s13] =	ssyncset.done $0x0  }
0x9e: {  	s16 =	sadd.s32 $0x300, s1;
	[sflag:s13] =	ssyncadd.s32 $0xFFFFFF80  }
0x9f: {  	[tilespmem:s30], [sflag:$0x3] =	stream.indirect.gather [hbm4b:s0+s20], $0x80, s16, s20, $0xb8;
	[tilespmem:$0x1D708] =	vst v63  }
0xa0: {  	_ =	swait.ge [sflag:s19], $0x4000  }
0xa1: {  	[sflag:s19] =	ssyncset.done $0x0  }
0xa2: {  	s16 =	sadd.s32 $0x2A00, s1;
	[sflag:s19] =	ssyncadd.s32 $0xFFFFC000  }
0xa3: {  	[spmem:s3] =	stream.indirect.scatter.add.f32 [tilespmem:s21], [sflag:$0x5], $0x80, s16, s20, $0xb8;
	[tilespmem:$0x1D708] =	vst v63  }
0xa4: {  	_ = 	snop  }
0xa5: {  	[spmem:s4] =	stream.indirect.scatter.add.f32 [tilespmem:s17], [sflag:$0x9], $0x1, s16, s20, $0xb8;
	[tilespmem:$0x1D708] =	vst v63  }
0xa6: {  	_ =	swait.ge [sflag:s14], $0x4000  }
0xa7: {  	[sflag:s14] =	ssyncset.done $0x0  }
0xa8: {  	[sflag:s14] =	ssyncadd.s32 $0xFFFFC000  }
0xa9: {  	_ =	swait.ge [sflag:s15], $0x80  }
0xaa: {  	[sflag:s15] =	ssyncset.done $0x0  }
0xab: {  	s16 =	sadd.s32 $0x380, s1;
	[sflag:s15] =	ssyncadd.s32 $0xFFFFFF80  }
0xac: {  	[tilespmem:s2], [sflag:$0x4] =	stream.indirect.gather [hbm4b:s0+s20], $0x80, s16, s20, $0xb8;
	[tilespmem:$0x1D708] =	vst v63  }
0xad: {  	_ =	swait.ge [sflag:s23], $0x4000  }
0xae: {  	[sflag:s23] =	ssyncset.done $0x0  }
0xaf: {  	s16 =	sadd.s32 $0x2A80, s1;
	[sflag:s23] =	ssyncadd.s32 $0xFFFFC000  }
0xb0: {  	[spmem:s3] =	stream.indirect.scatter.add.f32 [tilespmem:s22], [sflag:$0x6], $0x80, s16, s20, $0xb8;
	[tilespmem:$0x1D708] =	vst v63  }
0xb1: {  	_ = 	snop  }
0xb2: {  	[spmem:s4] =	stream.indirect.scatter.add.f32 [tilespmem:s17], [sflag:$0xA], $0x1, s16, s20, $0xb8;
	[tilespmem:$0x1D708] =	vst v63  }
0xb3: {  	_ =	swait.ge [sflag:s25], $0x4000  }
0xb4: {  	[sflag:s25] =	ssyncset.done $0x0  }
0xb5: {  	[sflag:s25] =	ssyncadd.s32 $0xFFFFC000  }
0xb6: {  	_ =	swait.ge [sflag:s24], $0x80  }
0xb7: {  	[sflag:s24] =	ssyncset.done $0x0  }
0xb8: {  	s16 =	sadd.s32 $0x400, s1;
	[sflag:s24] =	ssyncadd.s32 $0xFFFFFF80  }
0xb9: {  	[tilespmem:s21], [sflag:$0x1] =	stream.indirect.gather [hbm4b:s0+s20], $0x80, s16, s20, $0xb8;
	[tilespmem:$0x1D708] =	vst v63  }
0xba: {  	_ =	swait.ge [sflag:s31], $0x4000  }
0xbb: {  	[sflag:s31] =	ssyncset.done $0x0  }
0xbc: {  	s16 =	sadd.s32 $0x2B00, s1;
	[sflag:s31] =	ssyncadd.s32 $0xFFFFC000  }
0xbd: {  	[spmem:s3] =	stream.indirect.scatter.add.f32 [tilespmem:s30], [sflag:$0x7], $0x80, s16, s20, $0xb8;
	[tilespmem:$0x1D708] =	vst v63  }
0xbe: {  	_ = 	snop  }
0xbf: {  	[spmem:s4] =	stream.indirect.scatter.add.f32 [tilespmem:s17], [sflag:$0xB], $0x1, s16, s20, $0xb8;
	[tilespmem:$0x1D708] =	vst v63  }
0xc0: {  	_ =	swait.ge [sflag:s6], $0x4000  }
0xc1: {  	[sflag:s6] =	ssyncset.done $0x0  }
0xc2: {  	[sflag:s6] =	ssyncadd.s32 $0xFFFFC000  }
0xc3: {  	_ =	swait.ge [sflag:s7], $0x80  }
0xc4: {  	[sflag:s7] =	ssyncset.done $0x0  }
0xc5: {  	s16 =	sadd.s32 $0x480, s1;
	[sflag:s7] =	ssyncadd.s32 $0xFFFFFF80  }
0xc6: {  	[tilespmem:s22], [sflag:$0x2] =	stream.indirect.gather [hbm4b:s0+s20], $0x80, s16, s20, $0xb8;
	[tilespmem:$0x1D708] =	vst v63  }
.Ltmp0:
0xc7: {  	_ = 	snop;
	(pc) =	sbr.rel @p0 .LBB2_2-.Ltmp0, $4  }
0xc8: {  	_ =	swait.ge [sflag:s8], $0x4000  }
0xc9: {  	[sflag:s8] =	ssyncset.done $0x0  }
0xca: {  	s1 =	sadd.s32 $0x2B80, s1;
	[sflag:s8] =	ssyncadd.s32 $0xFFFFC000  }
0xcb: {  	[spmem:s3] =	stream.indirect.scatter.add.f32 [tilespmem:s2], [sflag:$0x8], $0x80, s1, s20, $0xb8;
	[tilespmem:$0x1D708] =	vst v63  }
0xcc: {  	[spmem:s4] =	stream.indirect.scatter.add.f32 [tilespmem:s17], [sflag:$0xC], $0x1, s1, s20, $0xb8;
	[tilespmem:$0x1D708] =	vst v63  }
0xcd: {  	_ =	swait.ge [sflag:s11], $0x4000  }
0xce: {  	[sflag:s11] =	ssyncset.done $0x0  }
0xcf: {  	[sflag:s11] =	ssyncadd.s32 $0xFFFFC000  }
0xd0: {  	_ =	swait.ge [sflag:s13], $0x80  }
0xd1: {  	[sflag:s13] =	ssyncset.done $0x0  }
0xd2: {  	s16 =	simm.s32 $0x2700;
	[sflag:s13] =	ssyncadd.s32 $0xFFFFFF80  }
0xd3: {  	[tilespmem:s30], [sflag:$0x3] =	stream.indirect.gather [hbm4b:s0+s20], $0x80, s16, s20, $0xb8;
	[tilespmem:$0x1D708] =	vst v63  }
0xd4: {  	_ =	swait.ge [sflag:s19], $0x4000  }
0xd5: {  	[sflag:s19] =	ssyncset.done $0x0  }
0xd6: {  	s9 =	simm.s32 $0x4E00;
	[sflag:s19] =	ssyncadd.s32 $0xFFFFC000  }
0xd7: {  	[spmem:s3] =	stream.indirect.scatter.add.f32 [tilespmem:s21], [sflag:$0x5], $0x80, s9, s20, $0xb8;
	[tilespmem:$0x1D708] =	vst v63  }
0xd8: {  	_ = 	snop  }
0xd9: {  	[spmem:s4] =	stream.indirect.scatter.add.f32 [tilespmem:s17], [sflag:$0x9], $0x1, s9, s20, $0xb8;
	[tilespmem:$0x1D708] =	vst v63  }
0xda: {  	_ =	swait.ge [sflag:s14], $0x4000  }
0xdb: {  	[sflag:s14] =	ssyncset.done $0x0  }
0xdc: {  	[sflag:s14] =	ssyncadd.s32 $0xFFFFC000  }
0xdd: {  	_ =	swait.ge [sflag:s15], $0x80  }
0xde: {  	[sflag:s15] =	ssyncset.done $0x0  }
0xdf: {  	s16 =	simm.s32 $0x2780;
	[sflag:s15] =	ssyncadd.s32 $0xFFFFFF80  }
0xe0: {  	[tilespmem:s2], [sflag:$0x4] =	stream.indirect.gather [hbm4b:s0+s20], $0x80, s16, s20, $0xb8;
	[tilespmem:$0x1D708] =	vst v63  }
0xe1: {  	_ =	swait.ge [sflag:s23], $0x4000  }
0xe2: {  	[sflag:s23] =	ssyncset.done $0x0  }
0xe3: {  	s9 =	simm.s32 $0x4E80;
	[sflag:s23] =	ssyncadd.s32 $0xFFFFC000  }
0xe4: {  	[spmem:s3] =	stream.indirect.scatter.add.f32 [tilespmem:s22], [sflag:$0x6], $0x80, s9, s20, $0xb8;
	[tilespmem:$0x1D708] =	vst v63  }
0xe5: {  	_ = 	snop  }
0xe6: {  	[spmem:s4] =	stream.indirect.scatter.add.f32 [tilespmem:s17], [sflag:$0xA], $0x1, s9, s20, $0xb8;
	[tilespmem:$0x1D708] =	vst v63  }
0xe7: {  	_ =	swait.ge [sflag:s31], $0x4000  }
0xe8: {  	[sflag:s31] =	ssyncset.done $0x0  }
0xe9: {  	s16 =	simm.s32 $0x4F00;
	[sflag:s31] =	ssyncadd.s32 $0xFFFFC000  }
0xea: {  	[spmem:s3] =	stream.indirect.scatter.add.f32 [tilespmem:s30], [sflag:$0x7], $0x80, s16, s20, $0xb8;
	[tilespmem:$0x1D708] =	vst v63  }
0xeb: {  	_ = 	snop  }
0xec: {  	[spmem:s4] =	stream.indirect.scatter.add.f32 [tilespmem:s17], [sflag:$0xB], $0x1, s16, s20, $0xb8;
	[tilespmem:$0x1D708] =	vst v63  }
0xed: {  	_ =	swait.ge [sflag:s8], $0x4000  }
0xee: {  	[sflag:s8] =	ssyncset.done $0x0  }
0xef: {  	s9 =	simm.s32 $0x4F80;
	[sflag:s8] =	ssyncadd.s32 $0xFFFFC000  }
0xf0: {  	[spmem:s3] =	stream.indirect.scatter.add.f32 [tilespmem:s2], [sflag:$0x8], $0x80, s9, s20, $0xb8;
	[tilespmem:$0x1D708] =	vst v63  }
0xf1: {  	_ = 	snop  }
0xf2: {  	[spmem:s4] =	stream.indirect.scatter.add.f32 [tilespmem:s17], [sflag:$0xC], $0x1, s9, s20, $0xb8;
	[tilespmem:$0x1D708] =	vst v63  }
0xf3: {  	_ =	swait.ge [sflag:s25], $0x4000  }
0xf4: {  	[sflag:s25] =	ssyncset.done $0x0  }
0xf5: {  	[sflag:s25] =	ssyncadd.s32 $0xFFFFC000  }
0xf6: {  	_ =	swait.ge [sflag:s24], $0x80  }
0xf7: {  	[sflag:s24] =	ssyncset.done $0x0  }
0xf8: {  	[sflag:s24] =	ssyncadd.s32 $0xFFFFFF80  }
0xf9: {  	_ =	swait.ge [sflag:s6], $0x4000  }
0xfa: {  	[sflag:s6] =	ssyncset.done $0x0  }
0xfb: {  	[sflag:s6] =	ssyncadd.s32 $0xFFFFC000  }
0xfc: {  	_ =	swait.ge [sflag:s7], $0x80  }
0xfd: {  	[sflag:s7] =	ssyncset.done $0x0  }
0xfe: {  	[sflag:s7] =	ssyncadd.s32 $0xFFFFFF80  }
0xff: {  	_ =	swait.ge [sflag:s11], $0x4000  }
0x100: {  	[sflag:s11] =	ssyncset.done $0x0  }
0x101: {  	[sflag:s11] =	ssyncadd.s32 $0xFFFFC000  }
0x102: {  	_ =	swait.ge [sflag:s13], $0x80  }
0x103: {  	[sflag:s13] =	ssyncset.done $0x0  }
0x104: {  	[sflag:s13] =	ssyncadd.s32 $0xFFFFFF80  }
0x105: {  	_ =	swait.ge [sflag:s14], $0x4000  }
0x106: {  	[sflag:s14] =	ssyncset.done $0x0  }
0x107: {  	[sflag:s14] =	ssyncadd.s32 $0xFFFFC000  }
0x108: {  	_ =	swait.ge [sflag:s15], $0x80  }
0x109: {  	[sflag:s15] =	ssyncset.done $0x0  }
0x10a: {  	[sflag:s15] =	ssyncadd.s32 $0xFFFFFF80  }
0x10b: {  	[bflag:$0x0] =	sbarrier.arrive $0xFFFF  }
0x10c: {  	s16 =	rddreg [dreg:$0xa]  }
0x10d: {  	[hbm:s16], [sflag:s10] =	dma.local [spmem:s18], $0x1080  }
0x10e: {  	[tilespmem:s26], [sflag:$0xD] =	stream.linear.gather [spmem:s12], $0x108, $0x38;
	[tilespmem:$0x1D708] =	vst v63  }
0x10f: {  	_ =	swait.ge [sflag:s28], $0x108  }
0x110: {  	[sflag:s28] =	ssyncset.done $0x0  }
0x111: {  	s9 =	rddreg [dreg:$0xb];
	[sflag:s28] =	ssyncadd.s32 $0xFFFFFEF8  }
0x112: {  	[hbm4b:s9+s5] =	stream.linear.scatter [tilespmem:s26], [sflag:$0xD], $0x108, $0x38;
	[tilespmem:$0x1D708] =	vst v63  }
0x113: {  	_ =	swait.ge [sflag:s28], $0x108  }
0x114: {  	[sflag:s28] =	ssyncset.done $0x0  }
0x115: {  	[sflag:s28] =	ssyncadd.s32 $0xFFFFFEF8  }
0x116: {  	_ =	swait.ge [sflag:s25], $0x1080  }
0x117: {  	s29 =	sadd.s32 $0x1, s29;
	s16 =	rddreg [dreg:$0xc]  }
0x118: {  	p0 =	sne.s32 s29, s16  }
.Ltmp1:
0x119: {  	_ = 	snop;
	(pc) =	sbr.rel @p0 .LBB2_1-.Ltmp1, $3  }
0x11a: {  	_ =	sdelay $0x1  }
0x11b: {  	[sflag:s25] =	ssyncset.done $0x0  }
0x11c: {  	[sflag:s25] =	ssyncadd.s32 $0xFFFFEF80  }
0x11d: {  	_ =	sfence.sel $0x180000  }
0x11e: {  	[bflag:$0x0] =	sbarrier.arrive $0xFFFF  }
0x11f: {  	_ =	strace $0x90000047  }
0x120: {  	s0 =	stileid.u32;
	[bflag:$0x2] =	sbarrier.arrive $0xFFFF  }
0x121: {  	p0 =	sne.s32 s0, $0x0;
	s0 =	rddreg [dreg:$0x4]  }
0x122: {  	s0 =	sadd.s32 @!p0 $0x100000, s0  }
0x123: {  	[sflag:s0] =	ssyncadd.tile.s32 @!p0 $0x1;
	_ =	shalt  }
.Lfunc_end2:
_tile_overlayer_lowered:
.L_overlay_start_2:
0x124: {  	(tag) =	ssettag $0x2  }
0x125: {  	s0 =	rddreg [dreg:$0x0];
	s2 =	stileid.u32  }
0x126: {  	s1 =	rddreg [dreg:$0x1];
	p0 =	sne.s32 s2, $0x0  }
0x127: {  	s3 =	rddreg [dreg:$0x2];
	[bflag:$0x3] =	sbarrier.arrive $0xFFFF;
	s2 =	simm.s32 @!p0 $0x1C0D  }
0x128: {  	[timem:s3], [sflag:s2] =	dma.local @!p0 [hbm:s0], s1  }
0x129: {  	s0 =	simm.s32 @!p0 $0xD  }
0x12a: {  	_ =	swait.ge @!p0 [sflag:s0], s1  }
0x12b: {  	s1 =	ssub.s32 @!p0 $0x0, s1;
	[sflag:s0] =	ssyncset.done @!p0 $0x0  }
0x12c: {  	[sflag:s0] =	ssyncadd.s32 @!p0 s1  }
0x12d: {  	[bflag:$0x3] =	sbarrier.arrive $0xFFFF  }
0x12e: {  	_ =	shalt  }

// kernel: kernel.9.cloned.1.call-start
scs
__scs_entry_jumppad:
0x0: {  	(pc) =	sbr.rel $0x88, $3  }
0x1: {  	(tag) =	ssettag $0x0;
	lr =	simm.s32 $0x1  }
0x2: {  	[smem:$0x3F98] =	sst lr;
	_ =	strace $0xD0000000  }
0x3: {  	_ = 	snop  }
0x4: {  	_ = 	snop  }
0x5: {  	_ = 	snop  }
0x6: {  	_ = 	snop  }
0x7: {  	_ = 	snop  }
__scs_overlays_trampoline_lowered:
0x8: {  	[smem:$0x3FA7] =	sst s0  }
0x9: {  	[smem:$0x3FA8] =	sst s1  }
0xa: {  	[smem:$0x3FA9] =	sst s2  }
0xb: {  	[smem:$0x3FAA] =	sst s3  }
0xc: {  	[smem:$0x3FAB] =	sst s4  }
0xd: {  	[smem:$0x3FAC] =	sst s5  }
0xe: {  	[smem:$0x3FAD] =	sst s6  }
0xf: {  	[smem:$0x3FAE] =	sst s7  }
0x10: {  	[smem:$0x3FAF] =	sst s8  }
0x11: {  	[smem:$0x3FB0] =	sst s9;
	s0 =	simm.s32 @!p0 $0x0  }
0x12: {  	s1 =	sld [smem:$0x3F96];
	s0 =	simm.s32 @p0 $0x1  }
0x13: {  	[smem:$0x3FB1] =	sst s0;
	s0 =	simm.s32 @!p1 $0x0  }
0x14: {  	s2 =	sld [smem:$0x3F95];
	s0 =	simm.s32 @p1 $0x1  }
0x15: {  	[smem:$0x3FB2] =	sst s0;
	s0 =	simm.s32 @!p2 $0x0  }
0x16: {  	s3 =	sld [smem:$0x3FDB];
	s0 =	simm.s32 @p2 $0x1  }
0x17: {  	s4 =	simm.s32 $0x1BF5;
	[smem:$0x3FB4] =	sst s0  }
0x18: {  	s0 =	sld [smem:$0x3F97];
	_ =	swait.ge [sflag:s4], $0x0  }
0x19: {  	s7 =	sld [smem:$0x3F98]  }
0x1a: {  	s8 =	sadd.s32 $0xFFFFE003, lr  }
0x1b: {  	s9 =	sadd.s32 $0xFFFFFEF7, lr;
	s5 =	simm.s32 $0xFFFFFFFF;
	p2 =	slt.u32 s8, $0xFFFFF086  }
0x1c: {  	p1 =	slt.u32 s9, $0xF7A;
	s5 =	simm.s32 @!p2 $0x0  }
0x1d: {  	s5 =	simm.s32 @p1 $0x1;
	p0 =	seq.s32 s7, s2  }
0x1e: {  	s7 =	smul.u32 @!p0 $0xF7A, s2;
	p2 =	seq.s32 @!p0 s5, $0x0  }
0x1f: {  	s9 =	smul.u32 $0xF7A, s1;
	s8 =	simm.s32 @!p0 $0x1BF5;
	p2 =	por !p2, p0  }
0x20: {  	[sflag:s8] =	ssyncset.s32 @!p0 $0xFFFFF086;
	s6 =	sadd.s32 @!p0 s3, s7;
	s7 =	simm.s32 @!p0 $0x108  }
0x21: {  	s3 =	sadd.s32 s3, s9;
	s6 =	sadd.s32 @!p0 $0x88, s6;
	s7 =	simm.s32 @p2 $0x1082  }
0x22: {  	[simem:s7], [sflag:s8] =	dma.local @!p0 [hbm:s6], $0xF7A  }
0x23: {  	s9 =	sor.u32 $0xD0000000, s2;
	s6 =	simm.s32 $0x108;
	_ =	swait.ge @!p0 [sflag:s8], $0x0  }
0x24: {  	s3 =	sadd.s32 $0x88, s3;
	s6 =	simm.s32 @!p1 $0x1082;
	[sflag:s4] =	ssyncset.s32 $0xFFFFF086  }
0x25: {  	[simem:s6], [sflag:s4] =	dma.local [hbm:s3], $0xF7A  }
0x26: {  	[smem:$0x3F98] =	sst s1;
	(tag) =	ssettag s2;
	_ =	strace s9  }
0x27: {  	s1 =	sld [smem:$0x3FA8]  }
0x28: {  	s2 =	sld [smem:$0x3FA9]  }
0x29: {  	s4 =	sld [smem:$0x3FAB]  }
0x2a: {  	p0 =	seq.s32 s5, $0x0;
	s5 =	sld [smem:$0x3FAC]  }
0x2b: {  	s6 =	sld [smem:$0x3FAD]  }
0x2c: {  	s7 =	sld [smem:$0x3FAE]  }
0x2d: {  	s3 =	simm.s32 $0x108;
	s8 =	sld [smem:$0x3FAF]  }
0x2e: {  	s3 =	simm.s32 @!p0 $0x1082;
	s9 =	sld [smem:$0x3FB0]  }
0x2f: {  	lr =	sadd.s32 s0, s3;
	s0 =	sld [smem:$0x3FA7]  }
0x30: {  	s3 =	sld [smem:$0x3FAA]  }
0x31: {  	[smem:$0x3FB3] =	sst s10  }
0x32: {  	s10 =	sld [smem:$0x3FB1];
	_ =	sdelay $0x3  }
0x33: {  	p0 =	seq.s32 s10, $0x1;
	s10 =	sld [smem:$0x3FB3];
	_ =	sdelay $0x3  }
0x34: {  	[smem:$0x3FB3] =	sst s10  }
0x35: {  	s10 =	sld [smem:$0x3FB2];
	_ =	sdelay $0x3  }
0x36: {  	p1 =	seq.s32 s10, $0x1;
	s10 =	sld [smem:$0x3FB3];
	_ =	sdelay $0x3  }
0x37: {  	[smem:$0x3FB3] =	sst s10  }
0x38: {  	s10 =	sld [smem:$0x3FB4]  }
0x39: {  	_ = 	snop;
	(pc) =	sbr.ind lr, $3  }
0x3a: {  	_ = 	snop  }
0x3b: {  	_ = 	snop  }
0x3c: {  	p2 =	seq.s32 s10, $0x1;
	s10 =	sld [smem:$0x3FB3]  }
0x3d: {  	_ =	shalt  }
0x3e: {  	_ =	shalt  }
0x3f: {  	_ =	shalt  }
0x40: {  	_ =	shalt  }
0x41: {  	_ =	shalt  }
0x42: {  	_ =	shalt  }
0x43: {  	_ =	shalt  }
0x44: {  	_ =	shalt  }
0x45: {  	_ =	shalt  }
0x46: {  	_ =	shalt  }
0x47: {  	_ =	shalt  }
0x48: {  	_ =	shalt  }
0x49: {  	_ =	shalt  }
0x4a: {  	_ =	shalt  }
0x4b: {  	_ =	shalt  }
0x4c: {  	_ =	shalt  }
0x4d: {  	_ =	shalt  }
0x4e: {  	_ =	shalt  }
0x4f: {  	_ =	shalt  }
0x50: {  	_ =	shalt  }
0x51: {  	_ =	shalt  }
0x52: {  	_ =	shalt  }
0x53: {  	_ =	shalt  }
0x54: {  	_ =	shalt  }
0x55: {  	_ =	shalt  }
0x56: {  	_ =	shalt  }
0x57: {  	_ =	shalt  }
0x58: {  	_ =	shalt  }
0x59: {  	_ =	shalt  }
0x5a: {  	_ =	shalt  }
0x5b: {  	_ =	shalt  }
0x5c: {  	_ =	shalt  }
0x5d: {  	_ =	shalt  }
0x5e: {  	_ =	shalt  }
0x5f: {  	_ =	shalt  }
0x60: {  	_ =	shalt  }
0x61: {  	_ =	shalt  }
0x62: {  	_ =	shalt  }
0x63: {  	_ =	shalt  }
0x64: {  	_ =	shalt  }
0x65: {  	_ =	shalt  }
0x66: {  	_ =	shalt  }
0x67: {  	_ =	shalt  }
0x68: {  	_ =	shalt  }
0x69: {  	_ =	shalt  }
0x6a: {  	_ =	shalt  }
0x6b: {  	_ =	shalt  }
0x6c: {  	_ =	shalt  }
0x6d: {  	_ =	shalt  }
0x6e: {  	_ =	shalt  }
0x6f: {  	_ =	shalt  }
0x70: {  	_ =	shalt  }
0x71: {  	_ =	shalt  }
0x72: {  	_ =	shalt  }
0x73: {  	_ =	shalt  }
0x74: {  	_ =	shalt  }
0x75: {  	_ =	shalt  }
0x76: {  	_ =	shalt  }
0x77: {  	_ =	shalt  }
0x78: {  	_ =	shalt  }
0x79: {  	_ =	shalt  }
0x7a: {  	_ =	shalt  }
0x7b: {  	_ =	shalt  }
0x7c: {  	_ =	shalt  }
0x7d: {  	_ =	shalt  }
0x7e: {  	_ =	shalt  }
0x7f: {  	_ =	shalt  }
0x80: {  	_ =	shalt  }
0x81: {  	_ =	shalt  }
0x82: {  	_ =	shalt  }
0x83: {  	_ =	shalt  }
0x84: {  	_ =	shalt  }
0x85: {  	_ =	shalt  }
0x86: {  	_ =	shalt  }
0x87: {  	_ =	shalt  }
.Lfunc_end0:
.L_simem_size_0:
called_computation.1_lowered:
.L_overlay_start_0:
0x88: {  	s2 =	sld [smem:$0x3FD9]  }
0x89: {  	s3 =	sld [smem:$0x3FFE];
	_ =	sdelay $0x1  }
0x8a: {  	s1 =	srdreg.scid  }
0x8b: {  	s0 =	sand.u32 $0x1, s1  }
0x8c: {  	s17 =	sshll.u32 s0, $0xA;
	s2 =	sadd.s32 s3, s2  }
0x8d: {  	s2 =	sadd.s32 s2, s17  }
0x8e: {  	[smem:$0x3FBF] =	sst s2  }
0x8f: {  	_ = 	snop  }
0x90: {  	s2 =	sld [smem:$0x3FD0];
	(tm) =	ssettm $0x1  }
0x91: {  	s18 =	sld [smem:$0x3FFB];
	_ =	sdelay $0x3  }
0x92: {  	_ =	strace s18  }
0x93: {  	s3 =	sld [smem:$0x3FFC];
	_ =	sdelay $0x3  }
0x94: {  	_ =	strace s3  }
0x95: {  	s3 =	sld [smem:$0x3FFD];
	_ =	sdelay $0x3  }
0x96: {  	_ =	strace s3  }
0x97: {  	_ =	strace $0x8FFFFFFF  }
0x98: {  	s19 =	sld [smem:$0x3FDB];
	_ =	sdelay $0x1  }
0x99: {  	s4 =	simm.s32 $_scs_section_size  }
0x9a: {  	s5 =	simm.s32 $_size__tile_overlayer_lowered;
	s6 =	simm.s32 $_tile_overlayer_lowered  }
0x9b: {  	s22 =	simm.s32 $0x1BFF;
	s21 =	sshll.u32 s6, $0x1;
	s3 =	sadd.s32 s4, s19  }
0x9c: {  	s7 =	simm.s32 $0x0;
	s20 =	sshll.u32 s5, $0x1;
	s5 =	sadd.s32 s21, s3  }
0x9d: {  	[timem:s7], [sflag:s22] =	dma.local [hbm:s5], s20  }
0x9e: {  	_ =	swait.ge [sflag:s22], s20  }
0x9f: {  	s4 =	ssub.s32 $0x0, s20;
	[sflag:s22] =	ssyncset.done $0x0  }
0xa0: {  	[sflag:s22] =	ssyncadd.s32 s4;
	_ =	sdelay $0x1  }
0xa1: {  	s23 =	simm.s32 $0x1B8B  }
0xa2: {  	_ =	swait.ge [sflag:s23], $0x1  }
0xa3: {  	[sflag:s23] =	ssyncset.done $0x0  }
0xa4: {  	s25 =	simm.s32 $0x1B8E;
	s24 =	sld [smem:$0x3FFE];
	[sflag:s23] =	ssyncadd.s32 $0xFFFFFFFF  }
0xa5: {  	s26 =	simm.s32 $execute0_lowered;
	[smem:$0x3FD2] =	sst s25  }
0xa6: {  	s5 =	sshll.u32 s26, $0x1;
	_ =	strace $0x80000049;
	[dreg:$0x1] =	wrdreg $0xFFFFFFFF  }
0xa7: {  	s28 =	simm.s32 $_size_execute0_lowered;
	s3 =	sadd.s32 s3, s5;
	[dreg:$0x0] =	wrdreg $0x0  }
0xa8: {  	s5 =	sshll.u32 s28, $0x1;
	[dreg:$0x2] =	wrdreg s3  }
0xa9: {  	[dreg:$0x3] =	wrdreg s5  }
0xaa: {  	[dreg:$0x4] =	wrdreg $0xC0  }
0xab: {  	_ =	task [dreg:s7], $0x5FFFF  }
0xac: {  	[dreg:$0x1] =	wrdreg $0xFFFFFFFF  }
0xad: {  	[dreg:$0x0] =	wrdreg $0x60  }
0xae: {  	[dreg:$0x2] =	wrdreg s24  }
0xaf: {  	[dreg:$0x3] =	wrdreg s2  }
0xb0: {  	[dreg:$0x4] =	wrdreg $0x121000  }
0xb1: {  	[dreg:$0x5] =	wrdreg $0x145000  }
0xb2: {  	[dreg:$0x6] =	wrdreg $0x9  }
0xb3: {  	_ =	task.clear_ibuf [dreg:s7], $0x7FFFF;
	_ =	strace $0x90000049  }
0xb4: {  	s29 =	simm.s32 $0x9;
	_ =	strace $0x8000004B  }
0xb5: {  	_ =	swait.ge [sflag:s29], $0x1  }
0xb6: {  	[sflag:s29] =	ssyncadd.s32 $0xFFFFFFFF  }
0xb7: {  	_ =	strace $0x9000004B  }
0xb8: {  	_ =	sfence  }
0xb9: {  	s30 =	sld [smem:$0x0];
	_ =	sdelay $0x2  }
0xba: {  	s31 =	sshll.u32 s1, $0xD;
	s1 =	sshrl.u32 s1, $0x2  }
0xbb: {  	s3 =	sand.u32 $0x4000, s31;
	s1 =	sadd.s32 s1, s30  }
0xbc: {  	s0 =	sor.u32 s3, s0;
	s1 =	sshll.u32 s1, $0x11  }
0xbd: {  	s0 =	sor.u32 s1, s0  }
0xbe: {  	s0 =	sadd.s32 $0x8F2B, s0  }
0xbf: {  	[sflag:s0] =	ssyncadd.remote.s32 $0x1  }
0xc0: {  	_ =	sfence.sel $0xFFFF  }
0xc1: {  	[dreg:$0x0] =	wrdreg $0xFFFFFFFF;
	(pc) =	sbr.abs _section_cstart, $3  }
0xc2: {  	[dreg:$0x1] =	wrdreg $0xFFFFFFFF  }
0xc3: {  	_ =	task.clear_ibuf [dreg:s7], $0x2FFFF;
	_ =	strace $0x9FFFFFFF  }
0xc4: {  	(tm) =	ssettm $0x7FFFFFFF  }
0xc5: {  	_ =	shalt  }
tec
execute0_lowered:
.L_overlay_start_1:
0x0: {  	(tag) =	ssettag $0x1  }
0x1: {  	s0 =	rddreg [dreg:$0x0]  }
0x2: {  	s3 =	rddreg [dreg:$0x1]  }
0x3: {  	s1 =	rddreg [dreg:$0x2]  }
0x4: {  	s2 =	rddreg [dreg:$0x3]  }
0x5: {  	s4 =	simm.s32 $0x0;
	s5 =	srdreg.scid;
	s16 =	stileid.u32  }
0x6: {  	s28 =	simm.s32 $0xD;
	s30 =	simm.s32 $0xA000;
	s31 =	simm.s32 $0x3  }
0x7: {  	s29 =	simm.s32 $0x0;
	[smem:$0x7FF] =	sst s4;
	s9 =	smul.u32 $0x2400, s16  }
0x8: {  	s6 =	sand.u32 $0x1, s5;
	s8 =	sshll.u32 s16, $0x9;
	s17 =	smul.u32 $0x48, s16  }
0x9: {  	s5 =	sadd.s32 $0x2800, s0;
	s15 =	sadd.s32 $0x16800, s0;
	s20 =	smul.u32 $0x9000, s16  }
0xa: {  	s23 =	sshll.u32 s16, $0x6;
	_ =	strace $0x8000004A;
	s12 =	smul.u32 $0x24000, s6  }
0xb: {  	s7 =	sshll.u32 s6, $0xD;
	s14 =	smul.u32 $0x480, s6;
	[dreg:$0x5] =	wrdreg s15  }
0xc: {  	s6 =	ssub.s32 $0x2, s6;
	s15 =	simm.s32 $0xC;
	s7 =	sor.u32 s8, s7  }
0xd: {  	s11 =	sshrl.u32 s9, $0x3;
	s13 =	sshrl.u32 s17, $0x3;
	s19 =	sshrl.u32 s6, $0x1  }
0xe: {  	s21 =	sshrl.u32 s20, $0x2;
	s20 =	simm.s32 $0x80;
	s8 =	simm.s32 $0x4  }
0xf: {  	s10 =	sadd.s32 s7, s0;
	s11 =	sadd.s32 s11, s0;
	s13 =	sadd.s32 s13, s0  }
0x10: {  	s9 =	sadd.s32 s9, s12;
	s18 =	sadd.s32 s17, s14;
	s6 =	ssub.s32 s6, s19  }
0x11: {  	s3 =	sadd.s32 s3, s7;
	s19 =	simm.s32 $0x1;
	s7 =	simm.s32 $0xA  }
0x12: {  	s14 =	simm.s32 $0x8;
	s9 =	sshrl.u32 s9, $0x3;
	s12 =	sshrl.u32 s18, $0x3  }
0x13: {  	s10 =	sadd.s32 $0x48C00, s10;
	[dreg:$0x7] =	wrdreg s3;
	s3 =	sadd.s32 s21, s1  }
0x14: {  	s22 =	sadd.s32 $0x16A00, s11;
	s24 =	sadd.s32 $0x12800, s13;
	s26 =	smax.u32 s6, $0x1  }
0x15: {  	s21 =	simm.s32 $0x2000;
	s6 =	simm.s32 $0x6;
	[dreg:$0x6] =	wrdreg s10  }
0x16: {  	s11 =	simm.s32 $0x7;
	s13 =	simm.s32 $0xB;
	[dreg:$0x8] =	wrdreg s22  }
0x17: {  	s9 =	sadd.s32 s9, s0;
	s0 =	sadd.s32 s12, s0;
	[dreg:$0x9] =	wrdreg s24  }
0x18: {  	s10 =	sor.u32 $0x1C05, s23;
	s12 =	sadd.s32 s17, s2;
	[dreg:$0xc] =	wrdreg s26  }
0x19: {  	s17 =	simm.s32 $0x12000;
	s18 =	sshrl.u32 s3, $0x3;
	s22 =	simm.s32 $0x6000  }
0x1a: {  	s23 =	simm.s32 $0x2;
	s24 =	simm.s32 $0x9;
	s25 =	sadd.s32 $0x1B200, s9  }
0x1b: {  	s26 =	simm.s32 $0x12080;
	s0 =	sadd.s32 $0x12A00, s0;
	[dreg:$0xa] =	wrdreg s25  }
0x1c: {  	[dreg:$0xb] =	wrdreg s0;
	s25 =	simm.s32 $0x5;
	s0 =	simm.s32 $0xE000  }
.LBB2_1:
0x1d: {  	s3 =	rddreg [dreg:$0x6]  }
0x1e: {  	[tilespmem:s4], [sflag:$0x1] =	stream.linear.gather [hbm4b:s3+s4], $0x1000, $0x38;
	[tilespmem:$0x14548] =	vst v63  }
0x1f: {  	s16 =	rddreg [dreg:$0x7];
	s9 =	simm.s32 $0x1000  }
0x20: {  	[tilespmem:s9], [sflag:$0x2] =	stream.linear.gather [hbm4b:s16+s4], $0x1000, $0x38;
	[tilespmem:$0x14548] =	vst v63  }
0x21: {  	s16 =	rddreg [dreg:$0x5]  }
0x22: {  	[tilespmem:s17], [sflag:$0x9] =	stream.linear.gather [hbm4b:s16+s4], $0x80, $0x38;
	[tilespmem:$0x14548] =	vst v63  }
0x23: {  	s16 =	rddreg [dreg:$0x8]  }
0x24: {  	[spmem:s18], [sflag:s10] =	dma.local [hbm:s16], $0x480  }
0x25: {  	_ =	swait.ge [sflag:s19], $0x1000  }
0x26: {  	[sflag:s19] =	ssyncset.done $0x0  }
0x27: {  	[sflag:s19] =	ssyncadd.s32 $0xFFFFF000  }
0x28: {  	[tilespmem:s21], [sflag:$0x1] =	stream.indirect.gather [hbm4b:s5+s20], $0x80, s4, s20, $0xb8;
	[tilespmem:$0x14548] =	vst v63  }
0x29: {  	_ = 	snop  }
0x2a: {  	[tilespmem:s22], [sflag:$0x2] =	stream.indirect.gather [hbm4b:s5+s20], $0x80, s20, s20, $0xb8;
	[tilespmem:$0x14548] =	vst v63  }
0x2b: {  	_ =	swait.ge [sflag:s23], $0x1000  }
0x2c: {  	[sflag:s23] =	ssyncset.done $0x0  }
0x2d: {  	[sflag:s23] =	ssyncadd.s32 $0xFFFFF000  }
0x2e: {  	_ =	swait.ge [sflag:s24], $0x80  }
0x2f: {  	[sflag:s24] =	ssyncset.done $0x0  }
0x30: {  	[sflag:s24] =	ssyncadd.s32 $0xFFFFFF80  }
0x31: {  	_ =	swait.ge [sflag:s25], $0x480  }
0x32: {  	[sflag:s25] =	ssyncset.done $0x0  }
0x33: {  	s16 =	rddreg [dreg:$0x9];
	[sflag:s25] =	ssyncadd.s32 $0xFFFFFB80  }
0x34: {  	[tilespmem:s26], [sflag:$0xD] =	stream.linear.gather [hbm4b:s16+s4], $0x48, $0x38;
	[tilespmem:$0x14548] =	vst v63  }
0x35: {  	_ =	swait.ge [sflag:s28], $0x48  }
0x36: {  	[sflag:s28] =	ssyncset.done $0x0  }
0x37: {  	[sflag:s28] =	ssyncadd.s32 $0xFFFFFFB8  }
0x38: {  	[spmem:s12] =	stream.linear.scatter [tilespmem:s26], [sflag:$0xD], $0x48, $0x38;
	[tilespmem:$0x14548] =	vst v63  }
0x39: {  	_ =	swait.ge [sflag:s28], $0x48  }
0x3a: {  	[sflag:s28] =	ssyncset.done $0x0  }
0x3b: {  	[sflag:s28] =	ssyncadd.s32 $0xFFFFFFB8  }
0x3c: {  	s16 =	simm.s32 $0x100;
	[bflag:$0x0] =	sbarrier.arrive $0xFFFF  }
0x3d: {  	[tilespmem:s30], [sflag:$0x3] =	stream.indirect.gather [hbm4b:s5+s20], $0x80, s16, s20, $0xb8;
	[tilespmem:$0x14548] =	vst v63  }
0x3e: {  	_ =	swait.ge [sflag:s19], $0x4000  }
0x3f: {  	[sflag:s19] =	ssyncset.done $0x0  }
0x40: {  	[sflag:s19] =	ssyncadd.s32 $0xFFFFC000  }
0x41: {  	[spmem:s1] =	stream.indirect.scatter.add.f32 [tilespmem:s21], [sflag:$0x5], $0x80, s9, s20, $0xb8;
	[tilespmem:$0x14548] =	vst v63  }
0x42: {  	_ = 	snop  }
0x43: {  	[spmem:s2] =	stream.indirect.scatter.add.f32 [tilespmem:s17], [sflag:$0x9], $0x1, s9, s20, $0xb8;
	[tilespmem:$0x14548] =	vst v63  }
0x44: {  	s16 =	simm.s32 $0x180  }
0x45: {  	[tilespmem:s0], [sflag:$0x4] =	stream.indirect.gather [hbm4b:s5+s20], $0x80, s16, s20, $0xb8;
	[tilespmem:$0x14548] =	vst v63  }
0x46: {  	_ =	swait.ge [sflag:s23], $0x4000  }
0x47: {  	[sflag:s23] =	ssyncset.done $0x0  }
0x48: {  	s9 =	simm.s32 $0x1080;
	[sflag:s23] =	ssyncadd.s32 $0xFFFFC000  }
0x49: {  	[spmem:s1] =	stream.indirect.scatter.add.f32 [tilespmem:s22], [sflag:$0x6], $0x80, s9, s20, $0xb8;
	[tilespmem:$0x14548] =	vst v63  }
0x4a: {  	_ = 	snop  }
0x4b: {  	[spmem:s2] =	stream.indirect.scatter.add.f32 [tilespmem:s17], [sflag:$0xA], $0x1, s9, s20, $0xb8;
	[tilespmem:$0x14548] =	vst v63  }
0x4c: {  	_ =	swait.ge [sflag:s25], $0x4000  }
0x4d: {  	[sflag:s25] =	ssyncset.done $0x0  }
0x4e: {  	[sflag:s25] =	ssyncadd.s32 $0xFFFFC000  }
0x4f: {  	_ =	swait.ge [sflag:s24], $0x80  }
0x50: {  	[sflag:s24] =	ssyncset.done $0x0  }
0x51: {  	s16 =	simm.s32 $0x200;
	[sflag:s24] =	ssyncadd.s32 $0xFFFFFF80  }
0x52: {  	[tilespmem:s21], [sflag:$0x1] =	stream.indirect.gather [hbm4b:s5+s20], $0x80, s16, s20, $0xb8;
	[tilespmem:$0x14548] =	vst v63  }
0x53: {  	_ =	swait.ge [sflag:s31], $0x4000  }
0x54: {  	[sflag:s31] =	ssyncset.done $0x0  }
0x55: {  	s9 =	simm.s32 $0x1100;
	[sflag:s31] =	ssyncadd.s32 $0xFFFFC000  }
0x56: {  	[spmem:s1] =	stream.indirect.scatter.add.f32 [tilespmem:s30], [sflag:$0x7], $0x80, s9, s20, $0xb8;
	[tilespmem:$0x14548] =	vst v63  }
0x57: {  	_ = 	snop  }
0x58: {  	[spmem:s2] =	stream.indirect.scatter.add.f32 [tilespmem:s17], [sflag:$0xB], $0x1, s9, s20, $0xb8;
	[tilespmem:$0x14548] =	vst v63  }
0x59: {  	_ =	swait.ge [sflag:s6], $0x4000  }
0x5a: {  	[sflag:s6] =	ssyncset.done $0x0  }
0x5b: {  	[sflag:s6] =	ssyncadd.s32 $0xFFFFC000  }
0x5c: {  	_ =	swait.ge [sflag:s7], $0x80  }
0x5d: {  	[sflag:s7] =	ssyncset.done $0x0  }
0x5e: {  	s16 =	simm.s32 $0x280;
	[sflag:s7] =	ssyncadd.s32 $0xFFFFFF80  }
0x5f: {  	[tilespmem:s22], [sflag:$0x2] =	stream.indirect.gather [hbm4b:s5+s20], $0x80, s16, s20, $0xb8;
	[tilespmem:$0x14548] =	vst v63  }
0x60: {  	_ =	swait.ge [sflag:s8], $0x4000  }
0x61: {  	[sflag:s8] =	ssyncset.done $0x0  }
0x62: {  	s9 =	simm.s32 $0x1180;
	[sflag:s8] =	ssyncadd.s32 $0xFFFFC000  }
0x63: {  	[spmem:s1] =	stream.indirect.scatter.add.f32 [tilespmem:s0], [sflag:$0x8], $0x80, s9, s20, $0xb8;
	[tilespmem:$0x14548] =	vst v63  }
0x64: {  	_ = 	snop  }
0x65: {  	[spmem:s2] =	stream.indirect.scatter.add.f32 [tilespmem:s17], [sflag:$0xC], $0x1, s9, s20, $0xb8;
	[tilespmem:$0x14548] =	vst v63  }
0x66: {  	_ =	swait.ge [sflag:s11], $0x4000  }
0x67: {  	[sflag:s11] =	ssyncset.done $0x0  }
0x68: {  	[sflag:s11] =	ssyncadd.s32 $0xFFFFC000  }
0x69: {  	_ =	swait.ge [sflag:s13], $0x80  }
0x6a: {  	[sflag:s13] =	ssyncset.done $0x0  }
0x6b: {  	s16 =	simm.s32 $0x300;
	[sflag:s13] =	ssyncadd.s32 $0xFFFFFF80  }
0x6c: {  	[tilespmem:s30], [sflag:$0x3] =	stream.indirect.gather [hbm4b:s5+s20], $0x80, s16, s20, $0xb8;
	[tilespmem:$0x14548] =	vst v63  }
0x6d: {  	_ =	swait.ge [sflag:s19], $0x4000  }
0x6e: {  	[sflag:s19] =	ssyncset.done $0x0  }
0x6f: {  	s9 =	simm.s32 $0x1200;
	[sflag:s19] =	ssyncadd.s32 $0xFFFFC000  }
0x70: {  	[spmem:s1] =	stream.indirect.scatter.add.f32 [tilespmem:s21], [sflag:$0x5], $0x80, s9, s20, $0xb8;
	[tilespmem:$0x14548] =	vst v63  }
0x71: {  	_ = 	snop  }
0x72: {  	[spmem:s2] =	stream.indirect.scatter.add.f32 [tilespmem:s17], [sflag:$0x9], $0x1, s9, s20, $0xb8;
	[tilespmem:$0x14548] =	vst v63  }
0x73: {  	_ =	swait.ge [sflag:s14], $0x4000  }
0x74: {  	[sflag:s14] =	ssyncset.done $0x0  }
0x75: {  	[sflag:s14] =	ssyncadd.s32 $0xFFFFC000  }
0x76: {  	_ =	swait.ge [sflag:s15], $0x80  }
0x77: {  	[sflag:s15] =	ssyncset.done $0x0  }
0x78: {  	s16 =	simm.s32 $0x380;
	[sflag:s15] =	ssyncadd.s32 $0xFFFFFF80  }
0x79: {  	[tilespmem:s0], [sflag:$0x4] =	stream.indirect.gather [hbm4b:s5+s20], $0x80, s16, s20, $0xb8;
	[tilespmem:$0x14548] =	vst v63  }
0x7a: {  	_ =	swait.ge [sflag:s23], $0x4000  }
0x7b: {  	[sflag:s23] =	ssyncset.done $0x0  }
0x7c: {  	s9 =	simm.s32 $0x1280;
	[sflag:s23] =	ssyncadd.s32 $0xFFFFC000  }
0x7d: {  	[spmem:s1] =	stream.indirect.scatter.add.f32 [tilespmem:s22], [sflag:$0x6], $0x80, s9, s20, $0xb8;
	[tilespmem:$0x14548] =	vst v63  }
0x7e: {  	_ = 	snop  }
0x7f: {  	[spmem:s2] =	stream.indirect.scatter.add.f32 [tilespmem:s17], [sflag:$0xA], $0x1, s9, s20, $0xb8;
	[tilespmem:$0x14548] =	vst v63  }
0x80: {  	_ =	swait.ge [sflag:s25], $0x4000  }
0x81: {  	[sflag:s25] =	ssyncset.done $0x0  }
0x82: {  	[sflag:s25] =	ssyncadd.s32 $0xFFFFC000  }
0x83: {  	_ =	swait.ge [sflag:s24], $0x80  }
0x84: {  	[sflag:s24] =	ssyncset.done $0x0  }
0x85: {  	s16 =	simm.s32 $0x400;
	[sflag:s24] =	ssyncadd.s32 $0xFFFFFF80  }
0x86: {  	[tilespmem:s21], [sflag:$0x1] =	stream.indirect.gather [hbm4b:s5+s20], $0x80, s16, s20, $0xb8;
	[tilespmem:$0x14548] =	vst v63  }
0x87: {  	_ =	swait.ge [sflag:s31], $0x4000  }
0x88: {  	[sflag:s31] =	ssyncset.done $0x0  }
0x89: {  	s9 =	simm.s32 $0x1300;
	[sflag:s31] =	ssyncadd.s32 $0xFFFFC000  }
0x8a: {  	[spmem:s1] =	stream.indirect.scatter.add.f32 [tilespmem:s30], [sflag:$0x7], $0x80, s9, s20, $0xb8;
	[tilespmem:$0x14548] =	vst v63  }
0x8b: {  	_ = 	snop  }
0x8c: {  	[spmem:s2] =	stream.indirect.scatter.add.f32 [tilespmem:s17], [sflag:$0xB], $0x1, s9, s20, $0xb8;
	[tilespmem:$0x14548] =	vst v63  }
0x8d: {  	_ =	swait.ge [sflag:s6], $0x4000  }
0x8e: {  	[sflag:s6] =	ssyncset.done $0x0  }
0x8f: {  	[sflag:s6] =	ssyncadd.s32 $0xFFFFC000  }
0x90: {  	_ =	swait.ge [sflag:s7], $0x80  }
0x91: {  	[sflag:s7] =	ssyncset.done $0x0  }
0x92: {  	s16 =	simm.s32 $0x480;
	[sflag:s7] =	ssyncadd.s32 $0xFFFFFF80  }
0x93: {  	[tilespmem:s22], [sflag:$0x2] =	stream.indirect.gather [hbm4b:s5+s20], $0x80, s16, s20, $0xb8;
	[tilespmem:$0x14548] =	vst v63  }
0x94: {  	_ =	swait.ge [sflag:s8], $0x4000  }
0x95: {  	[sflag:s8] =	ssyncset.done $0x0  }
0x96: {  	s3 =	simm.s32 $0x1380;
	s9 =	simm.s32 $0x800;
	[sflag:s8] =	ssyncadd.s32 $0xFFFFC000  }
0x97: {  	[spmem:s1] =	stream.indirect.scatter.add.f32 [tilespmem:s0], [sflag:$0x8], $0x80, s3, s20, $0xb8;
	[tilespmem:$0x14548] =	vst v63  }
.LBB2_2:
0x98: {  	[spmem:s2] =	stream.indirect.scatter.add.f32 [tilespmem:s17], [sflag:$0xC], $0x1, s3, s20, $0xb8;
	[tilespmem:$0x14548] =	vst v63  }
0x99: {  	s3 =	smov.u32 s9  }
0x9a: {  	p0 =	sne.s32 s9, $0x2800;
	s9 =	sadd.s32 $0x800, s9;
	_ =	swait.ge [sflag:s11], $0x4000  }
0x9b: {  	[sflag:s11] =	ssyncset.done $0x0  }
0x9c: {  	[sflag:s11] =	ssyncadd.s32 $0xFFFFC000  }
0x9d: {  	_ =	swait.ge [sflag:s13], $0x80  }
0x9e: {  	s3 =	sshra.s32 s3, $0x2;
	[sflag:s13] =	ssyncset.done $0x0  }
0x9f: {  	s16 =	sadd.s32 $0x300, s3;
	[sflag:s13] =	ssyncadd.s32 $0xFFFFFF80  }
0xa0: {  	[tilespmem:s30], [sflag:$0x3] =	stream.indirect.gather [hbm4b:s5+s20], $0x80, s16, s20, $0xb8;
	[tilespmem:$0x14548] =	vst v63  }
0xa1: {  	_ =	swait.ge [sflag:s19], $0x4000  }
0xa2: {  	[sflag:s19] =	ssyncset.done $0x0  }
0xa3: {  	s16 =	sadd.s32 $0x1200, s3;
	[sflag:s19] =	ssyncadd.s32 $0xFFFFC000  }
0xa4: {  	[spmem:s1] =	stream.indirect.scatter.add.f32 [tilespmem:s21], [sflag:$0x5], $0x80, s16, s20, $0xb8;
	[tilespmem:$0x14548] =	vst v63  }
0xa5: {  	_ = 	snop  }
0xa6: {  	[spmem:s2] =	stream.indirect.scatter.add.f32 [tilespmem:s17], [sflag:$0x9], $0x1, s16, s20, $0xb8;
	[tilespmem:$0x14548] =	vst v63  }
0xa7: {  	_ =	swait.ge [sflag:s14], $0x4000  }
0xa8: {  	[sflag:s14] =	ssyncset.done $0x0  }
0xa9: {  	[sflag:s14] =	ssyncadd.s32 $0xFFFFC000  }
0xaa: {  	_ =	swait.ge [sflag:s15], $0x80  }
0xab: {  	[sflag:s15] =	ssyncset.done $0x0  }
0xac: {  	s16 =	sadd.s32 $0x380, s3;
	[sflag:s15] =	ssyncadd.s32 $0xFFFFFF80  }
0xad: {  	[tilespmem:s0], [sflag:$0x4] =	stream.indirect.gather [hbm4b:s5+s20], $0x80, s16, s20, $0xb8;
	[tilespmem:$0x14548] =	vst v63  }
0xae: {  	_ =	swait.ge [sflag:s23], $0x4000  }
0xaf: {  	[sflag:s23] =	ssyncset.done $0x0  }
0xb0: {  	s16 =	sadd.s32 $0x1280, s3;
	[sflag:s23] =	ssyncadd.s32 $0xFFFFC000  }
0xb1: {  	[spmem:s1] =	stream.indirect.scatter.add.f32 [tilespmem:s22], [sflag:$0x6], $0x80, s16, s20, $0xb8;
	[tilespmem:$0x14548] =	vst v63  }
0xb2: {  	_ = 	snop  }
0xb3: {  	[spmem:s2] =	stream.indirect.scatter.add.f32 [tilespmem:s17], [sflag:$0xA], $0x1, s16, s20, $0xb8;
	[tilespmem:$0x14548] =	vst v63  }
0xb4: {  	_ =	swait.ge [sflag:s25], $0x4000  }
0xb5: {  	[sflag:s25] =	ssyncset.done $0x0  }
0xb6: {  	[sflag:s25] =	ssyncadd.s32 $0xFFFFC000  }
0xb7: {  	_ =	swait.ge [sflag:s24], $0x80  }
0xb8: {  	[sflag:s24] =	ssyncset.done $0x0  }
0xb9: {  	s16 =	sadd.s32 $0x400, s3;
	[sflag:s24] =	ssyncadd.s32 $0xFFFFFF80  }
0xba: {  	[tilespmem:s21], [sflag:$0x1] =	stream.indirect.gather [hbm4b:s5+s20], $0x80, s16, s20, $0xb8;
	[tilespmem:$0x14548] =	vst v63  }
0xbb: {  	_ =	swait.ge [sflag:s31], $0x4000  }
0xbc: {  	[sflag:s31] =	ssyncset.done $0x0  }
0xbd: {  	s16 =	sadd.s32 $0x1300, s3;
	[sflag:s31] =	ssyncadd.s32 $0xFFFFC000  }
0xbe: {  	[spmem:s1] =	stream.indirect.scatter.add.f32 [tilespmem:s30], [sflag:$0x7], $0x80, s16, s20, $0xb8;
	[tilespmem:$0x14548] =	vst v63  }
0xbf: {  	_ = 	snop  }
0xc0: {  	[spmem:s2] =	stream.indirect.scatter.add.f32 [tilespmem:s17], [sflag:$0xB], $0x1, s16, s20, $0xb8;
	[tilespmem:$0x14548] =	vst v63  }
0xc1: {  	_ =	swait.ge [sflag:s6], $0x4000  }
0xc2: {  	[sflag:s6] =	ssyncset.done $0x0  }
0xc3: {  	[sflag:s6] =	ssyncadd.s32 $0xFFFFC000  }
0xc4: {  	_ =	swait.ge [sflag:s7], $0x80  }
0xc5: {  	[sflag:s7] =	ssyncset.done $0x0  }
0xc6: {  	s16 =	sadd.s32 $0x480, s3;
	[sflag:s7] =	ssyncadd.s32 $0xFFFFFF80  }
0xc7: {  	[tilespmem:s22], [sflag:$0x2] =	stream.indirect.gather [hbm4b:s5+s20], $0x80, s16, s20, $0xb8;
	[tilespmem:$0x14548] =	vst v63  }
.Ltmp0:
0xc8: {  	_ = 	snop;
	(pc) =	sbr.rel @p0 .LBB2_2-.Ltmp0, $4  }
0xc9: {  	_ =	swait.ge [sflag:s8], $0x4000  }
0xca: {  	[sflag:s8] =	ssyncset.done $0x0  }
0xcb: {  	s3 =	sadd.s32 $0x1380, s3;
	[sflag:s8] =	ssyncadd.s32 $0xFFFFC000  }
0xcc: {  	[spmem:s1] =	stream.indirect.scatter.add.f32 [tilespmem:s0], [sflag:$0x8], $0x80, s3, s20, $0xb8;
	[tilespmem:$0x14548] =	vst v63  }
0xcd: {  	[spmem:s2] =	stream.indirect.scatter.add.f32 [tilespmem:s17], [sflag:$0xC], $0x1, s3, s20, $0xb8;
	[tilespmem:$0x14548] =	vst v63  }
0xce: {  	_ =	swait.ge [sflag:s11], $0x4000  }
0xcf: {  	[sflag:s11] =	ssyncset.done $0x0  }
0xd0: {  	[sflag:s11] =	ssyncadd.s32 $0xFFFFC000  }
0xd1: {  	_ =	swait.ge [sflag:s13], $0x80  }
0xd2: {  	[sflag:s13] =	ssyncset.done $0x0  }
0xd3: {  	s16 =	simm.s32 $0xF00;
	[sflag:s13] =	ssyncadd.s32 $0xFFFFFF80  }
0xd4: {  	[tilespmem:s30], [sflag:$0x3] =	stream.indirect.gather [hbm4b:s5+s20], $0x80, s16, s20, $0xb8;
	[tilespmem:$0x14548] =	vst v63  }
0xd5: {  	_ =	swait.ge [sflag:s19], $0x4000  }
0xd6: {  	[sflag:s19] =	ssyncset.done $0x0  }
0xd7: {  	s9 =	simm.s32 $0x1E00;
	[sflag:s19] =	ssyncadd.s32 $0xFFFFC000  }
0xd8: {  	[spmem:s1] =	stream.indirect.scatter.add.f32 [tilespmem:s21], [sflag:$0x5], $0x80, s9, s20, $0xb8;
	[tilespmem:$0x14548] =	vst v63  }
0xd9: {  	_ = 	snop  }
0xda: {  	[spmem:s2] =	stream.indirect.scatter.add.f32 [tilespmem:s17], [sflag:$0x9], $0x1, s9, s20, $0xb8;
	[tilespmem:$0x14548] =	vst v63  }
0xdb: {  	_ =	swait.ge [sflag:s14], $0x4000  }
0xdc: {  	[sflag:s14] =	ssyncset.done $0x0  }
0xdd: {  	[sflag:s14] =	ssyncadd.s32 $0xFFFFC000  }
0xde: {  	_ =	swait.ge [sflag:s15], $0x80  }
0xdf: {  	[sflag:s15] =	ssyncset.done $0x0  }
0xe0: {  	s16 =	simm.s32 $0xF80;
	[sflag:s15] =	ssyncadd.s32 $0xFFFFFF80  }
0xe1: {  	[tilespmem:s0], [sflag:$0x4] =	stream.indirect.gather [hbm4b:s5+s20], $0x80, s16, s20, $0xb8;
	[tilespmem:$0x14548] =	vst v63  }
0xe2: {  	_ =	swait.ge [sflag:s23], $0x4000  }
0xe3: {  	[sflag:s23] =	ssyncset.done $0x0  }
0xe4: {  	s9 =	simm.s32 $0x1E80;
	[sflag:s23] =	ssyncadd.s32 $0xFFFFC000  }
0xe5: {  	[spmem:s1] =	stream.indirect.scatter.add.f32 [tilespmem:s22], [sflag:$0x6], $0x80, s9, s20, $0xb8;
	[tilespmem:$0x14548] =	vst v63  }
0xe6: {  	_ = 	snop  }
0xe7: {  	[spmem:s2] =	stream.indirect.scatter.add.f32 [tilespmem:s17], [sflag:$0xA], $0x1, s9, s20, $0xb8;
	[tilespmem:$0x14548] =	vst v63  }
0xe8: {  	_ =	swait.ge [sflag:s31], $0x4000  }
0xe9: {  	[sflag:s31] =	ssyncset.done $0x0  }
0xea: {  	s16 =	simm.s32 $0x1F00;
	[sflag:s31] =	ssyncadd.s32 $0xFFFFC000  }
0xeb: {  	[spmem:s1] =	stream.indirect.scatter.add.f32 [tilespmem:s30], [sflag:$0x7], $0x80, s16, s20, $0xb8;
	[tilespmem:$0x14548] =	vst v63  }
0xec: {  	_ = 	snop  }
0xed: {  	[spmem:s2] =	stream.indirect.scatter.add.f32 [tilespmem:s17], [sflag:$0xB], $0x1, s16, s20, $0xb8;
	[tilespmem:$0x14548] =	vst v63  }
0xee: {  	_ =	swait.ge [sflag:s8], $0x4000  }
0xef: {  	[sflag:s8] =	ssyncset.done $0x0  }
0xf0: {  	s9 =	simm.s32 $0x1F80;
	[sflag:s8] =	ssyncadd.s32 $0xFFFFC000  }
0xf1: {  	[spmem:s1] =	stream.indirect.scatter.add.f32 [tilespmem:s0], [sflag:$0x8], $0x80, s9, s20, $0xb8;
	[tilespmem:$0x14548] =	vst v63  }
0xf2: {  	_ = 	snop  }
0xf3: {  	[spmem:s2] =	stream.indirect.scatter.add.f32 [tilespmem:s17], [sflag:$0xC], $0x1, s9, s20, $0xb8;
	[tilespmem:$0x14548] =	vst v63  }
0xf4: {  	_ =	swait.ge [sflag:s25], $0x4000  }
0xf5: {  	[sflag:s25] =	ssyncset.done $0x0  }
0xf6: {  	[sflag:s25] =	ssyncadd.s32 $0xFFFFC000  }
0xf7: {  	_ =	swait.ge [sflag:s24], $0x80  }
0xf8: {  	[sflag:s24] =	ssyncset.done $0x0  }
0xf9: {  	[sflag:s24] =	ssyncadd.s32 $0xFFFFFF80  }
0xfa: {  	_ =	swait.ge [sflag:s6], $0x4000  }
0xfb: {  	[sflag:s6] =	ssyncset.done $0x0  }
0xfc: {  	[sflag:s6] =	ssyncadd.s32 $0xFFFFC000  }
0xfd: {  	_ =	swait.ge [sflag:s7], $0x80  }
0xfe: {  	[sflag:s7] =	ssyncset.done $0x0  }
0xff: {  	[sflag:s7] =	ssyncadd.s32 $0xFFFFFF80  }
0x100: {  	_ =	swait.ge [sflag:s11], $0x4000  }
0x101: {  	[sflag:s11] =	ssyncset.done $0x0  }
0x102: {  	[sflag:s11] =	ssyncadd.s32 $0xFFFFC000  }
0x103: {  	_ =	swait.ge [sflag:s13], $0x80  }
0x104: {  	[sflag:s13] =	ssyncset.done $0x0  }
0x105: {  	[sflag:s13] =	ssyncadd.s32 $0xFFFFFF80  }
0x106: {  	_ =	swait.ge [sflag:s14], $0x4000  }
0x107: {  	[sflag:s14] =	ssyncset.done $0x0  }
0x108: {  	[sflag:s14] =	ssyncadd.s32 $0xFFFFC000  }
0x109: {  	_ =	swait.ge [sflag:s15], $0x80  }
0x10a: {  	[sflag:s15] =	ssyncset.done $0x0  }
0x10b: {  	[sflag:s15] =	ssyncadd.s32 $0xFFFFFF80  }
0x10c: {  	[bflag:$0x0] =	sbarrier.arrive $0xFFFF  }
0x10d: {  	s16 =	rddreg [dreg:$0xa]  }
0x10e: {  	[hbm:s16], [sflag:s10] =	dma.local [spmem:s18], $0x480  }
0x10f: {  	[tilespmem:s26], [sflag:$0xD] =	stream.linear.gather [spmem:s12], $0x48, $0x38;
	[tilespmem:$0x14548] =	vst v63  }
0x110: {  	_ =	swait.ge [sflag:s28], $0x48  }
0x111: {  	[sflag:s28] =	ssyncset.done $0x0  }
0x112: {  	s9 =	rddreg [dreg:$0xb];
	[sflag:s28] =	ssyncadd.s32 $0xFFFFFFB8  }
0x113: {  	[hbm4b:s9+s4] =	stream.linear.scatter [tilespmem:s26], [sflag:$0xD], $0x48, $0x38;
	[tilespmem:$0x14548] =	vst v63  }
0x114: {  	_ =	swait.ge [sflag:s28], $0x48  }
0x115: {  	[sflag:s28] =	ssyncset.done $0x0  }
0x116: {  	[sflag:s28] =	ssyncadd.s32 $0xFFFFFFB8  }
0x117: {  	_ =	swait.ge [sflag:s25], $0x480  }
0x118: {  	s29 =	sadd.s32 $0x1, s29;
	s16 =	rddreg [dreg:$0xc]  }
0x119: {  	p0 =	sne.s32 s29, s16  }
.Ltmp1:
0x11a: {  	_ = 	snop;
	(pc) =	sbr.rel @p0 .LBB2_1-.Ltmp1, $3  }
0x11b: {  	_ =	sdelay $0x1  }
0x11c: {  	[sflag:s25] =	ssyncset.done $0x0  }
0x11d: {  	[sflag:s25] =	ssyncadd.s32 $0xFFFFFB80  }
0x11e: {  	_ =	sfence.sel $0x180000  }
0x11f: {  	[bflag:$0x0] =	sbarrier.arrive $0xFFFF  }
0x120: {  	_ =	strace $0x9000004A  }
0x121: {  	s0 =	stileid.u32;
	[bflag:$0x2] =	sbarrier.arrive $0xFFFF  }
0x122: {  	p0 =	sne.s32 s0, $0x0;
	s0 =	rddreg [dreg:$0x4]  }
0x123: {  	s0 =	sadd.s32 @!p0 $0x100000, s0  }
0x124: {  	[sflag:s0] =	ssyncadd.tile.s32 @!p0 $0x1;
	_ =	shalt  }
.Lfunc_end2:
_tile_overlayer_lowered:
.L_overlay_start_2:
0x125: {  	(tag) =	ssettag $0x2  }
0x126: {  	s0 =	rddreg [dreg:$0x0];
	s2 =	stileid.u32  }
0x127: {  	s1 =	rddreg [dreg:$0x1];
	p0 =	sne.s32 s2, $0x0  }
0x128: {  	s3 =	rddreg [dreg:$0x2];
	[bflag:$0x3] =	sbarrier.arrive $0xFFFF;
	s2 =	simm.s32 @!p0 $0x1C0D  }
0x129: {  	[timem:s3], [sflag:s2] =	dma.local @!p0 [hbm:s0], s1  }
0x12a: {  	s0 =	simm.s32 @!p0 $0xD  }
0x12b: {  	_ =	swait.ge @!p0 [sflag:s0], s1  }
0x12c: {  	s1 =	ssub.s32 @!p0 $0x0, s1;
	[sflag:s0] =	ssyncset.done @!p0 $0x0  }
0x12d: {  	[sflag:s0] =	ssyncadd.s32 @!p0 s1  }
0x12e: {  	[bflag:$0x3] =	sbarrier.arrive $0xFFFF  }
0x12f: {  	_ =	shalt  }

</sc_bundles>
